<compile_context>
chip_gen: v7x
topology: tpu7x:2x2x1
jax: 0.10.2.dev20260603
libtpu: 0.0.44.dev20260713+nightly
codegen_flags: <defaults>
</compile_context>

<pallas_src>
import jax
import jax.numpy as jnp
from jax import lax
from jax.experimental import pallas as pl
from jax.experimental.pallas import tpu as pltpu
from jax.experimental.pallas import tpu_sc as plsc

B = 16384
L = 200
V = 256
D = 128

NUM_CORES = 2
NUM_SUBCORES = 16
NW = NUM_CORES * NUM_SUBCORES
LANES = 16

ROWS_PER_W = B // NW
CHUNK = 64
N_CHUNKS = ROWS_PER_W // CHUNK
GROUPS = CHUNK // LANES


def _hist_body(ids_hbm, lo_hbm, hi_hbm, ids_v0, ids_v1, counts_v0, counts_v1,
               sem_in0, sem_in1, sem_out0, sem_out1):
  wid = lax.axis_index("s") * NUM_CORES + lax.axis_index("c")
  lane = lax.iota(jnp.int32, LANES)
  ones = jnp.ones((LANES,), jnp.float32)
  zeros = jnp.zeros((LANES,), jnp.float32)

  row_vecs = [lane + g * LANES for g in range(GROUPS)]

  ids_vs = (ids_v0, ids_v1)
  counts_vs = (counts_v0, counts_v1)
  sems_in = (sem_in0, sem_in1)
  sems_out = (sem_out0, sem_out1)

  LU = 8

  def cp_in(ci, s):
    row0 = wid * ROWS_PER_W + ci * CHUNK
    return pltpu.make_async_copy(
        ids_hbm.at[pl.ds(row0, CHUNK)], ids_vs[s], sems_in[s])

  def cps_out(ci, s):
    row0 = wid * ROWS_PER_W + ci * CHUNK
    return (
        pltpu.make_async_copy(
            counts_vs[s].at[0], lo_hbm.at[pl.ds(row0, CHUNK)],
            sems_out[s]),
        pltpu.make_async_copy(
            counts_vs[s].at[1], hi_hbm.at[pl.ds(row0, CHUNK)],
            sems_out[s]),
    )

  def histogram(ids_v, counts_v):
    def zero_body(i, c):
      for half in range(2):
        for k in range(D // LANES):
          counts_v[half, i, pl.ds(k * LANES, LANES)] = zeros
      return c

    lax.fori_loop(0, CHUNK, zero_body, 0)

    def do_l(l_scalar, wrap):
      cols = lane + l_scalar
      if wrap:
        cols = jnp.where(cols >= L, cols - L, cols)
      vecs = [plsc.load_gather(ids_v, [row_vecs[g], cols])
              for g in range(GROUPS)]
      for g in range(GROUPS):
        idv = vecs[g]
        plsc.addupdate_scatter(
            counts_v, [idv >> 7, row_vecs[g], idv & 127], ones)

    LMAIN = L - LANES

    def l_body(lo, c):
      for u in range(LU):
        do_l(lo * LU + u, wrap=False)
      return c

    lax.fori_loop(0, LMAIN // LU, l_body, 0)

    def l_tail(lo, c):
      for u in range(LU):
        do_l(LMAIN + lo * LU + u, wrap=True)
      return c

    lax.fori_loop(0, (L - LMAIN) // LU, l_tail, 0)

  cp_in(0, 0).start()
  cp_in(1, 1).start()

  def pair_body(p, carry):
    for k in range(2):
      ci = 2 * p + k
      s = k

      @pl.when(p > 0)
      def _():
        for h in cps_out(ci - 2, s):
          h.wait()

      cp_in(ci, s).wait()
      histogram(ids_vs[s], counts_vs[s])

      @pl.when(p < N_CHUNKS // 2 - 1)
      def _():
        cp_in(ci + 2, s).start()

      for h in cps_out(ci, s):
        h.start()
    return carry

  lax.fori_loop(0, N_CHUNKS // 2, pair_body, 0)
  for h in cps_out(N_CHUNKS - 2, 0):
    h.wait()
  for h in cps_out(N_CHUNKS - 1, 1):
    h.wait()


_hist = pl.kernel(
    _hist_body,
    out_type=(
        jax.ShapeDtypeStruct((B, D), jnp.float32),
        jax.ShapeDtypeStruct((B, D), jnp.float32),
    ),
    mesh=plsc.VectorSubcoreMesh(core_axis_name="c", subcore_axis_name="s",
                                num_cores=NUM_CORES, num_subcores=NUM_SUBCORES),
    scratch_types=[
        pltpu.VMEM((CHUNK, L), jnp.int32),
        pltpu.VMEM((CHUNK, L), jnp.int32),
        pltpu.VMEM((2, CHUNK, D), jnp.float32),
        pltpu.VMEM((2, CHUNK, D), jnp.float32),
        pltpu.SemaphoreType.DMA,
        pltpu.SemaphoreType.DMA,
        pltpu.SemaphoreType.DMA,
        pltpu.SemaphoreType.DMA,
    ],
    compiler_params=pltpu.CompilerParams(needs_layout_passes=False),
)

BR = 8192


def _mlp_body(lo_ref, hi_ref, e_ref, wt_ref, b_ref, out_ref):
  e = e_ref[...]
  pooled = (jnp.dot(lo_ref[...], e[:D, :], preferred_element_type=jnp.float32)
            + jnp.dot(hi_ref[...], e[D:, :],
                      preferred_element_type=jnp.float32)) * (1.0 / L)
  y = jnp.dot(pooled, wt_ref[...], preferred_element_type=jnp.float32)
  y = y + b_ref[...]
  out_ref[...] = 0.5 * y * (1.0 + lax.erf(y * (2.0 ** -0.5)))


_mlp = pl.pallas_call(
    _mlp_body,
    grid=(B // BR,),
    in_specs=[
        pl.BlockSpec((BR, D), lambda i: (i, 0)),
        pl.BlockSpec((BR, D), lambda i: (i, 0)),
        pl.BlockSpec((V, D), lambda i: (0, 0)),
        pl.BlockSpec((D, D), lambda i: (0, 0)),
        pl.BlockSpec((1, D), lambda i: (0, 0)),
    ],
    out_specs=pl.BlockSpec((BR, D), lambda i: (i, 0)),
    out_shape=jax.ShapeDtypeStruct((B, D), jnp.float32),
)


def kernel(ids, char_embed, W, b):
  counts_lo, counts_hi = _hist(ids.astype(jnp.int32))
  return _mlp(counts_lo, counts_hi, char_embed, W.T, b.reshape(1, D))

# --- scband reference (transcript-rebuilt; emitter-appended) ---
"""Pipeline reference for scband-mlpembedder-8907762171975 (READ-ONLY COPY).

The authoritative reference and input builder live on the scoring server;
editing this copy changes nothing except your own understanding.
"""

import jax, jax.numpy as jnp
import numpy as np

B = 16384
L = 200
VOCAB = 256
EMBED_DIM = 128
OUT_DIM = 128

def setup_inputs(seed: int = 0) -> dict:
    key = jax.random.key(seed)
    k1, k2, k3, k4 = jax.random.split(key, 4)
    ids = jax.random.randint(k1, (B, L), 0, VOCAB, dtype=jnp.int64) if jax.config.jax_enable_x64 else jax.random.randint(k1, (B, L), 0, VOCAB, dtype=jnp.int32)
    char_embed = jax.random.normal(k2, (VOCAB, EMBED_DIM), dtype=jnp.float32) * 0.02
    W = jax.random.normal(k3, (OUT_DIM, EMBED_DIM), dtype=jnp.float32) * (1.0 / np.sqrt(EMBED_DIM))
    b = jax.random.normal(k4, (OUT_DIM,), dtype=jnp.float32) * 0.01
    return {"ids": ids, "char_embed": char_embed, "W": W, "b": b}

def reference(ids, char_embed, W, b):
    # char-level embedding gather: [B, L, EMBED_DIM]
    char_embeddings = jnp.take(char_embed, ids, axis=0)
    # mean pool over character/sequence dim -> [B, EMBED_DIM]
    pooled = char_embeddings.mean(axis=1)
    # Linear + exact (erf-based) GELU, matching torch nn.GELU default
    text_embedding = jax.nn.gelu(pooled @ W.T + b, approximate=False)
    return text_embedding

if __name__ == "__main__":
    import jax
    _d = setup_inputs()
    print(jax.jit(kernel)(*tuple(_d.values())))

</pallas_src>

<mosaic_0001>
#map = affine_map<(d0, d1) -> (0, 0)>
module attributes {stable_mosaic.version = 14 : i64} {
  func.func @_hist_body(%arg0: i32, %arg1: i32, %arg2: memref<16384x200xi32, #tpu.memory_space<hbm>>, %arg3: memref<16384x128xf32, #tpu.memory_space<hbm>>, %arg4: memref<16384x128xf32, #tpu.memory_space<hbm>>, %arg5: memref<64x200xi32, #tpu.memory_space<vmem>>, %arg6: memref<64x200xi32, #tpu.memory_space<vmem>>, %arg7: memref<2x64x128xf32, #tpu.memory_space<vmem>>, %arg8: memref<2x64x128xf32, #tpu.memory_space<vmem>>, %arg9: memref<!tpu.dma_semaphore, #tpu.memory_space<semaphore_mem>>, %arg10: memref<!tpu.dma_semaphore, #tpu.memory_space<semaphore_mem>>, %arg11: memref<!tpu.dma_semaphore, #tpu.memory_space<semaphore_mem>>, %arg12: memref<!tpu.dma_semaphore, #tpu.memory_space<semaphore_mem>>) attributes {dimension_semantics = [#tpu.dimension_semantics<core_parallel>, #tpu.dimension_semantics<subcore_parallel>], iteration_bounds = array<i64: 2, 16>, scalar_prefetch = 0 : i64, scratch_operands = 8 : i64, tpu.core_type = #tpu.core_type<sc_vector_subcore>, window_params = [{transform_indices = #map}, {transform_indices = #map}, {transform_indices = #map}]} {
    %mul3A = arith.constant 2 : i32
    %mul3A_0 = arith.muli %arg1, %mul3A : i32
    %add3A = arith.addi %mul3A_0, %arg0 : i32
    %iota3A = tpu.iota {dimensions = array<i32: 0>} : vector<16xi32>
    %broadcast_in_dim3A = arith.constant 1.000000e+00 : f32
    %broadcast_in_dim3A_1 = vector.broadcast %broadcast_in_dim3A : f32 to vector<16xf32>
    %broadcast_in_dim3A_2 = arith.constant 0.000000e+00 : f32
    %broadcast_in_dim3A_3 = vector.broadcast %broadcast_in_dim3A_2 : f32 to vector<16xf32>
    %add3A_4 = arith.constant 0 : i32
    %add3A_5 = vector.broadcast %add3A_4 : i32 to vector<16xi32>
    %add3A_6 = arith.addi %iota3A, %add3A_5 : vector<16xi32>
    %add3A_7 = arith.constant 16 : i32
    %add3A_8 = vector.broadcast %add3A_7 : i32 to vector<16xi32>
    %add3A_9 = arith.addi %iota3A, %add3A_8 : vector<16xi32>
    %add3A_10 = arith.constant 32 : i32
    %add3A_11 = vector.broadcast %add3A_10 : i32 to vector<16xi32>
    %add3A_12 = arith.addi %iota3A, %add3A_11 : vector<16xi32>
    %add3A_13 = arith.constant 48 : i32
    %add3A_14 = vector.broadcast %add3A_13 : i32 to vector<16xi32>
    %add3A_15 = arith.addi %iota3A, %add3A_14 : vector<16xi32>
    %mul3A_16 = arith.constant 512 : i32
    %mul3A_17 = arith.muli %add3A, %mul3A_16 : i32
    %add3A_18 = arith.constant 0 : i32
    %add3A_19 = arith.addi %mul3A_17, %add3A_18 : i32
    %dma_start3A = arith.constant 0 : i32
    %dma_start3A_20 = tpu.memref_slice %arg2[%add3A_19, %dma_start3A] : memref<16384x200xi32, #tpu.memory_space<hbm>> -> memref<64x200xi32, #tpu.memory_space<hbm>>
    %dma_start3A_21 = arith.constant 0 : i32
    %dma_start3A_22 = tpu.memref_slice %arg2[%add3A_19, %dma_start3A_21] : memref<16384x200xi32, #tpu.memory_space<hbm>> -> memref<64x200xi32, #tpu.memory_space<hbm>>
    tpu.enqueue_dma source(%dma_start3A_22 : memref<64x200xi32, #tpu.memory_space<hbm>>) target(%arg5 : memref<64x200xi32, #tpu.memory_space<vmem>>) target_semaphore(%arg9 : memref<!tpu.dma_semaphore, #tpu.memory_space<semaphore_mem>>)
    %mul3A_23 = arith.constant 512 : i32
    %mul3A_24 = arith.muli %add3A, %mul3A_23 : i32
    %add3A_25 = arith.constant 64 : i32
    %add3A_26 = arith.addi %mul3A_24, %add3A_25 : i32
    %dma_start3A_27 = arith.constant 0 : i32
    %dma_start3A_28 = tpu.memref_slice %arg2[%add3A_26, %dma_start3A_27] : memref<16384x200xi32, #tpu.memory_space<hbm>> -> memref<64x200xi32, #tpu.memory_space<hbm>>
    %dma_start3A_29 = arith.constant 0 : i32
    %dma_start3A_30 = tpu.memref_slice %arg2[%add3A_26, %dma_start3A_29] : memref<16384x200xi32, #tpu.memory_space<hbm>> -> memref<64x200xi32, #tpu.memory_space<hbm>>
    tpu.enqueue_dma source(%dma_start3A_30 : memref<64x200xi32, #tpu.memory_space<hbm>>) target(%arg6 : memref<64x200xi32, #tpu.memory_space<vmem>>) target_semaphore(%arg10 : memref<!tpu.dma_semaphore, #tpu.memory_space<semaphore_mem>>)
    %scan3A = arith.constant 0 : i32
    %scan3A_31 = arith.constant 0 : i32
    %scan3A_32 = arith.constant 4 : i32
    %scan3A_33 = arith.addi %scan3A_31, %scan3A_32 : i32
    %scan3A_34 = arith.constant 1 : i32
    scf.for %scan3A_95 = %scan3A_31 to %scan3A_33 step %scan3A_34  : i32 {
      %mul3A_96 = arith.constant 2 : i32
      %mul3A_97 = arith.muli %mul3A_96, %scan3A_95 : i32
      %add3A_98 = arith.constant 0 : i32
      %add3A_99 = arith.addi %mul3A_97, %add3A_98 : i32
      %gt3A = arith.constant 0 : i32
      %gt3A_100 = arith.cmpi sgt, %scan3A_95, %gt3A : i32
      %convert_element_type3A = arith.extui %gt3A_100 : i1 to i32
      %cond3A = arith.constant 0 : i32
      %cond3A_101 = arith.cmpi ne, %convert_element_type3A, %cond3A : i32
      scf.if %cond3A_101 {
        %sub3A = arith.constant 2 : i32
        %sub3A_236 = arith.subi %add3A_99, %sub3A : i32
        %mul3A_237 = arith.constant 512 : i32
        %mul3A_238 = arith.muli %add3A, %mul3A_237 : i32
        %mul3A_239 = arith.constant 64 : i32
        %mul3A_240 = arith.muli %sub3A_236, %mul3A_239 : i32
        %add3A_241 = arith.addi %mul3A_238, %mul3A_240 : i32
        %dma_wait3A_242 = arith.constant 0 : i32
        %dma_wait3A_243 = arith.constant 0 : i32
        %dma_wait3A_244 = arith.constant 0 : i32
        %dma_wait3A_245 = tpu.memref_slice %arg7[%dma_wait3A_242, %dma_wait3A_243, %dma_wait3A_244] : memref<2x64x128xf32, #tpu.memory_space<vmem>> -> memref<1x64x128xf32, #tpu.memory_space<vmem>>
        %dma_wait3A_246 = tpu.memref_squeeze %dma_wait3A_245 : memref<1x64x128xf32, #tpu.memory_space<vmem>> -> memref<64x128xf32, #tpu.memory_space<vmem>>
        %dma_wait3A_247 = arith.constant 0 : i32
        %dma_wait3A_248 = tpu.memref_slice %arg3[%add3A_241, %dma_wait3A_247] : memref<16384x128xf32, #tpu.memory_space<hbm>> -> memref<64x128xf32, #tpu.memory_space<hbm>>
        %dma_wait3A_249 = arith.constant 0 : i32
        %dma_wait3A_250 = tpu.memref_slice %arg3[%add3A_241, %dma_wait3A_249] : memref<16384x128xf32, #tpu.memory_space<hbm>> -> memref<64x128xf32, #tpu.memory_space<hbm>>
        %dma_wait3A_251 = arith.constant 0 : i32
        %dma_wait3A_252 = arith.constant 0 : i32
        %dma_wait3A_253 = tpu.memref_slice %arg7[%dma_wait3A_242, %dma_wait3A_251, %dma_wait3A_252] : memref<2x64x128xf32, #tpu.memory_space<vmem>> -> memref<1x64x128xf32, #tpu.memory_space<vmem>>
        %dma_wait3A_254 = tpu.memref_squeeze %dma_wait3A_253 : memref<1x64x128xf32, #tpu.memory_space<vmem>> -> memref<64x128xf32, #tpu.memory_space<vmem>>
        tpu.wait_dma2 semaphore(%arg11 : memref<!tpu.dma_semaphore, #tpu.memory_space<semaphore_mem>>) src(%dma_wait3A_254 : memref<64x128xf32, #tpu.memory_space<vmem>>) dst(%dma_wait3A_250 : memref<64x128xf32, #tpu.memory_space<hbm>>)
        %dma_wait3A_255 = arith.constant 1 : i32
        %dma_wait3A_256 = arith.constant 0 : i32
        %dma_wait3A_257 = arith.constant 0 : i32
        %dma_wait3A_258 = tpu.memref_slice %arg7[%dma_wait3A_255, %dma_wait3A_256, %dma_wait3A_257] : memref<2x64x128xf32, #tpu.memory_space<vmem>> -> memref<1x64x128xf32, #tpu.memory_space<vmem>>
        %dma_wait3A_259 = tpu.memref_squeeze %dma_wait3A_258 : memref<1x64x128xf32, #tpu.memory_space<vmem>> -> memref<64x128xf32, #tpu.memory_space<vmem>>
        %dma_wait3A_260 = arith.constant 0 : i32
        %dma_wait3A_261 = tpu.memref_slice %arg4[%add3A_241, %dma_wait3A_260] : memref<16384x128xf32, #tpu.memory_space<hbm>> -> memref<64x128xf32, #tpu.memory_space<hbm>>
        %dma_wait3A_262 = arith.constant 0 : i32
        %dma_wait3A_263 = tpu.memref_slice %arg4[%add3A_241, %dma_wait3A_262] : memref<16384x128xf32, #tpu.memory_space<hbm>> -> memref<64x128xf32, #tpu.memory_space<hbm>>
        %dma_wait3A_264 = arith.constant 0 : i32
        %dma_wait3A_265 = arith.constant 0 : i32
        %dma_wait3A_266 = tpu.memref_slice %arg7[%dma_wait3A_255, %dma_wait3A_264, %dma_wait3A_265] : memref<2x64x128xf32, #tpu.memory_space<vmem>> -> memref<1x64x128xf32, #tpu.memory_space<vmem>>
        %dma_wait3A_267 = tpu.memref_squeeze %dma_wait3A_266 : memref<1x64x128xf32, #tpu.memory_space<vmem>> -> memref<64x128xf32, #tpu.memory_space<vmem>>
        tpu.wait_dma2 semaphore(%arg11 : memref<!tpu.dma_semaphore, #tpu.memory_space<semaphore_mem>>) src(%dma_wait3A_267 : memref<64x128xf32, #tpu.memory_space<vmem>>) dst(%dma_wait3A_263 : memref<64x128xf32, #tpu.memory_space<hbm>>)
      } else {
      }
      %mul3A_102 = arith.constant 512 : i32
      %mul3A_103 = arith.muli %add3A, %mul3A_102 : i32
      %mul3A_104 = arith.constant 64 : i32
      %mul3A_105 = arith.muli %add3A_99, %mul3A_104 : i32
      %add3A_106 = arith.addi %mul3A_103, %mul3A_105 : i32
      %dma_wait3A_107 = arith.constant 0 : i32
      %dma_wait3A_108 = tpu.memref_slice %arg2[%add3A_106, %dma_wait3A_107] : memref<16384x200xi32, #tpu.memory_space<hbm>> -> memref<64x200xi32, #tpu.memory_space<hbm>>
      %dma_wait3A_109 = arith.constant 0 : i32
      %dma_wait3A_110 = tpu.memref_slice %arg2[%add3A_106, %dma_wait3A_109] : memref<16384x200xi32, #tpu.memory_space<hbm>> -> memref<64x200xi32, #tpu.memory_space<hbm>>
      tpu.wait_dma2 semaphore(%arg9 : memref<!tpu.dma_semaphore, #tpu.memory_space<semaphore_mem>>) src(%dma_wait3A_110 : memref<64x200xi32, #tpu.memory_space<hbm>>) dst(%arg5 : memref<64x200xi32, #tpu.memory_space<vmem>>)
      %scan3A_111 = arith.constant 0 : i32
      %scan3A_112 = arith.constant 0 : i32
      %scan3A_113 = arith.constant 64 : i32
      %scan3A_114 = arith.addi %scan3A_112, %scan3A_113 : i32
      %scan3A_115 = arith.constant 1 : i32
      scf.for %scan3A_236 = %scan3A_112 to %scan3A_114 step %scan3A_115  : i32 {
        %swap3A = arith.constant 0 : i32
        %swap3A_237 = arith.index_cast %swap3A : i32 to index
        %swap3A_238 = arith.index_cast %scan3A_236 : i32 to index
        %swap3A_239 = arith.constant 0 : index
        %swap3A_240 = tpu.vector_load %arg7[%swap3A_237, %swap3A_238, %swap3A_239] {strides = array<i32>} : memref<2x64x128xf32, #tpu.memory_space<vmem>>, vector<16xf32>,
        tpu.vector_store %arg7[%swap3A_237, %swap3A_238, %swap3A_239], %broadcast_in_dim3A_3 {strides = array<i32>} : memref<2x64x128xf32, #tpu.memory_space<vmem>>, vector<16xf32>,
        %swap3A_241 = arith.constant 0 : i32
        %swap3A_242 = arith.index_cast %swap3A_241 : i32 to index
        %swap3A_243 = arith.index_cast %scan3A_236 : i32 to index
        %swap3A_244 = arith.constant 16 : index
        %swap3A_245 = tpu.vector_load %arg7[%swap3A_242, %swap3A_243, %swap3A_244] {strides = array<i32>} : memref<2x64x128xf32, #tpu.memory_space<vmem>>, vector<16xf32>,
        tpu.vector_store %arg7[%swap3A_242, %swap3A_243, %swap3A_244], %broadcast_in_dim3A_3 {strides = array<i32>} : memref<2x64x128xf32, #tpu.memory_space<vmem>>, vector<16xf32>,
        %swap3A_246 = arith.constant 0 : i32
        %swap3A_247 = arith.index_cast %swap3A_246 : i32 to index
        %swap3A_248 = arith.index_cast %scan3A_236 : i32 to index
        %swap3A_249 = arith.constant 32 : index
        %swap3A_250 = tpu.vector_load %arg7[%swap3A_247, %swap3A_248, %swap3A_249] {strides = array<i32>} : memref<2x64x128xf32, #tpu.memory_space<vmem>>, vector<16xf32>,
        tpu.vector_store %arg7[%swap3A_247, %swap3A_248, %swap3A_249], %broadcast_in_dim3A_3 {strides = array<i32>} : memref<2x64x128xf32, #tpu.memory_space<vmem>>, vector<16xf32>,
        %swap3A_251 = arith.constant 0 : i32
        %swap3A_252 = arith.index_cast %swap3A_251 : i32 to index
        %swap3A_253 = arith.index_cast %scan3A_236 : i32 to index
        %swap3A_254 = arith.constant 48 : index
        %swap3A_255 = tpu.vector_load %arg7[%swap3A_252, %swap3A_253, %swap3A_254] {strides = array<i32>} : memref<2x64x128xf32, #tpu.memory_space<vmem>>, vector<16xf32>,
        tpu.vector_store %arg7[%swap3A_252, %swap3A_253, %swap3A_254], %broadcast_in_dim3A_3 {strides = array<i32>} : memref<2x64x128xf32, #tpu.memory_space<vmem>>, vector<16xf32>,
        %swap3A_256 = arith.constant 0 : i32
        %swap3A_257 = arith.index_cast %swap3A_256 : i32 to index
        %swap3A_258 = arith.index_cast %scan3A_236 : i32 to index
        %swap3A_259 = arith.constant 64 : index
        %swap3A_260 = tpu.vector_load %arg7[%swap3A_257, %swap3A_258, %swap3A_259] {strides = array<i32>} : memref<2x64x128xf32, #tpu.memory_space<vmem>>, vector<16xf32>,
        tpu.vector_store %arg7[%swap3A_257, %swap3A_258, %swap3A_259], %broadcast_in_dim3A_3 {strides = array<i32>} : memref<2x64x128xf32, #tpu.memory_space<vmem>>, vector<16xf32>,
        %swap3A_261 = arith.constant 0 : i32
        %swap3A_262 = arith.index_cast %swap3A_261 : i32 to index
        %swap3A_263 = arith.index_cast %scan3A_236 : i32 to index
        %swap3A_264 = arith.constant 80 : index
        %swap3A_265 = tpu.vector_load %arg7[%swap3A_262, %swap3A_263, %swap3A_264] {strides = array<i32>} : memref<2x64x128xf32, #tpu.memory_space<vmem>>, vector<16xf32>,
        tpu.vector_store %arg7[%swap3A_262, %swap3A_263, %swap3A_264], %broadcast_in_dim3A_3 {strides = array<i32>} : memref<2x64x128xf32, #tpu.memory_space<vmem>>, vector<16xf32>,
        %swap3A_266 = arith.constant 0 : i32
        %swap3A_267 = arith.index_cast %swap3A_266 : i32 to index
        %swap3A_268 = arith.index_cast %scan3A_236 : i32 to index
        %swap3A_269 = arith.constant 96 : index
        %swap3A_270 = tpu.vector_load %arg7[%swap3A_267, %swap3A_268, %swap3A_269] {strides = array<i32>} : memref<2x64x128xf32, #tpu.memory_space<vmem>>, vector<16xf32>,
        tpu.vector_store %arg7[%swap3A_267, %swap3A_268, %swap3A_269], %broadcast_in_dim3A_3 {strides = array<i32>} : memref<2x64x128xf32, #tpu.memory_space<vmem>>, vector<16xf32>,
        %swap3A_271 = arith.constant 0 : i32
        %swap3A_272 = arith.index_cast %swap3A_271 : i32 to index
        %swap3A_273 = arith.index_cast %scan3A_236 : i32 to index
        %swap3A_274 = arith.constant 112 : index
        %swap3A_275 = tpu.vector_load %arg7[%swap3A_272, %swap3A_273, %swap3A_274] {strides = array<i32>} : memref<2x64x128xf32, #tpu.memory_space<vmem>>, vector<16xf32>,
        tpu.vector_store %arg7[%swap3A_272, %swap3A_273, %swap3A_274], %broadcast_in_dim3A_3 {strides = array<i32>} : memref<2x64x128xf32, #tpu.memory_space<vmem>>, vector<16xf32>,
        %swap3A_276 = arith.constant 1 : i32
        %swap3A_277 = arith.index_cast %swap3A_276 : i32 to index
        %swap3A_278 = arith.index_cast %scan3A_236 : i32 to index
        %swap3A_279 = arith.constant 0 : index
        %swap3A_280 = tpu.vector_load %arg7[%swap3A_277, %swap3A_278, %swap3A_279] {strides = array<i32>} : memref<2x64x128xf32, #tpu.memory_space<vmem>>, vector<16xf32>,
        tpu.vector_store %arg7[%swap3A_277, %swap3A_278, %swap3A_279], %broadcast_in_dim3A_3 {strides = array<i32>} : memref<2x64x128xf32, #tpu.memory_space<vmem>>, vector<16xf32>,
        %swap3A_281 = arith.constant 1 : i32
        %swap3A_282 = arith.index_cast %swap3A_281 : i32 to index
        %swap3A_283 = arith.index_cast %scan3A_236 : i32 to index
        %swap3A_284 = arith.constant 16 : index
        %swap3A_285 = tpu.vector_load %arg7[%swap3A_282, %swap3A_283, %swap3A_284] {strides = array<i32>} : memref<2x64x128xf32, #tpu.memory_space<vmem>>, vector<16xf32>,
        tpu.vector_store %arg7[%swap3A_282, %swap3A_283, %swap3A_284], %broadcast_in_dim3A_3 {strides = array<i32>} : memref<2x64x128xf32, #tpu.memory_space<vmem>>, vector<16xf32>,
        %swap3A_286 = arith.constant 1 : i32
        %swap3A_287 = arith.index_cast %swap3A_286 : i32 to index
        %swap3A_288 = arith.index_cast %scan3A_236 : i32 to index
        %swap3A_289 = arith.constant 32 : index
        %swap3A_290 = tpu.vector_load %arg7[%swap3A_287, %swap3A_288, %swap3A_289] {strides = array<i32>} : memref<2x64x128xf32, #tpu.memory_space<vmem>>, vector<16xf32>,
        tpu.vector_store %arg7[%swap3A_287, %swap3A_288, %swap3A_289], %broadcast_in_dim3A_3 {strides = array<i32>} : memref<2x64x128xf32, #tpu.memory_space<vmem>>, vector<16xf32>,
        %swap3A_291 = arith.constant 1 : i32
        %swap3A_292 = arith.index_cast %swap3A_291 : i32 to index
        %swap3A_293 = arith.index_cast %scan3A_236 : i32 to index
        %swap3A_294 = arith.constant 48 : index
        %swap3A_295 = tpu.vector_load %arg7[%swap3A_292, %swap3A_293, %swap3A_294] {strides = array<i32>} : memref<2x64x128xf32, #tpu.memory_space<vmem>>, vector<16xf32>,
        tpu.vector_store %arg7[%swap3A_292, %swap3A_293, %swap3A_294], %broadcast_in_dim3A_3 {strides = array<i32>} : memref<2x64x128xf32, #tpu.memory_space<vmem>>, vector<16xf32>,
        %swap3A_296 = arith.constant 1 : i32
        %swap3A_297 = arith.index_cast %swap3A_296 : i32 to index
        %swap3A_298 = arith.index_cast %scan3A_236 : i32 to index
        %swap3A_299 = arith.constant 64 : index
        %swap3A_300 = tpu.vector_load %arg7[%swap3A_297, %swap3A_298, %swap3A_299] {strides = array<i32>} : memref<2x64x128xf32, #tpu.memory_space<vmem>>, vector<16xf32>,
        tpu.vector_store %arg7[%swap3A_297, %swap3A_298, %swap3A_299], %broadcast_in_dim3A_3 {strides = array<i32>} : memref<2x64x128xf32, #tpu.memory_space<vmem>>, vector<16xf32>,
        %swap3A_301 = arith.constant 1 : i32
        %swap3A_302 = arith.index_cast %swap3A_301 : i32 to index
        %swap3A_303 = arith.index_cast %scan3A_236 : i32 to index
        %swap3A_304 = arith.constant 80 : index
        %swap3A_305 = tpu.vector_load %arg7[%swap3A_302, %swap3A_303, %swap3A_304] {strides = array<i32>} : memref<2x64x128xf32, #tpu.memory_space<vmem>>, vector<16xf32>,
        tpu.vector_store %arg7[%swap3A_302, %swap3A_303, %swap3A_304], %broadcast_in_dim3A_3 {strides = array<i32>} : memref<2x64x128xf32, #tpu.memory_space<vmem>>, vector<16xf32>,
        %swap3A_306 = arith.constant 1 : i32
        %swap3A_307 = arith.index_cast %swap3A_306 : i32 to index
        %swap3A_308 = arith.index_cast %scan3A_236 : i32 to index
        %swap3A_309 = arith.constant 96 : index
        %swap3A_310 = tpu.vector_load %arg7[%swap3A_307, %swap3A_308, %swap3A_309] {strides = array<i32>} : memref<2x64x128xf32, #tpu.memory_space<vmem>>, vector<16xf32>,
        tpu.vector_store %arg7[%swap3A_307, %swap3A_308, %swap3A_309], %broadcast_in_dim3A_3 {strides = array<i32>} : memref<2x64x128xf32, #tpu.memory_space<vmem>>, vector<16xf32>,
        %swap3A_311 = arith.constant 1 : i32
        %swap3A_312 = arith.index_cast %swap3A_311 : i32 to index
        %swap3A_313 = arith.index_cast %scan3A_236 : i32 to index
        %swap3A_314 = arith.constant 112 : index
        %swap3A_315 = tpu.vector_load %arg7[%swap3A_312, %swap3A_313, %swap3A_314] {strides = array<i32>} : memref<2x64x128xf32, #tpu.memory_space<vmem>>, vector<16xf32>,
        tpu.vector_store %arg7[%swap3A_312, %swap3A_313, %swap3A_314], %broadcast_in_dim3A_3 {strides = array<i32>} : memref<2x64x128xf32, #tpu.memory_space<vmem>>, vector<16xf32>,
      }
      %scan3A_116 = arith.constant 64 : i32
      %scan3A_117 = arith.constant 0 : i32
      %scan3A_118 = arith.constant 0 : i32
      %scan3A_119 = arith.constant 23 : i32
      %scan3A_120 = arith.addi %scan3A_118, %scan3A_119 : i32
      %scan3A_121 = arith.constant 1 : i32
      scf.for %scan3A_236 = %scan3A_118 to %scan3A_120 step %scan3A_121  : i32 {
        %mul3A_237 = arith.constant 8 : i32
        %mul3A_238 = arith.muli %scan3A_236, %mul3A_237 : i32
        %add3A_239 = arith.constant 0 : i32
        %add3A_240 = arith.addi %mul3A_238, %add3A_239 : i32
        %add3A_241 = vector.broadcast %add3A_240 : i32 to vector<16xi32>
        %add3A_242 = arith.addi %iota3A, %add3A_241 : vector<16xi32>
        %gather3A = tpu.vector_load_idx %arg5[%add3A_6, %add3A_242] : memref<64x200xi32, #tpu.memory_space<vmem>>[vector<16xi32>, vector<16xi32>], vector<16xi32>,
        %gather3A_243 = tpu.vector_load_idx %arg5[%add3A_9, %add3A_242] : memref<64x200xi32, #tpu.memory_space<vmem>>[vector<16xi32>, vector<16xi32>], vector<16xi32>,
        %gather3A_244 = tpu.vector_load_idx %arg5[%add3A_12, %add3A_242] : memref<64x200xi32, #tpu.memory_space<vmem>>[vector<16xi32>, vector<16xi32>], vector<16xi32>,
        %gather3A_245 = tpu.vector_load_idx %arg5[%add3A_15, %add3A_242] : memref<64x200xi32, #tpu.memory_space<vmem>>[vector<16xi32>, vector<16xi32>], vector<16xi32>,
        %shift_right_arithmetic3A = arith.constant 7 : i32
        %shift_right_arithmetic3A_246 = vector.broadcast %shift_right_arithmetic3A : i32 to vector<16xi32>
        %shift_right_arithmetic3A_247 = arith.shrsi %gather3A, %shift_right_arithmetic3A_246 : vector<16xi32>
        %and3A = arith.constant 127 : i32
        %and3A_248 = vector.broadcast %and3A : i32 to vector<16xi32>
        %and3A_249 = arith.andi %gather3A, %and3A_248 : vector<16xi32>
        tpu.vector_store_idx %arg7[%shift_right_arithmetic3A_247, %add3A_6, %and3A_249], %broadcast_in_dim3A_1 {add = true} : memref<2x64x128xf32, #tpu.memory_space<vmem>>[vector<16xi32>, vector<16xi32>, vector<16xi32>], vector<16xf32>,
        %shift_right_arithmetic3A_250 = arith.constant 7 : i32
        %shift_right_arithmetic3A_251 = vector.broadcast %shift_right_arithmetic3A_250 : i32 to vector<16xi32>
        %shift_right_arithmetic3A_252 = arith.shrsi %gather3A_243, %shift_right_arithmetic3A_251 : vector<16xi32>
        %and3A_253 = arith.constant 127 : i32
        %and3A_254 = vector.broadcast %and3A_253 : i32 to vector<16xi32>
        %and3A_255 = arith.andi %gather3A_243, %and3A_254 : vector<16xi32>
        tpu.vector_store_idx %arg7[%shift_right_arithmetic3A_252, %add3A_9, %and3A_255], %broadcast_in_dim3A_1 {add = true} : memref<2x64x128xf32, #tpu.memory_space<vmem>>[vector<16xi32>, vector<16xi32>, vector<16xi32>], vector<16xf32>,
        %shift_right_arithmetic3A_256 = arith.constant 7 : i32
        %shift_right_arithmetic3A_257 = vector.broadcast %shift_right_arithmetic3A_256 : i32 to vector<16xi32>
        %shift_right_arithmetic3A_258 = arith.shrsi %gather3A_244, %shift_right_arithmetic3A_257 : vector<16xi32>
        %and3A_259 = arith.constant 127 : i32
        %and3A_260 = vector.broadcast %and3A_259 : i32 to vector<16xi32>
        %and3A_261 = arith.andi %gather3A_244, %and3A_260 : vector<16xi32>
        tpu.vector_store_idx %arg7[%shift_right_arithmetic3A_258, %add3A_12, %and3A_261], %broadcast_in_dim3A_1 {add = true} : memref<2x64x128xf32, #tpu.memory_space<vmem>>[vector<16xi32>, vector<16xi32>, vector<16xi32>], vector<16xf32>,
        %shift_right_arithmetic3A_262 = arith.constant 7 : i32
        %shift_right_arithmetic3A_263 = vector.broadcast %shift_right_arithmetic3A_262 : i32 to vector<16xi32>
        %shift_right_arithmetic3A_264 = arith.shrsi %gather3A_245, %shift_right_arithmetic3A_263 : vector<16xi32>
        %and3A_265 = arith.constant 127 : i32
        %and3A_266 = vector.broadcast %and3A_265 : i32 to vector<16xi32>
        %and3A_267 = arith.andi %gather3A_245, %and3A_266 : vector<16xi32>
        tpu.vector_store_idx %arg7[%shift_right_arithmetic3A_264, %add3A_15, %and3A_267], %broadcast_in_dim3A_1 {add = true} : memref<2x64x128xf32, #tpu.memory_space<vmem>>[vector<16xi32>, vector<16xi32>, vector<16xi32>], vector<16xf32>,
        %mul3A_268 = arith.constant 8 : i32
        %mul3A_269 = arith.muli %scan3A_236, %mul3A_268 : i32
        %add3A_270 = arith.constant 1 : i32
        %add3A_271 = arith.addi %mul3A_269, %add3A_270 : i32
        %add3A_272 = vector.broadcast %add3A_271 : i32 to vector<16xi32>
        %add3A_273 = arith.addi %iota3A, %add3A_272 : vector<16xi32>
        %gather3A_274 = tpu.vector_load_idx %arg5[%add3A_6, %add3A_273] : memref<64x200xi32, #tpu.memory_space<vmem>>[vector<16xi32>, vector<16xi32>], vector<16xi32>,
        %gather3A_275 = tpu.vector_load_idx %arg5[%add3A_9, %add3A_273] : memref<64x200xi32, #tpu.memory_space<vmem>>[vector<16xi32>, vector<16xi32>], vector<16xi32>,
        %gather3A_276 = tpu.vector_load_idx %arg5[%add3A_12, %add3A_273] : memref<64x200xi32, #tpu.memory_space<vmem>>[vector<16xi32>, vector<16xi32>], vector<16xi32>,
        %gather3A_277 = tpu.vector_load_idx %arg5[%add3A_15, %add3A_273] : memref<64x200xi32, #tpu.memory_space<vmem>>[vector<16xi32>, vector<16xi32>], vector<16xi32>,
        %shift_right_arithmetic3A_278 = arith.constant 7 : i32
        %shift_right_arithmetic3A_279 = vector.broadcast %shift_right_arithmetic3A_278 : i32 to vector<16xi32>
        %shift_right_arithmetic3A_280 = arith.shrsi %gather3A_274, %shift_right_arithmetic3A_279 : vector<16xi32>
        %and3A_281 = arith.constant 127 : i32
        %and3A_282 = vector.broadcast %and3A_281 : i32 to vector<16xi32>
        %and3A_283 = arith.andi %gather3A_274, %and3A_282 : vector<16xi32>
        tpu.vector_store_idx %arg7[%shift_right_arithmetic3A_280, %add3A_6, %and3A_283], %broadcast_in_dim3A_1 {add = true} : memref<2x64x128xf32, #tpu.memory_space<vmem>>[vector<16xi32>, vector<16xi32>, vector<16xi32>], vector<16xf32>,
        %shift_right_arithmetic3A_284 = arith.constant 7 : i32
        %shift_right_arithmetic3A_285 = vector.broadcast %shift_right_arithmetic3A_284 : i32 to vector<16xi32>
        %shift_right_arithmetic3A_286 = arith.shrsi %gather3A_275, %shift_right_arithmetic3A_285 : vector<16xi32>
        %and3A_287 = arith.constant 127 : i32
        %and3A_288 = vector.broadcast %and3A_287 : i32 to vector<16xi32>
        %and3A_289 = arith.andi %gather3A_275, %and3A_288 : vector<16xi32>
        tpu.vector_store_idx %arg7[%shift_right_arithmetic3A_286, %add3A_9, %and3A_289], %broadcast_in_dim3A_1 {add = true} : memref<2x64x128xf32, #tpu.memory_space<vmem>>[vector<16xi32>, vector<16xi32>, vector<16xi32>], vector<16xf32>,
        %shift_right_arithmetic3A_290 = arith.constant 7 : i32
        %shift_right_arithmetic3A_291 = vector.broadcast %shift_right_arithmetic3A_290 : i32 to vector<16xi32>
        %shift_right_arithmetic3A_292 = arith.shrsi %gather3A_276, %shift_right_arithmetic3A_291 : vector<16xi32>
        %and3A_293 = arith.constant 127 : i32
        %and3A_294 = vector.broadcast %and3A_293 : i32 to vector<16xi32>
        %and3A_295 = arith.andi %gather3A_276, %and3A_294 : vector<16xi32>
        tpu.vector_store_idx %arg7[%shift_right_arithmetic3A_292, %add3A_12, %and3A_295], %broadcast_in_dim3A_1 {add = true} : memref<2x64x128xf32, #tpu.memory_space<vmem>>[vector<16xi32>, vector<16xi32>, vector<16xi32>], vector<16xf32>,
        %shift_right_arithmetic3A_296 = arith.constant 7 : i32
        %shift_right_arithmetic3A_297 = vector.broadcast %shift_right_arithmetic3A_296 : i32 to vector<16xi32>
        %shift_right_arithmetic3A_298 = arith.shrsi %gather3A_277, %shift_right_arithmetic3A_297 : vector<16xi32>
        %and3A_299 = arith.constant 127 : i32
        %and3A_300 = vector.broadcast %and3A_299 : i32 to vector<16xi32>
        %and3A_301 = arith.andi %gather3A_277, %and3A_300 : vector<16xi32>
        tpu.vector_store_idx %arg7[%shift_right_arithmetic3A_298, %add3A_15, %and3A_301], %broadcast_in_dim3A_1 {add = true} : memref<2x64x128xf32, #tpu.memory_space<vmem>>[vector<16xi32>, vector<16xi32>, vector<16xi32>], vector<16xf32>,
        %mul3A_302 = arith.constant 8 : i32
        %mul3A_303 = arith.muli %scan3A_236, %mul3A_302 : i32
        %add3A_304 = arith.constant 2 : i32
        %add3A_305 = arith.addi %mul3A_303, %add3A_304 : i32
        %add3A_306 = vector.broadcast %add3A_305 : i32 to vector<16xi32>
        %add3A_307 = arith.addi %iota3A, %add3A_306 : vector<16xi32>
        %gather3A_308 = tpu.vector_load_idx %arg5[%add3A_6, %add3A_307] : memref<64x200xi32, #tpu.memory_space<vmem>>[vector<16xi32>, vector<16xi32>], vector<16xi32>,
        %gather3A_309 = tpu.vector_load_idx %arg5[%add3A_9, %add3A_307] : memref<64x200xi32, #tpu.memory_space<vmem>>[vector<16xi32>, vector<16xi32>], vector<16xi32>,
        %gather3A_310 = tpu.vector_load_idx %arg5[%add3A_12, %add3A_307] : memref<64x200xi32, #tpu.memory_space<vmem>>[vector<16xi32>, vector<16xi32>], vector<16xi32>,
        %gather3A_311 = tpu.vector_load_idx %arg5[%add3A_15, %add3A_307] : memref<64x200xi32, #tpu.memory_space<vmem>>[vector<16xi32>, vector<16xi32>], vector<16xi32>,
        %shift_right_arithmetic3A_312 = arith.constant 7 : i32
        %shift_right_arithmetic3A_313 = vector.broadcast %shift_right_arithmetic3A_312 : i32 to vector<16xi32>
        %shift_right_arithmetic3A_314 = arith.shrsi %gather3A_308, %shift_right_arithmetic3A_313 : vector<16xi32>
        %and3A_315 = arith.constant 127 : i32
        %and3A_316 = vector.broadcast %and3A_315 : i32 to vector<16xi32>
        %and3A_317 = arith.andi %gather3A_308, %and3A_316 : vector<16xi32>
        tpu.vector_store_idx %arg7[%shift_right_arithmetic3A_314, %add3A_6, %and3A_317], %broadcast_in_dim3A_1 {add = true} : memref<2x64x128xf32, #tpu.memory_space<vmem>>[vector<16xi32>, vector<16xi32>, vector<16xi32>], vector<16xf32>,
        %shift_right_arithmetic3A_318 = arith.constant 7 : i32
        %shift_right_arithmetic3A_319 = vector.broadcast %shift_right_arithmetic3A_318 : i32 to vector<16xi32>
        %shift_right_arithmetic3A_320 = arith.shrsi %gather3A_309, %shift_right_arithmetic3A_319 : vector<16xi32>
        %and3A_321 = arith.constant 127 : i32
        %and3A_322 = vector.broadcast %and3A_321 : i32 to vector<16xi32>
        %and3A_323 = arith.andi %gather3A_309, %and3A_322 : vector<16xi32>
        tpu.vector_store_idx %arg7[%shift_right_arithmetic3A_320, %add3A_9, %and3A_323], %broadcast_in_dim3A_1 {add = true} : memref<2x64x128xf32, #tpu.memory_space<vmem>>[vector<16xi32>, vector<16xi32>, vector<16xi32>], vector<16xf32>,
        %shift_right_arithmetic3A_324 = arith.constant 7 : i32
        %shift_right_arithmetic3A_325 = vector.broadcast %shift_right_arithmetic3A_324 : i32 to vector<16xi32>
        %shift_right_arithmetic3A_326 = arith.shrsi %gather3A_310, %shift_right_arithmetic3A_325 : vector<16xi32>
        %and3A_327 = arith.constant 127 : i32
        %and3A_328 = vector.broadcast %and3A_327 : i32 to vector<16xi32>
        %and3A_329 = arith.andi %gather3A_310, %and3A_328 : vector<16xi32>
        tpu.vector_store_idx %arg7[%shift_right_arithmetic3A_326, %add3A_12, %and3A_329], %broadcast_in_dim3A_1 {add = true} : memref<2x64x128xf32, #tpu.memory_space<vmem>>[vector<16xi32>, vector<16xi32>, vector<16xi32>], vector<16xf32>,
        %shift_right_arithmetic3A_330 = arith.constant 7 : i32
        %shift_right_arithmetic3A_331 = vector.broadcast %shift_right_arithmetic3A_330 : i32 to vector<16xi32>
        %shift_right_arithmetic3A_332 = arith.shrsi %gather3A_311, %shift_right_arithmetic3A_331 : vector<16xi32>
        %and3A_333 = arith.constant 127 : i32
        %and3A_334 = vector.broadcast %and3A_333 : i32 to vector<16xi32>
        %and3A_335 = arith.andi %gather3A_311, %and3A_334 : vector<16xi32>
        tpu.vector_store_idx %arg7[%shift_right_arithmetic3A_332, %add3A_15, %and3A_335], %broadcast_in_dim3A_1 {add = true} : memref<2x64x128xf32, #tpu.memory_space<vmem>>[vector<16xi32>, vector<16xi32>, vector<16xi32>], vector<16xf32>,
        %mul3A_336 = arith.constant 8 : i32
        %mul3A_337 = arith.muli %scan3A_236, %mul3A_336 : i32
        %add3A_338 = arith.constant 3 : i32
        %add3A_339 = arith.addi %mul3A_337, %add3A_338 : i32
        %add3A_340 = vector.broadcast %add3A_339 : i32 to vector<16xi32>
        %add3A_341 = arith.addi %iota3A, %add3A_340 : vector<16xi32>
        %gather3A_342 = tpu.vector_load_idx %arg5[%add3A_6, %add3A_341] : memref<64x200xi32, #tpu.memory_space<vmem>>[vector<16xi32>, vector<16xi32>], vector<16xi32>,
        %gather3A_343 = tpu.vector_load_idx %arg5[%add3A_9, %add3A_341] : memref<64x200xi32, #tpu.memory_space<vmem>>[vector<16xi32>, vector<16xi32>], vector<16xi32>,
        %gather3A_344 = tpu.vector_load_idx %arg5[%add3A_12, %add3A_341] : memref<64x200xi32, #tpu.memory_space<vmem>>[vector<16xi32>, vector<16xi32>], vector<16xi32>,
        %gather3A_345 = tpu.vector_load_idx %arg5[%add3A_15, %add3A_341] : memref<64x200xi32, #tpu.memory_space<vmem>>[vector<16xi32>, vector<16xi32>], vector<16xi32>,
        %shift_right_arithmetic3A_346 = arith.constant 7 : i32
        %shift_right_arithmetic3A_347 = vector.broadcast %shift_right_arithmetic3A_346 : i32 to vector<16xi32>
        %shift_right_arithmetic3A_348 = arith.shrsi %gather3A_342, %shift_right_arithmetic3A_347 : vector<16xi32>
        %and3A_349 = arith.constant 127 : i32
        %and3A_350 = vector.broadcast %and3A_349 : i32 to vector<16xi32>
        %and3A_351 = arith.andi %gather3A_342, %and3A_350 : vector<16xi32>
        tpu.vector_store_idx %arg7[%shift_right_arithmetic3A_348, %add3A_6, %and3A_351], %broadcast_in_dim3A_1 {add = true} : memref<2x64x128xf32, #tpu.memory_space<vmem>>[vector<16xi32>, vector<16xi32>, vector<16xi32>], vector<16xf32>,
        %shift_right_arithmetic3A_352 = arith.constant 7 : i32
        %shift_right_arithmetic3A_353 = vector.broadcast %shift_right_arithmetic3A_352 : i32 to vector<16xi32>
        %shift_right_arithmetic3A_354 = arith.shrsi %gather3A_343, %shift_right_arithmetic3A_353 : vector<16xi32>
        %and3A_355 = arith.constant 127 : i32
        %and3A_356 = vector.broadcast %and3A_355 : i32 to vector<16xi32>
        %and3A_357 = arith.andi %gather3A_343, %and3A_356 : vector<16xi32>
        tpu.vector_store_idx %arg7[%shift_right_arithmetic3A_354, %add3A_9, %and3A_357], %broadcast_in_dim3A_1 {add = true} : memref<2x64x128xf32, #tpu.memory_space<vmem>>[vector<16xi32>, vector<16xi32>, vector<16xi32>], vector<16xf32>,
        %shift_right_arithmetic3A_358 = arith.constant 7 : i32
        %shift_right_arithmetic3A_359 = vector.broadcast %shift_right_arithmetic3A_358 : i32 to vector<16xi32>
        %shift_right_arithmetic3A_360 = arith.shrsi %gather3A_344, %shift_right_arithmetic3A_359 : vector<16xi32>
        %and3A_361 = arith.constant 127 : i32
        %and3A_362 = vector.broadcast %and3A_361 : i32 to vector<16xi32>
        %and3A_363 = arith.andi %gather3A_344, %and3A_362 : vector<16xi32>
        tpu.vector_store_idx %arg7[%shift_right_arithmetic3A_360, %add3A_12, %and3A_363], %broadcast_in_dim3A_1 {add = true} : memref<2x64x128xf32, #tpu.memory_space<vmem>>[vector<16xi32>, vector<16xi32>, vector<16xi32>], vector<16xf32>,
        %shift_right_arithmetic3A_364 = arith.constant 7 : i32
        %shift_right_arithmetic3A_365 = vector.broadcast %shift_right_arithmetic3A_364 : i32 to vector<16xi32>
        %shift_right_arithmetic3A_366 = arith.shrsi %gather3A_345, %shift_right_arithmetic3A_365 : vector<16xi32>
        %and3A_367 = arith.constant 127 : i32
        %and3A_368 = vector.broadcast %and3A_367 : i32 to vector<16xi32>
        %and3A_369 = arith.andi %gather3A_345, %and3A_368 : vector<16xi32>
        tpu.vector_store_idx %arg7[%shift_right_arithmetic3A_366, %add3A_15, %and3A_369], %broadcast_in_dim3A_1 {add = true} : memref<2x64x128xf32, #tpu.memory_space<vmem>>[vector<16xi32>, vector<16xi32>, vector<16xi32>], vector<16xf32>,
        %mul3A_370 = arith.constant 8 : i32
        %mul3A_371 = arith.muli %scan3A_236, %mul3A_370 : i32
        %add3A_372 = arith.constant 4 : i32
        %add3A_373 = arith.addi %mul3A_371, %add3A_372 : i32
        %add3A_374 = vector.broadcast %add3A_373 : i32 to vector<16xi32>
        %add3A_375 = arith.addi %iota3A, %add3A_374 : vector<16xi32>
        %gather3A_376 = tpu.vector_load_idx %arg5[%add3A_6, %add3A_375] : memref<64x200xi32, #tpu.memory_space<vmem>>[vector<16xi32>, vector<16xi32>], vector<16xi32>,
        %gather3A_377 = tpu.vector_load_idx %arg5[%add3A_9, %add3A_375] : memref<64x200xi32, #tpu.memory_space<vmem>>[vector<16xi32>, vector<16xi32>], vector<16xi32>,
        %gather3A_378 = tpu.vector_load_idx %arg5[%add3A_12, %add3A_375] : memref<64x200xi32, #tpu.memory_space<vmem>>[vector<16xi32>, vector<16xi32>], vector<16xi32>,
        %gather3A_379 = tpu.vector_load_idx %arg5[%add3A_15, %add3A_375] : memref<64x200xi32, #tpu.memory_space<vmem>>[vector<16xi32>, vector<16xi32>], vector<16xi32>,
        %shift_right_arithmetic3A_380 = arith.constant 7 : i32
        %shift_right_arithmetic3A_381 = vector.broadcast %shift_right_arithmetic3A_380 : i32 to vector<16xi32>
        %shift_right_arithmetic3A_382 = arith.shrsi %gather3A_376, %shift_right_arithmetic3A_381 : vector<16xi32>
        %and3A_383 = arith.constant 127 : i32
        %and3A_384 = vector.broadcast %and3A_383 : i32 to vector<16xi32>
        %and3A_385 = arith.andi %gather3A_376, %and3A_384 : vector<16xi32>
        tpu.vector_store_idx %arg7[%shift_right_arithmetic3A_382, %add3A_6, %and3A_385], %broadcast_in_dim3A_1 {add = true} : memref<2x64x128xf32, #tpu.memory_space<vmem>>[vector<16xi32>, vector<16xi32>, vector<16xi32>], vector<16xf32>,
        %shift_right_arithmetic3A_386 = arith.constant 7 : i32
        %shift_right_arithmetic3A_387 = vector.broadcast %shift_right_arithmetic3A_386 : i32 to vector<16xi32>
        %shift_right_arithmetic3A_388 = arith.shrsi %gather3A_377, %shift_right_arithmetic3A_387 : vector<16xi32>
        %and3A_389 = arith.constant 127 : i32
        %and3A_390 = vector.broadcast %and3A_389 : i32 to vector<16xi32>
        %and3A_391 = arith.andi %gather3A_377, %and3A_390 : vector<16xi32>
        tpu.vector_store_idx %arg7[%shift_right_arithmetic3A_388, %add3A_9, %and3A_391], %broadcast_in_dim3A_1 {add = true} : memref<2x64x128xf32, #tpu.memory_space<vmem>>[vector<16xi32>, vector<16xi32>, vector<16xi32>], vector<16xf32>,
        %shift_right_arithmetic3A_392 = arith.constant 7 : i32
        %shift_right_arithmetic3A_393 = vector.broadcast %shift_right_arithmetic3A_392 : i32 to vector<16xi32>
        %shift_right_arithmetic3A_394 = arith.shrsi %gather3A_378, %shift_right_arithmetic3A_393 : vector<16xi32>
        %and3A_395 = arith.constant 127 : i32
        %and3A_396 = vector.broadcast %and3A_395 : i32 to vector<16xi32>
        %and3A_397 = arith.andi %gather3A_378, %and3A_396 : vector<16xi32>
        tpu.vector_store_idx %arg7[%shift_right_arithmetic3A_394, %add3A_12, %and3A_397], %broadcast_in_dim3A_1 {add = true} : memref<2x64x128xf32, #tpu.memory_space<vmem>>[vector<16xi32>, vector<16xi32>, vector<16xi32>], vector<16xf32>,
        %shift_right_arithmetic3A_398 = arith.constant 7 : i32
        %shift_right_arithmetic3A_399 = vector.broadcast %shift_right_arithmetic3A_398 : i32 to vector<16xi32>
        %shift_right_arithmetic3A_400 = arith.shrsi %gather3A_379, %shift_right_arithmetic3A_399 : vector<16xi32>
        %and3A_401 = arith.constant 127 : i32
        %and3A_402 = vector.broadcast %and3A_401 : i32 to vector<16xi32>
        %and3A_403 = arith.andi %gather3A_379, %and3A_402 : vector<16xi32>
        tpu.vector_store_idx %arg7[%shift_right_arithmetic3A_400, %add3A_15, %and3A_403], %broadcast_in_dim3A_1 {add = true} : memref<2x64x128xf32, #tpu.memory_space<vmem>>[vector<16xi32>, vector<16xi32>, vector<16xi32>], vector<16xf32>,
        %mul3A_404 = arith.constant 8 : i32
        %mul3A_405 = arith.muli %scan3A_236, %mul3A_404 : i32
        %add3A_406 = arith.constant 5 : i32
        %add3A_407 = arith.addi %mul3A_405, %add3A_406 : i32
        %add3A_408 = vector.broadcast %add3A_407 : i32 to vector<16xi32>
        %add3A_409 = arith.addi %iota3A, %add3A_408 : vector<16xi32>
        %gather3A_410 = tpu.vector_load_idx %arg5[%add3A_6, %add3A_409] : memref<64x200xi32, #tpu.memory_space<vmem>>[vector<16xi32>, vector<16xi32>], vector<16xi32>,
        %gather3A_411 = tpu.vector_load_idx %arg5[%add3A_9, %add3A_409] : memref<64x200xi32, #tpu.memory_space<vmem>>[vector<16xi32>, vector<16xi32>], vector<16xi32>,
        %gather3A_412 = tpu.vector_load_idx %arg5[%add3A_12, %add3A_409] : memref<64x200xi32, #tpu.memory_space<vmem>>[vector<16xi32>, vector<16xi32>], vector<16xi32>,
        %gather3A_413 = tpu.vector_load_idx %arg5[%add3A_15, %add3A_409] : memref<64x200xi32, #tpu.memory_space<vmem>>[vector<16xi32>, vector<16xi32>], vector<16xi32>,
        %shift_right_arithmetic3A_414 = arith.constant 7 : i32
        %shift_right_arithmetic3A_415 = vector.broadcast %shift_right_arithmetic3A_414 : i32 to vector<16xi32>
        %shift_right_arithmetic3A_416 = arith.shrsi %gather3A_410, %shift_right_arithmetic3A_415 : vector<16xi32>
        %and3A_417 = arith.constant 127 : i32
        %and3A_418 = vector.broadcast %and3A_417 : i32 to vector<16xi32>
        %and3A_419 = arith.andi %gather3A_410, %and3A_418 : vector<16xi32>
        tpu.vector_store_idx %arg7[%shift_right_arithmetic3A_416, %add3A_6, %and3A_419], %broadcast_in_dim3A_1 {add = true} : memref<2x64x128xf32, #tpu.memory_space<vmem>>[vector<16xi32>, vector<16xi32>, vector<16xi32>], vector<16xf32>,
        %shift_right_arithmetic3A_420 = arith.constant 7 : i32
        %shift_right_arithmetic3A_421 = vector.broadcast %shift_right_arithmetic3A_420 : i32 to vector<16xi32>
        %shift_right_arithmetic3A_422 = arith.shrsi %gather3A_411, %shift_right_arithmetic3A_421 : vector<16xi32>
        %and3A_423 = arith.constant 127 : i32
        %and3A_424 = vector.broadcast %and3A_423 : i32 to vector<16xi32>
        %and3A_425 = arith.andi %gather3A_411, %and3A_424 : vector<16xi32>
        tpu.vector_store_idx %arg7[%shift_right_arithmetic3A_422, %add3A_9, %and3A_425], %broadcast_in_dim3A_1 {add = true} : memref<2x64x128xf32, #tpu.memory_space<vmem>>[vector<16xi32>, vector<16xi32>, vector<16xi32>], vector<16xf32>,
        %shift_right_arithmetic3A_426 = arith.constant 7 : i32
        %shift_right_arithmetic3A_427 = vector.broadcast %shift_right_arithmetic3A_426 : i32 to vector<16xi32>
        %shift_right_arithmetic3A_428 = arith.shrsi %gather3A_412, %shift_right_arithmetic3A_427 : vector<16xi32>
        %and3A_429 = arith.constant 127 : i32
        %and3A_430 = vector.broadcast %and3A_429 : i32 to vector<16xi32>
        %and3A_431 = arith.andi %gather3A_412, %and3A_430 : vector<16xi32>
        tpu.vector_store_idx %arg7[%shift_right_arithmetic3A_428, %add3A_12, %and3A_431], %broadcast_in_dim3A_1 {add = true} : memref<2x64x128xf32, #tpu.memory_space<vmem>>[vector<16xi32>, vector<16xi32>, vector<16xi32>], vector<16xf32>,
        %shift_right_arithmetic3A_432 = arith.constant 7 : i32
        %shift_right_arithmetic3A_433 = vector.broadcast %shift_right_arithmetic3A_432 : i32 to vector<16xi32>
        %shift_right_arithmetic3A_434 = arith.shrsi %gather3A_413, %shift_right_arithmetic3A_433 : vector<16xi32>
        %and3A_435 = arith.constant 127 : i32
        %and3A_436 = vector.broadcast %and3A_435 : i32 to vector<16xi32>
        %and3A_437 = arith.andi %gather3A_413, %and3A_436 : vector<16xi32>
        tpu.vector_store_idx %arg7[%shift_right_arithmetic3A_434, %add3A_15, %and3A_437], %broadcast_in_dim3A_1 {add = true} : memref<2x64x128xf32, #tpu.memory_space<vmem>>[vector<16xi32>, vector<16xi32>, vector<16xi32>], vector<16xf32>,
        %mul3A_438 = arith.constant 8 : i32
        %mul3A_439 = arith.muli %scan3A_236, %mul3A_438 : i32
        %add3A_440 = arith.constant 6 : i32
        %add3A_441 = arith.addi %mul3A_439, %add3A_440 : i32
        %add3A_442 = vector.broadcast %add3A_441 : i32 to vector<16xi32>
        %add3A_443 = arith.addi %iota3A, %add3A_442 : vector<16xi32>
        %gather3A_444 = tpu.vector_load_idx %arg5[%add3A_6, %add3A_443] : memref<64x200xi32, #tpu.memory_space<vmem>>[vector<16xi32>, vector<16xi32>], vector<16xi32>,
        %gather3A_445 = tpu.vector_load_idx %arg5[%add3A_9, %add3A_443] : memref<64x200xi32, #tpu.memory_space<vmem>>[vector<16xi32>, vector<16xi32>], vector<16xi32>,
        %gather3A_446 = tpu.vector_load_idx %arg5[%add3A_12, %add3A_443] : memref<64x200xi32, #tpu.memory_space<vmem>>[vector<16xi32>, vector<16xi32>], vector<16xi32>,
        %gather3A_447 = tpu.vector_load_idx %arg5[%add3A_15, %add3A_443] : memref<64x200xi32, #tpu.memory_space<vmem>>[vector<16xi32>, vector<16xi32>], vector<16xi32>,
        %shift_right_arithmetic3A_448 = arith.constant 7 : i32
        %shift_right_arithmetic3A_449 = vector.broadcast %shift_right_arithmetic3A_448 : i32 to vector<16xi32>
        %shift_right_arithmetic3A_450 = arith.shrsi %gather3A_444, %shift_right_arithmetic3A_449 : vector<16xi32>
        %and3A_451 = arith.constant 127 : i32
        %and3A_452 = vector.broadcast %and3A_451 : i32 to vector<16xi32>
        %and3A_453 = arith.andi %gather3A_444, %and3A_452 : vector<16xi32>
        tpu.vector_store_idx %arg7[%shift_right_arithmetic3A_450, %add3A_6, %and3A_453], %broadcast_in_dim3A_1 {add = true} : memref<2x64x128xf32, #tpu.memory_space<vmem>>[vector<16xi32>, vector<16xi32>, vector<16xi32>], vector<16xf32>,
        %shift_right_arithmetic3A_454 = arith.constant 7 : i32
        %shift_right_arithmetic3A_455 = vector.broadcast %shift_right_arithmetic3A_454 : i32 to vector<16xi32>
        %shift_right_arithmetic3A_456 = arith.shrsi %gather3A_445, %shift_right_arithmetic3A_455 : vector<16xi32>
        %and3A_457 = arith.constant 127 : i32
        %and3A_458 = vector.broadcast %and3A_457 : i32 to vector<16xi32>
        %and3A_459 = arith.andi %gather3A_445, %and3A_458 : vector<16xi32>
        tpu.vector_store_idx %arg7[%shift_right_arithmetic3A_456, %add3A_9, %and3A_459], %broadcast_in_dim3A_1 {add = true} : memref<2x64x128xf32, #tpu.memory_space<vmem>>[vector<16xi32>, vector<16xi32>, vector<16xi32>], vector<16xf32>,
        %shift_right_arithmetic3A_460 = arith.constant 7 : i32
        %shift_right_arithmetic3A_461 = vector.broadcast %shift_right_arithmetic3A_460 : i32 to vector<16xi32>
        %shift_right_arithmetic3A_462 = arith.shrsi %gather3A_446, %shift_right_arithmetic3A_461 : vector<16xi32>
        %and3A_463 = arith.constant 127 : i32
        %and3A_464 = vector.broadcast %and3A_463 : i32 to vector<16xi32>
        %and3A_465 = arith.andi %gather3A_446, %and3A_464 : vector<16xi32>
        tpu.vector_store_idx %arg7[%shift_right_arithmetic3A_462, %add3A_12, %and3A_465], %broadcast_in_dim3A_1 {add = true} : memref<2x64x128xf32, #tpu.memory_space<vmem>>[vector<16xi32>, vector<16xi32>, vector<16xi32>], vector<16xf32>,
        %shift_right_arithmetic3A_466 = arith.constant 7 : i32
        %shift_right_arithmetic3A_467 = vector.broadcast %shift_right_arithmetic3A_466 : i32 to vector<16xi32>
        %shift_right_arithmetic3A_468 = arith.shrsi %gather3A_447, %shift_right_arithmetic3A_467 : vector<16xi32>
        %and3A_469 = arith.constant 127 : i32
        %and3A_470 = vector.broadcast %and3A_469 : i32 to vector<16xi32>
        %and3A_471 = arith.andi %gather3A_447, %and3A_470 : vector<16xi32>
        tpu.vector_store_idx %arg7[%shift_right_arithmetic3A_468, %add3A_15, %and3A_471], %broadcast_in_dim3A_1 {add = true} : memref<2x64x128xf32, #tpu.memory_space<vmem>>[vector<16xi32>, vector<16xi32>, vector<16xi32>], vector<16xf32>,
        %mul3A_472 = arith.constant 8 : i32
        %mul3A_473 = arith.muli %scan3A_236, %mul3A_472 : i32
        %add3A_474 = arith.constant 7 : i32
        %add3A_475 = arith.addi %mul3A_473, %add3A_474 : i32
        %add3A_476 = vector.broadcast %add3A_475 : i32 to vector<16xi32>
        %add3A_477 = arith.addi %iota3A, %add3A_476 : vector<16xi32>
        %gather3A_478 = tpu.vector_load_idx %arg5[%add3A_6, %add3A_477] : memref<64x200xi32, #tpu.memory_space<vmem>>[vector<16xi32>, vector<16xi32>], vector<16xi32>,
        %gather3A_479 = tpu.vector_load_idx %arg5[%add3A_9, %add3A_477] : memref<64x200xi32, #tpu.memory_space<vmem>>[vector<16xi32>, vector<16xi32>], vector<16xi32>,
        %gather3A_480 = tpu.vector_load_idx %arg5[%add3A_12, %add3A_477] : memref<64x200xi32, #tpu.memory_space<vmem>>[vector<16xi32>, vector<16xi32>], vector<16xi32>,
        %gather3A_481 = tpu.vector_load_idx %arg5[%add3A_15, %add3A_477] : memref<64x200xi32, #tpu.memory_space<vmem>>[vector<16xi32>, vector<16xi32>], vector<16xi32>,
        %shift_right_arithmetic3A_482 = arith.constant 7 : i32
        %shift_right_arithmetic3A_483 = vector.broadcast %shift_right_arithmetic3A_482 : i32 to vector<16xi32>
        %shift_right_arithmetic3A_484 = arith.shrsi %gather3A_478, %shift_right_arithmetic3A_483 : vector<16xi32>
        %and3A_485 = arith.constant 127 : i32
        %and3A_486 = vector.broadcast %and3A_485 : i32 to vector<16xi32>
        %and3A_487 = arith.andi %gather3A_478, %and3A_486 : vector<16xi32>
        tpu.vector_store_idx %arg7[%shift_right_arithmetic3A_484, %add3A_6, %and3A_487], %broadcast_in_dim3A_1 {add = true} : memref<2x64x128xf32, #tpu.memory_space<vmem>>[vector<16xi32>, vector<16xi32>, vector<16xi32>], vector<16xf32>,
        %shift_right_arithmetic3A_488 = arith.constant 7 : i32
        %shift_right_arithmetic3A_489 = vector.broadcast %shift_right_arithmetic3A_488 : i32 to vector<16xi32>
        %shift_right_arithmetic3A_490 = arith.shrsi %gather3A_479, %shift_right_arithmetic3A_489 : vector<16xi32>
        %and3A_491 = arith.constant 127 : i32
        %and3A_492 = vector.broadcast %and3A_491 : i32 to vector<16xi32>
        %and3A_493 = arith.andi %gather3A_479, %and3A_492 : vector<16xi32>
        tpu.vector_store_idx %arg7[%shift_right_arithmetic3A_490, %add3A_9, %and3A_493], %broadcast_in_dim3A_1 {add = true} : memref<2x64x128xf32, #tpu.memory_space<vmem>>[vector<16xi32>, vector<16xi32>, vector<16xi32>], vector<16xf32>,
        %shift_right_arithmetic3A_494 = arith.constant 7 : i32
        %shift_right_arithmetic3A_495 = vector.broadcast %shift_right_arithmetic3A_494 : i32 to vector<16xi32>
        %shift_right_arithmetic3A_496 = arith.shrsi %gather3A_480, %shift_right_arithmetic3A_495 : vector<16xi32>
        %and3A_497 = arith.constant 127 : i32
        %and3A_498 = vector.broadcast %and3A_497 : i32 to vector<16xi32>
        %and3A_499 = arith.andi %gather3A_480, %and3A_498 : vector<16xi32>
        tpu.vector_store_idx %arg7[%shift_right_arithmetic3A_496, %add3A_12, %and3A_499], %broadcast_in_dim3A_1 {add = true} : memref<2x64x128xf32, #tpu.memory_space<vmem>>[vector<16xi32>, vector<16xi32>, vector<16xi32>], vector<16xf32>,
        %shift_right_arithmetic3A_500 = arith.constant 7 : i32
        %shift_right_arithmetic3A_501 = vector.broadcast %shift_right_arithmetic3A_500 : i32 to vector<16xi32>
        %shift_right_arithmetic3A_502 = arith.shrsi %gather3A_481, %shift_right_arithmetic3A_501 : vector<16xi32>
        %and3A_503 = arith.constant 127 : i32
        %and3A_504 = vector.broadcast %and3A_503 : i32 to vector<16xi32>
        %and3A_505 = arith.andi %gather3A_481, %and3A_504 : vector<16xi32>
        tpu.vector_store_idx %arg7[%shift_right_arithmetic3A_502, %add3A_15, %and3A_505], %broadcast_in_dim3A_1 {add = true} : memref<2x64x128xf32, #tpu.memory_space<vmem>>[vector<16xi32>, vector<16xi32>, vector<16xi32>], vector<16xf32>,
      }
      %scan3A_122 = arith.constant 23 : i32
      %scan3A_123 = arith.constant 0 : i32
      %scan3A_124 = arith.constant 0 : i32
      %scan3A_125 = arith.constant 2 : i32
      %scan3A_126 = arith.addi %scan3A_124, %scan3A_125 : i32
      %scan3A_127 = arith.constant 1 : i32
      scf.for %scan3A_236 = %scan3A_124 to %scan3A_126 step %scan3A_127  : i32 {
        %mul3A_237 = arith.constant 8 : i32
        %mul3A_238 = arith.muli %scan3A_236, %mul3A_237 : i32
        %add3A_239 = arith.constant 184 : i32
        %add3A_240 = arith.addi %add3A_239, %mul3A_238 : i32
        %add3A_241 = arith.constant 0 : i32
        %add3A_242 = arith.addi %add3A_240, %add3A_241 : i32
        %add3A_243 = vector.broadcast %add3A_242 : i32 to vector<16xi32>
        %add3A_244 = arith.addi %iota3A, %add3A_243 : vector<16xi32>
        %ge3A = arith.constant 200 : i32
        %ge3A_245 = vector.broadcast %ge3A : i32 to vector<16xi32>
        %ge3A_246 = arith.cmpi sge, %add3A_244, %ge3A_245 : vector<16xi32>
        %sub3A = arith.constant 200 : i32
        %sub3A_247 = vector.broadcast %sub3A : i32 to vector<16xi32>
        %sub3A_248 = arith.subi %add3A_244, %sub3A_247 : vector<16xi32>
        %select_n3A = arith.select %ge3A_246, %sub3A_248, %add3A_244 : vector<16xi1>, vector<16xi32>
        %gather3A = tpu.vector_load_idx %arg5[%add3A_6, %select_n3A] : memref<64x200xi32, #tpu.memory_space<vmem>>[vector<16xi32>, vector<16xi32>], vector<16xi32>,
        %gather3A_249 = tpu.vector_load_idx %arg5[%add3A_9, %select_n3A] : memref<64x200xi32, #tpu.memory_space<vmem>>[vector<16xi32>, vector<16xi32>], vector<16xi32>,
        %gather3A_250 = tpu.vector_load_idx %arg5[%add3A_12, %select_n3A] : memref<64x200xi32, #tpu.memory_space<vmem>>[vector<16xi32>, vector<16xi32>], vector<16xi32>,
        %gather3A_251 = tpu.vector_load_idx %arg5[%add3A_15, %select_n3A] : memref<64x200xi32, #tpu.memory_space<vmem>>[vector<16xi32>, vector<16xi32>], vector<16xi32>,
        %shift_right_arithmetic3A = arith.constant 7 : i32
        %shift_right_arithmetic3A_252 = vector.broadcast %shift_right_arithmetic3A : i32 to vector<16xi32>
        %shift_right_arithmetic3A_253 = arith.shrsi %gather3A, %shift_right_arithmetic3A_252 : vector<16xi32>
        %and3A = arith.constant 127 : i32
        %and3A_254 = vector.broadcast %and3A : i32 to vector<16xi32>
        %and3A_255 = arith.andi %gather3A, %and3A_254 : vector<16xi32>
        tpu.vector_store_idx %arg7[%shift_right_arithmetic3A_253, %add3A_6, %and3A_255], %broadcast_in_dim3A_1 {add = true} : memref<2x64x128xf32, #tpu.memory_space<vmem>>[vector<16xi32>, vector<16xi32>, vector<16xi32>], vector<16xf32>,
        %shift_right_arithmetic3A_256 = arith.constant 7 : i32
        %shift_right_arithmetic3A_257 = vector.broadcast %shift_right_arithmetic3A_256 : i32 to vector<16xi32>
        %shift_right_arithmetic3A_258 = arith.shrsi %gather3A_249, %shift_right_arithmetic3A_257 : vector<16xi32>
        %and3A_259 = arith.constant 127 : i32
        %and3A_260 = vector.broadcast %and3A_259 : i32 to vector<16xi32>
        %and3A_261 = arith.andi %gather3A_249, %and3A_260 : vector<16xi32>
        tpu.vector_store_idx %arg7[%shift_right_arithmetic3A_258, %add3A_9, %and3A_261], %broadcast_in_dim3A_1 {add = true} : memref<2x64x128xf32, #tpu.memory_space<vmem>>[vector<16xi32>, vector<16xi32>, vector<16xi32>], vector<16xf32>,
        %shift_right_arithmetic3A_262 = arith.constant 7 : i32
        %shift_right_arithmetic3A_263 = vector.broadcast %shift_right_arithmetic3A_262 : i32 to vector<16xi32>
        %shift_right_arithmetic3A_264 = arith.shrsi %gather3A_250, %shift_right_arithmetic3A_263 : vector<16xi32>
        %and3A_265 = arith.constant 127 : i32
        %and3A_266 = vector.broadcast %and3A_265 : i32 to vector<16xi32>
        %and3A_267 = arith.andi %gather3A_250, %and3A_266 : vector<16xi32>
        tpu.vector_store_idx %arg7[%shift_right_arithmetic3A_264, %add3A_12, %and3A_267], %broadcast_in_dim3A_1 {add = true} : memref<2x64x128xf32, #tpu.memory_space<vmem>>[vector<16xi32>, vector<16xi32>, vector<16xi32>], vector<16xf32>,
        %shift_right_arithmetic3A_268 = arith.constant 7 : i32
        %shift_right_arithmetic3A_269 = vector.broadcast %shift_right_arithmetic3A_268 : i32 to vector<16xi32>
        %shift_right_arithmetic3A_270 = arith.shrsi %gather3A_251, %shift_right_arithmetic3A_269 : vector<16xi32>
        %and3A_271 = arith.constant 127 : i32
        %and3A_272 = vector.broadcast %and3A_271 : i32 to vector<16xi32>
        %and3A_273 = arith.andi %gather3A_251, %and3A_272 : vector<16xi32>
        tpu.vector_store_idx %arg7[%shift_right_arithmetic3A_270, %add3A_15, %and3A_273], %broadcast_in_dim3A_1 {add = true} : memref<2x64x128xf32, #tpu.memory_space<vmem>>[vector<16xi32>, vector<16xi32>, vector<16xi32>], vector<16xf32>,
        %mul3A_274 = arith.constant 8 : i32
        %mul3A_275 = arith.muli %scan3A_236, %mul3A_274 : i32
        %add3A_276 = arith.constant 184 : i32
        %add3A_277 = arith.addi %add3A_276, %mul3A_275 : i32
        %add3A_278 = arith.constant 1 : i32
        %add3A_279 = arith.addi %add3A_277, %add3A_278 : i32
        %add3A_280 = vector.broadcast %add3A_279 : i32 to vector<16xi32>
        %add3A_281 = arith.addi %iota3A, %add3A_280 : vector<16xi32>
        %ge3A_282 = arith.constant 200 : i32
        %ge3A_283 = vector.broadcast %ge3A_282 : i32 to vector<16xi32>
        %ge3A_284 = arith.cmpi sge, %add3A_281, %ge3A_283 : vector<16xi32>
        %sub3A_285 = arith.constant 200 : i32
        %sub3A_286 = vector.broadcast %sub3A_285 : i32 to vector<16xi32>
        %sub3A_287 = arith.subi %add3A_281, %sub3A_286 : vector<16xi32>
        %select_n3A_288 = arith.select %ge3A_284, %sub3A_287, %add3A_281 : vector<16xi1>, vector<16xi32>
        %gather3A_289 = tpu.vector_load_idx %arg5[%add3A_6, %select_n3A_288] : memref<64x200xi32, #tpu.memory_space<vmem>>[vector<16xi32>, vector<16xi32>], vector<16xi32>,
        %gather3A_290 = tpu.vector_load_idx %arg5[%add3A_9, %select_n3A_288] : memref<64x200xi32, #tpu.memory_space<vmem>>[vector<16xi32>, vector<16xi32>], vector<16xi32>,
        %gather3A_291 = tpu.vector_load_idx %arg5[%add3A_12, %select_n3A_288] : memref<64x200xi32, #tpu.memory_space<vmem>>[vector<16xi32>, vector<16xi32>], vector<16xi32>,
        %gather3A_292 = tpu.vector_load_idx %arg5[%add3A_15, %select_n3A_288] : memref<64x200xi32, #tpu.memory_space<vmem>>[vector<16xi32>, vector<16xi32>], vector<16xi32>,
        %shift_right_arithmetic3A_293 = arith.constant 7 : i32
        %shift_right_arithmetic3A_294 = vector.broadcast %shift_right_arithmetic3A_293 : i32 to vector<16xi32>
        %shift_right_arithmetic3A_295 = arith.shrsi %gather3A_289, %shift_right_arithmetic3A_294 : vector<16xi32>
        %and3A_296 = arith.constant 127 : i32
        %and3A_297 = vector.broadcast %and3A_296 : i32 to vector<16xi32>
        %and3A_298 = arith.andi %gather3A_289, %and3A_297 : vector<16xi32>
        tpu.vector_store_idx %arg7[%shift_right_arithmetic3A_295, %add3A_6, %and3A_298], %broadcast_in_dim3A_1 {add = true} : memref<2x64x128xf32, #tpu.memory_space<vmem>>[vector<16xi32>, vector<16xi32>, vector<16xi32>], vector<16xf32>,
        %shift_right_arithmetic3A_299 = arith.constant 7 : i32
        %shift_right_arithmetic3A_300 = vector.broadcast %shift_right_arithmetic3A_299 : i32 to vector<16xi32>
        %shift_right_arithmetic3A_301 = arith.shrsi %gather3A_290, %shift_right_arithmetic3A_300 : vector<16xi32>
        %and3A_302 = arith.constant 127 : i32
        %and3A_303 = vector.broadcast %and3A_302 : i32 to vector<16xi32>
        %and3A_304 = arith.andi %gather3A_290, %and3A_303 : vector<16xi32>
        tpu.vector_store_idx %arg7[%shift_right_arithmetic3A_301, %add3A_9, %and3A_304], %broadcast_in_dim3A_1 {add = true} : memref<2x64x128xf32, #tpu.memory_space<vmem>>[vector<16xi32>, vector<16xi32>, vector<16xi32>], vector<16xf32>,
        %shift_right_arithmetic3A_305 = arith.constant 7 : i32
        %shift_right_arithmetic3A_306 = vector.broadcast %shift_right_arithmetic3A_305 : i32 to vector<16xi32>
        %shift_right_arithmetic3A_307 = arith.shrsi %gather3A_291, %shift_right_arithmetic3A_306 : vector<16xi32>
        %and3A_308 = arith.constant 127 : i32
        %and3A_309 = vector.broadcast %and3A_308 : i32 to vector<16xi32>
        %and3A_310 = arith.andi %gather3A_291, %and3A_309 : vector<16xi32>
        tpu.vector_store_idx %arg7[%shift_right_arithmetic3A_307, %add3A_12, %and3A_310], %broadcast_in_dim3A_1 {add = true} : memref<2x64x128xf32, #tpu.memory_space<vmem>>[vector<16xi32>, vector<16xi32>, vector<16xi32>], vector<16xf32>,
        %shift_right_arithmetic3A_311 = arith.constant 7 : i32
        %shift_right_arithmetic3A_312 = vector.broadcast %shift_right_arithmetic3A_311 : i32 to vector<16xi32>
        %shift_right_arithmetic3A_313 = arith.shrsi %gather3A_292, %shift_right_arithmetic3A_312 : vector<16xi32>
        %and3A_314 = arith.constant 127 : i32
        %and3A_315 = vector.broadcast %and3A_314 : i32 to vector<16xi32>
        %and3A_316 = arith.andi %gather3A_292, %and3A_315 : vector<16xi32>
        tpu.vector_store_idx %arg7[%shift_right_arithmetic3A_313, %add3A_15, %and3A_316], %broadcast_in_dim3A_1 {add = true} : memref<2x64x128xf32, #tpu.memory_space<vmem>>[vector<16xi32>, vector<16xi32>, vector<16xi32>], vector<16xf32>,
        %mul3A_317 = arith.constant 8 : i32
        %mul3A_318 = arith.muli %scan3A_236, %mul3A_317 : i32
        %add3A_319 = arith.constant 184 : i32
        %add3A_320 = arith.addi %add3A_319, %mul3A_318 : i32
        %add3A_321 = arith.constant 2 : i32
        %add3A_322 = arith.addi %add3A_320, %add3A_321 : i32
        %add3A_323 = vector.broadcast %add3A_322 : i32 to vector<16xi32>
        %add3A_324 = arith.addi %iota3A, %add3A_323 : vector<16xi32>
        %ge3A_325 = arith.constant 200 : i32
        %ge3A_326 = vector.broadcast %ge3A_325 : i32 to vector<16xi32>
        %ge3A_327 = arith.cmpi sge, %add3A_324, %ge3A_326 : vector<16xi32>
        %sub3A_328 = arith.constant 200 : i32
        %sub3A_329 = vector.broadcast %sub3A_328 : i32 to vector<16xi32>
        %sub3A_330 = arith.subi %add3A_324, %sub3A_329 : vector<16xi32>
        %select_n3A_331 = arith.select %ge3A_327, %sub3A_330, %add3A_324 : vector<16xi1>, vector<16xi32>
        %gather3A_332 = tpu.vector_load_idx %arg5[%add3A_6, %select_n3A_331] : memref<64x200xi32, #tpu.memory_space<vmem>>[vector<16xi32>, vector<16xi32>], vector<16xi32>,
        %gather3A_333 = tpu.vector_load_idx %arg5[%add3A_9, %select_n3A_331] : memref<64x200xi32, #tpu.memory_space<vmem>>[vector<16xi32>, vector<16xi32>], vector<16xi32>,
        %gather3A_334 = tpu.vector_load_idx %arg5[%add3A_12, %select_n3A_331] : memref<64x200xi32, #tpu.memory_space<vmem>>[vector<16xi32>, vector<16xi32>], vector<16xi32>,
        %gather3A_335 = tpu.vector_load_idx %arg5[%add3A_15, %select_n3A_331] : memref<64x200xi32, #tpu.memory_space<vmem>>[vector<16xi32>, vector<16xi32>], vector<16xi32>,
        %shift_right_arithmetic3A_336 = arith.constant 7 : i32
        %shift_right_arithmetic3A_337 = vector.broadcast %shift_right_arithmetic3A_336 : i32 to vector<16xi32>
        %shift_right_arithmetic3A_338 = arith.shrsi %gather3A_332, %shift_right_arithmetic3A_337 : vector<16xi32>
        %and3A_339 = arith.constant 127 : i32
        %and3A_340 = vector.broadcast %and3A_339 : i32 to vector<16xi32>
        %and3A_341 = arith.andi %gather3A_332, %and3A_340 : vector<16xi32>
        tpu.vector_store_idx %arg7[%shift_right_arithmetic3A_338, %add3A_6, %and3A_341], %broadcast_in_dim3A_1 {add = true} : memref<2x64x128xf32, #tpu.memory_space<vmem>>[vector<16xi32>, vector<16xi32>, vector<16xi32>], vector<16xf32>,
        %shift_right_arithmetic3A_342 = arith.constant 7 : i32
        %shift_right_arithmetic3A_343 = vector.broadcast %shift_right_arithmetic3A_342 : i32 to vector<16xi32>
        %shift_right_arithmetic3A_344 = arith.shrsi %gather3A_333, %shift_right_arithmetic3A_343 : vector<16xi32>
        %and3A_345 = arith.constant 127 : i32
        %and3A_346 = vector.broadcast %and3A_345 : i32 to vector<16xi32>
        %and3A_347 = arith.andi %gather3A_333, %and3A_346 : vector<16xi32>
        tpu.vector_store_idx %arg7[%shift_right_arithmetic3A_344, %add3A_9, %and3A_347], %broadcast_in_dim3A_1 {add = true} : memref<2x64x128xf32, #tpu.memory_space<vmem>>[vector<16xi32>, vector<16xi32>, vector<16xi32>], vector<16xf32>,
        %shift_right_arithmetic3A_348 = arith.constant 7 : i32
        %shift_right_arithmetic3A_349 = vector.broadcast %shift_right_arithmetic3A_348 : i32 to vector<16xi32>
        %shift_right_arithmetic3A_350 = arith.shrsi %gather3A_334, %shift_right_arithmetic3A_349 : vector<16xi32>
        %and3A_351 = arith.constant 127 : i32
        %and3A_352 = vector.broadcast %and3A_351 : i32 to vector<16xi32>
        %and3A_353 = arith.andi %gather3A_334, %and3A_352 : vector<16xi32>
        tpu.vector_store_idx %arg7[%shift_right_arithmetic3A_350, %add3A_12, %and3A_353], %broadcast_in_dim3A_1 {add = true} : memref<2x64x128xf32, #tpu.memory_space<vmem>>[vector<16xi32>, vector<16xi32>, vector<16xi32>], vector<16xf32>,
        %shift_right_arithmetic3A_354 = arith.constant 7 : i32
        %shift_right_arithmetic3A_355 = vector.broadcast %shift_right_arithmetic3A_354 : i32 to vector<16xi32>
        %shift_right_arithmetic3A_356 = arith.shrsi %gather3A_335, %shift_right_arithmetic3A_355 : vector<16xi32>
        %and3A_357 = arith.constant 127 : i32
        %and3A_358 = vector.broadcast %and3A_357 : i32 to vector<16xi32>
        %and3A_359 = arith.andi %gather3A_335, %and3A_358 : vector<16xi32>
        tpu.vector_store_idx %arg7[%shift_right_arithmetic3A_356, %add3A_15, %and3A_359], %broadcast_in_dim3A_1 {add = true} : memref<2x64x128xf32, #tpu.memory_space<vmem>>[vector<16xi32>, vector<16xi32>, vector<16xi32>], vector<16xf32>,
        %mul3A_360 = arith.constant 8 : i32
        %mul3A_361 = arith.muli %scan3A_236, %mul3A_360 : i32
        %add3A_362 = arith.constant 184 : i32
        %add3A_363 = arith.addi %add3A_362, %mul3A_361 : i32
        %add3A_364 = arith.constant 3 : i32
        %add3A_365 = arith.addi %add3A_363, %add3A_364 : i32
        %add3A_366 = vector.broadcast %add3A_365 : i32 to vector<16xi32>
        %add3A_367 = arith.addi %iota3A, %add3A_366 : vector<16xi32>
        %ge3A_368 = arith.constant 200 : i32
        %ge3A_369 = vector.broadcast %ge3A_368 : i32 to vector<16xi32>
        %ge3A_370 = arith.cmpi sge, %add3A_367, %ge3A_369 : vector<16xi32>
        %sub3A_371 = arith.constant 200 : i32
        %sub3A_372 = vector.broadcast %sub3A_371 : i32 to vector<16xi32>
        %sub3A_373 = arith.subi %add3A_367, %sub3A_372 : vector<16xi32>
        %select_n3A_374 = arith.select %ge3A_370, %sub3A_373, %add3A_367 : vector<16xi1>, vector<16xi32>
        %gather3A_375 = tpu.vector_load_idx %arg5[%add3A_6, %select_n3A_374] : memref<64x200xi32, #tpu.memory_space<vmem>>[vector<16xi32>, vector<16xi32>], vector<16xi32>,
        %gather3A_376 = tpu.vector_load_idx %arg5[%add3A_9, %select_n3A_374] : memref<64x200xi32, #tpu.memory_space<vmem>>[vector<16xi32>, vector<16xi32>], vector<16xi32>,
        %gather3A_377 = tpu.vector_load_idx %arg5[%add3A_12, %select_n3A_374] : memref<64x200xi32, #tpu.memory_space<vmem>>[vector<16xi32>, vector<16xi32>], vector<16xi32>,
        %gather3A_378 = tpu.vector_load_idx %arg5[%add3A_15, %select_n3A_374] : memref<64x200xi32, #tpu.memory_space<vmem>>[vector<16xi32>, vector<16xi32>], vector<16xi32>,
        %shift_right_arithmetic3A_379 = arith.constant 7 : i32
        %shift_right_arithmetic3A_380 = vector.broadcast %shift_right_arithmetic3A_379 : i32 to vector<16xi32>
        %shift_right_arithmetic3A_381 = arith.shrsi %gather3A_375, %shift_right_arithmetic3A_380 : vector<16xi32>
        %and3A_382 = arith.constant 127 : i32
        %and3A_383 = vector.broadcast %and3A_382 : i32 to vector<16xi32>
        %and3A_384 = arith.andi %gather3A_375, %and3A_383 : vector<16xi32>
        tpu.vector_store_idx %arg7[%shift_right_arithmetic3A_381, %add3A_6, %and3A_384], %broadcast_in_dim3A_1 {add = true} : memref<2x64x128xf32, #tpu.memory_space<vmem>>[vector<16xi32>, vector<16xi32>, vector<16xi32>], vector<16xf32>,
        %shift_right_arithmetic3A_385 = arith.constant 7 : i32
        %shift_right_arithmetic3A_386 = vector.broadcast %shift_right_arithmetic3A_385 : i32 to vector<16xi32>
        %shift_right_arithmetic3A_387 = arith.shrsi %gather3A_376, %shift_right_arithmetic3A_386 : vector<16xi32>
        %and3A_388 = arith.constant 127 : i32
        %and3A_389 = vector.broadcast %and3A_388 : i32 to vector<16xi32>
        %and3A_390 = arith.andi %gather3A_376, %and3A_389 : vector<16xi32>
        tpu.vector_store_idx %arg7[%shift_right_arithmetic3A_387, %add3A_9, %and3A_390], %broadcast_in_dim3A_1 {add = true} : memref<2x64x128xf32, #tpu.memory_space<vmem>>[vector<16xi32>, vector<16xi32>, vector<16xi32>], vector<16xf32>,
        %shift_right_arithmetic3A_391 = arith.constant 7 : i32
        %shift_right_arithmetic3A_392 = vector.broadcast %shift_right_arithmetic3A_391 : i32 to vector<16xi32>
        %shift_right_arithmetic3A_393 = arith.shrsi %gather3A_377, %shift_right_arithmetic3A_392 : vector<16xi32>
        %and3A_394 = arith.constant 127 : i32
        %and3A_395 = vector.broadcast %and3A_394 : i32 to vector<16xi32>
        %and3A_396 = arith.andi %gather3A_377, %and3A_395 : vector<16xi32>
        tpu.vector_store_idx %arg7[%shift_right_arithmetic3A_393, %add3A_12, %and3A_396], %broadcast_in_dim3A_1 {add = true} : memref<2x64x128xf32, #tpu.memory_space<vmem>>[vector<16xi32>, vector<16xi32>, vector<16xi32>], vector<16xf32>,
        %shift_right_arithmetic3A_397 = arith.constant 7 : i32
        %shift_right_arithmetic3A_398 = vector.broadcast %shift_right_arithmetic3A_397 : i32 to vector<16xi32>
        %shift_right_arithmetic3A_399 = arith.shrsi %gather3A_378, %shift_right_arithmetic3A_398 : vector<16xi32>
        %and3A_400 = arith.constant 127 : i32
        %and3A_401 = vector.broadcast %and3A_400 : i32 to vector<16xi32>
        %and3A_402 = arith.andi %gather3A_378, %and3A_401 : vector<16xi32>
        tpu.vector_store_idx %arg7[%shift_right_arithmetic3A_399, %add3A_15, %and3A_402], %broadcast_in_dim3A_1 {add = true} : memref<2x64x128xf32, #tpu.memory_space<vmem>>[vector<16xi32>, vector<16xi32>, vector<16xi32>], vector<16xf32>,
        %mul3A_403 = arith.constant 8 : i32
        %mul3A_404 = arith.muli %scan3A_236, %mul3A_403 : i32
        %add3A_405 = arith.constant 184 : i32
        %add3A_406 = arith.addi %add3A_405, %mul3A_404 : i32
        %add3A_407 = arith.constant 4 : i32
        %add3A_408 = arith.addi %add3A_406, %add3A_407 : i32
        %add3A_409 = vector.broadcast %add3A_408 : i32 to vector<16xi32>
        %add3A_410 = arith.addi %iota3A, %add3A_409 : vector<16xi32>
        %ge3A_411 = arith.constant 200 : i32
        %ge3A_412 = vector.broadcast %ge3A_411 : i32 to vector<16xi32>
        %ge3A_413 = arith.cmpi sge, %add3A_410, %ge3A_412 : vector<16xi32>
        %sub3A_414 = arith.constant 200 : i32
        %sub3A_415 = vector.broadcast %sub3A_414 : i32 to vector<16xi32>
        %sub3A_416 = arith.subi %add3A_410, %sub3A_415 : vector<16xi32>
        %select_n3A_417 = arith.select %ge3A_413, %sub3A_416, %add3A_410 : vector<16xi1>, vector<16xi32>
        %gather3A_418 = tpu.vector_load_idx %arg5[%add3A_6, %select_n3A_417] : memref<64x200xi32, #tpu.memory_space<vmem>>[vector<16xi32>, vector<16xi32>], vector<16xi32>,
        %gather3A_419 = tpu.vector_load_idx %arg5[%add3A_9, %select_n3A_417] : memref<64x200xi32, #tpu.memory_space<vmem>>[vector<16xi32>, vector<16xi32>], vector<16xi32>,
        %gather3A_420 = tpu.vector_load_idx %arg5[%add3A_12, %select_n3A_417] : memref<64x200xi32, #tpu.memory_space<vmem>>[vector<16xi32>, vector<16xi32>], vector<16xi32>,
        %gather3A_421 = tpu.vector_load_idx %arg5[%add3A_15, %select_n3A_417] : memref<64x200xi32, #tpu.memory_space<vmem>>[vector<16xi32>, vector<16xi32>], vector<16xi32>,
        %shift_right_arithmetic3A_422 = arith.constant 7 : i32
        %shift_right_arithmetic3A_423 = vector.broadcast %shift_right_arithmetic3A_422 : i32 to vector<16xi32>
        %shift_right_arithmetic3A_424 = arith.shrsi %gather3A_418, %shift_right_arithmetic3A_423 : vector<16xi32>
        %and3A_425 = arith.constant 127 : i32
        %and3A_426 = vector.broadcast %and3A_425 : i32 to vector<16xi32>
        %and3A_427 = arith.andi %gather3A_418, %and3A_426 : vector<16xi32>
        tpu.vector_store_idx %arg7[%shift_right_arithmetic3A_424, %add3A_6, %and3A_427], %broadcast_in_dim3A_1 {add = true} : memref<2x64x128xf32, #tpu.memory_space<vmem>>[vector<16xi32>, vector<16xi32>, vector<16xi32>], vector<16xf32>,
        %shift_right_arithmetic3A_428 = arith.constant 7 : i32
        %shift_right_arithmetic3A_429 = vector.broadcast %shift_right_arithmetic3A_428 : i32 to vector<16xi32>
        %shift_right_arithmetic3A_430 = arith.shrsi %gather3A_419, %shift_right_arithmetic3A_429 : vector<16xi32>
        %and3A_431 = arith.constant 127 : i32
        %and3A_432 = vector.broadcast %and3A_431 : i32 to vector<16xi32>
        %and3A_433 = arith.andi %gather3A_419, %and3A_432 : vector<16xi32>
        tpu.vector_store_idx %arg7[%shift_right_arithmetic3A_430, %add3A_9, %and3A_433], %broadcast_in_dim3A_1 {add = true} : memref<2x64x128xf32, #tpu.memory_space<vmem>>[vector<16xi32>, vector<16xi32>, vector<16xi32>], vector<16xf32>,
        %shift_right_arithmetic3A_434 = arith.constant 7 : i32
        %shift_right_arithmetic3A_435 = vector.broadcast %shift_right_arithmetic3A_434 : i32 to vector<16xi32>
        %shift_right_arithmetic3A_436 = arith.shrsi %gather3A_420, %shift_right_arithmetic3A_435 : vector<16xi32>
        %and3A_437 = arith.constant 127 : i32
        %and3A_438 = vector.broadcast %and3A_437 : i32 to vector<16xi32>
        %and3A_439 = arith.andi %gather3A_420, %and3A_438 : vector<16xi32>
        tpu.vector_store_idx %arg7[%shift_right_arithmetic3A_436, %add3A_12, %and3A_439], %broadcast_in_dim3A_1 {add = true} : memref<2x64x128xf32, #tpu.memory_space<vmem>>[vector<16xi32>, vector<16xi32>, vector<16xi32>], vector<16xf32>,
        %shift_right_arithmetic3A_440 = arith.constant 7 : i32
        %shift_right_arithmetic3A_441 = vector.broadcast %shift_right_arithmetic3A_440 : i32 to vector<16xi32>
        %shift_right_arithmetic3A_442 = arith.shrsi %gather3A_421, %shift_right_arithmetic3A_441 : vector<16xi32>
        %and3A_443 = arith.constant 127 : i32
        %and3A_444 = vector.broadcast %and3A_443 : i32 to vector<16xi32>
        %and3A_445 = arith.andi %gather3A_421, %and3A_444 : vector<16xi32>
        tpu.vector_store_idx %arg7[%shift_right_arithmetic3A_442, %add3A_15, %and3A_445], %broadcast_in_dim3A_1 {add = true} : memref<2x64x128xf32, #tpu.memory_space<vmem>>[vector<16xi32>, vector<16xi32>, vector<16xi32>], vector<16xf32>,
        %mul3A_446 = arith.constant 8 : i32
        %mul3A_447 = arith.muli %scan3A_236, %mul3A_446 : i32
        %add3A_448 = arith.constant 184 : i32
        %add3A_449 = arith.addi %add3A_448, %mul3A_447 : i32
        %add3A_450 = arith.constant 5 : i32
        %add3A_451 = arith.addi %add3A_449, %add3A_450 : i32
        %add3A_452 = vector.broadcast %add3A_451 : i32 to vector<16xi32>
        %add3A_453 = arith.addi %iota3A, %add3A_452 : vector<16xi32>
        %ge3A_454 = arith.constant 200 : i32
        %ge3A_455 = vector.broadcast %ge3A_454 : i32 to vector<16xi32>
        %ge3A_456 = arith.cmpi sge, %add3A_453, %ge3A_455 : vector<16xi32>
        %sub3A_457 = arith.constant 200 : i32
        %sub3A_458 = vector.broadcast %sub3A_457 : i32 to vector<16xi32>
        %sub3A_459 = arith.subi %add3A_453, %sub3A_458 : vector<16xi32>
        %select_n3A_460 = arith.select %ge3A_456, %sub3A_459, %add3A_453 : vector<16xi1>, vector<16xi32>
        %gather3A_461 = tpu.vector_load_idx %arg5[%add3A_6, %select_n3A_460] : memref<64x200xi32, #tpu.memory_space<vmem>>[vector<16xi32>, vector<16xi32>], vector<16xi32>,
        %gather3A_462 = tpu.vector_load_idx %arg5[%add3A_9, %select_n3A_460] : memref<64x200xi32, #tpu.memory_space<vmem>>[vector<16xi32>, vector<16xi32>], vector<16xi32>,
        %gather3A_463 = tpu.vector_load_idx %arg5[%add3A_12, %select_n3A_460] : memref<64x200xi32, #tpu.memory_space<vmem>>[vector<16xi32>, vector<16xi32>], vector<16xi32>,
        %gather3A_464 = tpu.vector_load_idx %arg5[%add3A_15, %select_n3A_460] : memref<64x200xi32, #tpu.memory_space<vmem>>[vector<16xi32>, vector<16xi32>], vector<16xi32>,
        %shift_right_arithmetic3A_465 = arith.constant 7 : i32
        %shift_right_arithmetic3A_466 = vector.broadcast %shift_right_arithmetic3A_465 : i32 to vector<16xi32>
        %shift_right_arithmetic3A_467 = arith.shrsi %gather3A_461, %shift_right_arithmetic3A_466 : vector<16xi32>
        %and3A_468 = arith.constant 127 : i32
        %and3A_469 = vector.broadcast %and3A_468 : i32 to vector<16xi32>
        %and3A_470 = arith.andi %gather3A_461, %and3A_469 : vector<16xi32>
        tpu.vector_store_idx %arg7[%shift_right_arithmetic3A_467, %add3A_6, %and3A_470], %broadcast_in_dim3A_1 {add = true} : memref<2x64x128xf32, #tpu.memory_space<vmem>>[vector<16xi32>, vector<16xi32>, vector<16xi32>], vector<16xf32>,
        %shift_right_arithmetic3A_471 = arith.constant 7 : i32
        %shift_right_arithmetic3A_472 = vector.broadcast %shift_right_arithmetic3A_471 : i32 to vector<16xi32>
        %shift_right_arithmetic3A_473 = arith.shrsi %gather3A_462, %shift_right_arithmetic3A_472 : vector<16xi32>
        %and3A_474 = arith.constant 127 : i32
        %and3A_475 = vector.broadcast %and3A_474 : i32 to vector<16xi32>
        %and3A_476 = arith.andi %gather3A_462, %and3A_475 : vector<16xi32>
        tpu.vector_store_idx %arg7[%shift_right_arithmetic3A_473, %add3A_9, %and3A_476], %broadcast_in_dim3A_1 {add = true} : memref<2x64x128xf32, #tpu.memory_space<vmem>>[vector<16xi32>, vector<16xi32>, vector<16xi32>], vector<16xf32>,
        %shift_right_arithmetic3A_477 = arith.constant 7 : i32
        %shift_right_arithmetic3A_478 = vector.broadcast %shift_right_arithmetic3A_477 : i32 to vector<16xi32>
        %shift_right_arithmetic3A_479 = arith.shrsi %gather3A_463, %shift_right_arithmetic3A_478 : vector<16xi32>
        %and3A_480 = arith.constant 127 : i32
        %and3A_481 = vector.broadcast %and3A_480 : i32 to vector<16xi32>
        %and3A_482 = arith.andi %gather3A_463, %and3A_481 : vector<16xi32>
        tpu.vector_store_idx %arg7[%shift_right_arithmetic3A_479, %add3A_12, %and3A_482], %broadcast_in_dim3A_1 {add = true} : memref<2x64x128xf32, #tpu.memory_space<vmem>>[vector<16xi32>, vector<16xi32>, vector<16xi32>], vector<16xf32>,
        %shift_right_arithmetic3A_483 = arith.constant 7 : i32
        %shift_right_arithmetic3A_484 = vector.broadcast %shift_right_arithmetic3A_483 : i32 to vector<16xi32>
        %shift_right_arithmetic3A_485 = arith.shrsi %gather3A_464, %shift_right_arithmetic3A_484 : vector<16xi32>
        %and3A_486 = arith.constant 127 : i32
        %and3A_487 = vector.broadcast %and3A_486 : i32 to vector<16xi32>
        %and3A_488 = arith.andi %gather3A_464, %and3A_487 : vector<16xi32>
        tpu.vector_store_idx %arg7[%shift_right_arithmetic3A_485, %add3A_15, %and3A_488], %broadcast_in_dim3A_1 {add = true} : memref<2x64x128xf32, #tpu.memory_space<vmem>>[vector<16xi32>, vector<16xi32>, vector<16xi32>], vector<16xf32>,
        %mul3A_489 = arith.constant 8 : i32
        %mul3A_490 = arith.muli %scan3A_236, %mul3A_489 : i32
        %add3A_491 = arith.constant 184 : i32
        %add3A_492 = arith.addi %add3A_491, %mul3A_490 : i32
        %add3A_493 = arith.constant 6 : i32
        %add3A_494 = arith.addi %add3A_492, %add3A_493 : i32
        %add3A_495 = vector.broadcast %add3A_494 : i32 to vector<16xi32>
        %add3A_496 = arith.addi %iota3A, %add3A_495 : vector<16xi32>
        %ge3A_497 = arith.constant 200 : i32
        %ge3A_498 = vector.broadcast %ge3A_497 : i32 to vector<16xi32>
        %ge3A_499 = arith.cmpi sge, %add3A_496, %ge3A_498 : vector<16xi32>
        %sub3A_500 = arith.constant 200 : i32
        %sub3A_501 = vector.broadcast %sub3A_500 : i32 to vector<16xi32>
        %sub3A_502 = arith.subi %add3A_496, %sub3A_501 : vector<16xi32>
        %select_n3A_503 = arith.select %ge3A_499, %sub3A_502, %add3A_496 : vector<16xi1>, vector<16xi32>
        %gather3A_504 = tpu.vector_load_idx %arg5[%add3A_6, %select_n3A_503] : memref<64x200xi32, #tpu.memory_space<vmem>>[vector<16xi32>, vector<16xi32>], vector<16xi32>,
        %gather3A_505 = tpu.vector_load_idx %arg5[%add3A_9, %select_n3A_503] : memref<64x200xi32, #tpu.memory_space<vmem>>[vector<16xi32>, vector<16xi32>], vector<16xi32>,
        %gather3A_506 = tpu.vector_load_idx %arg5[%add3A_12, %select_n3A_503] : memref<64x200xi32, #tpu.memory_space<vmem>>[vector<16xi32>, vector<16xi32>], vector<16xi32>,
        %gather3A_507 = tpu.vector_load_idx %arg5[%add3A_15, %select_n3A_503] : memref<64x200xi32, #tpu.memory_space<vmem>>[vector<16xi32>, vector<16xi32>], vector<16xi32>,
        %shift_right_arithmetic3A_508 = arith.constant 7 : i32
        %shift_right_arithmetic3A_509 = vector.broadcast %shift_right_arithmetic3A_508 : i32 to vector<16xi32>
        %shift_right_arithmetic3A_510 = arith.shrsi %gather3A_504, %shift_right_arithmetic3A_509 : vector<16xi32>
        %and3A_511 = arith.constant 127 : i32
        %and3A_512 = vector.broadcast %and3A_511 : i32 to vector<16xi32>
        %and3A_513 = arith.andi %gather3A_504, %and3A_512 : vector<16xi32>
        tpu.vector_store_idx %arg7[%shift_right_arithmetic3A_510, %add3A_6, %and3A_513], %broadcast_in_dim3A_1 {add = true} : memref<2x64x128xf32, #tpu.memory_space<vmem>>[vector<16xi32>, vector<16xi32>, vector<16xi32>], vector<16xf32>,
        %shift_right_arithmetic3A_514 = arith.constant 7 : i32
        %shift_right_arithmetic3A_515 = vector.broadcast %shift_right_arithmetic3A_514 : i32 to vector<16xi32>
        %shift_right_arithmetic3A_516 = arith.shrsi %gather3A_505, %shift_right_arithmetic3A_515 : vector<16xi32>
        %and3A_517 = arith.constant 127 : i32
        %and3A_518 = vector.broadcast %and3A_517 : i32 to vector<16xi32>
        %and3A_519 = arith.andi %gather3A_505, %and3A_518 : vector<16xi32>
        tpu.vector_store_idx %arg7[%shift_right_arithmetic3A_516, %add3A_9, %and3A_519], %broadcast_in_dim3A_1 {add = true} : memref<2x64x128xf32, #tpu.memory_space<vmem>>[vector<16xi32>, vector<16xi32>, vector<16xi32>], vector<16xf32>,
        %shift_right_arithmetic3A_520 = arith.constant 7 : i32
        %shift_right_arithmetic3A_521 = vector.broadcast %shift_right_arithmetic3A_520 : i32 to vector<16xi32>
        %shift_right_arithmetic3A_522 = arith.shrsi %gather3A_506, %shift_right_arithmetic3A_521 : vector<16xi32>
        %and3A_523 = arith.constant 127 : i32
        %and3A_524 = vector.broadcast %and3A_523 : i32 to vector<16xi32>
        %and3A_525 = arith.andi %gather3A_506, %and3A_524 : vector<16xi32>
        tpu.vector_store_idx %arg7[%shift_right_arithmetic3A_522, %add3A_12, %and3A_525], %broadcast_in_dim3A_1 {add = true} : memref<2x64x128xf32, #tpu.memory_space<vmem>>[vector<16xi32>, vector<16xi32>, vector<16xi32>], vector<16xf32>,
        %shift_right_arithmetic3A_526 = arith.constant 7 : i32
        %shift_right_arithmetic3A_527 = vector.broadcast %shift_right_arithmetic3A_526 : i32 to vector<16xi32>
        %shift_right_arithmetic3A_528 = arith.shrsi %gather3A_507, %shift_right_arithmetic3A_527 : vector<16xi32>
        %and3A_529 = arith.constant 127 : i32
        %and3A_530 = vector.broadcast %and3A_529 : i32 to vector<16xi32>
        %and3A_531 = arith.andi %gather3A_507, %and3A_530 : vector<16xi32>
        tpu.vector_store_idx %arg7[%shift_right_arithmetic3A_528, %add3A_15, %and3A_531], %broadcast_in_dim3A_1 {add = true} : memref<2x64x128xf32, #tpu.memory_space<vmem>>[vector<16xi32>, vector<16xi32>, vector<16xi32>], vector<16xf32>,
        %mul3A_532 = arith.constant 8 : i32
        %mul3A_533 = arith.muli %scan3A_236, %mul3A_532 : i32
        %add3A_534 = arith.constant 184 : i32
        %add3A_535 = arith.addi %add3A_534, %mul3A_533 : i32
        %add3A_536 = arith.constant 7 : i32
        %add3A_537 = arith.addi %add3A_535, %add3A_536 : i32
        %add3A_538 = vector.broadcast %add3A_537 : i32 to vector<16xi32>
        %add3A_539 = arith.addi %iota3A, %add3A_538 : vector<16xi32>
        %ge3A_540 = arith.constant 200 : i32
        %ge3A_541 = vector.broadcast %ge3A_540 : i32 to vector<16xi32>
        %ge3A_542 = arith.cmpi sge, %add3A_539, %ge3A_541 : vector<16xi32>
        %sub3A_543 = arith.constant 200 : i32
        %sub3A_544 = vector.broadcast %sub3A_543 : i32 to vector<16xi32>
        %sub3A_545 = arith.subi %add3A_539, %sub3A_544 : vector<16xi32>
        %select_n3A_546 = arith.select %ge3A_542, %sub3A_545, %add3A_539 : vector<16xi1>, vector<16xi32>
        %gather3A_547 = tpu.vector_load_idx %arg5[%add3A_6, %select_n3A_546] : memref<64x200xi32, #tpu.memory_space<vmem>>[vector<16xi32>, vector<16xi32>], vector<16xi32>,
        %gather3A_548 = tpu.vector_load_idx %arg5[%add3A_9, %select_n3A_546] : memref<64x200xi32, #tpu.memory_space<vmem>>[vector<16xi32>, vector<16xi32>], vector<16xi32>,
        %gather3A_549 = tpu.vector_load_idx %arg5[%add3A_12, %select_n3A_546] : memref<64x200xi32, #tpu.memory_space<vmem>>[vector<16xi32>, vector<16xi32>], vector<16xi32>,
        %gather3A_550 = tpu.vector_load_idx %arg5[%add3A_15, %select_n3A_546] : memref<64x200xi32, #tpu.memory_space<vmem>>[vector<16xi32>, vector<16xi32>], vector<16xi32>,
        %shift_right_arithmetic3A_551 = arith.constant 7 : i32
        %shift_right_arithmetic3A_552 = vector.broadcast %shift_right_arithmetic3A_551 : i32 to vector<16xi32>
        %shift_right_arithmetic3A_553 = arith.shrsi %gather3A_547, %shift_right_arithmetic3A_552 : vector<16xi32>
        %and3A_554 = arith.constant 127 : i32
        %and3A_555 = vector.broadcast %and3A_554 : i32 to vector<16xi32>
        %and3A_556 = arith.andi %gather3A_547, %and3A_555 : vector<16xi32>
        tpu.vector_store_idx %arg7[%shift_right_arithmetic3A_553, %add3A_6, %and3A_556], %broadcast_in_dim3A_1 {add = true} : memref<2x64x128xf32, #tpu.memory_space<vmem>>[vector<16xi32>, vector<16xi32>, vector<16xi32>], vector<16xf32>,
        %shift_right_arithmetic3A_557 = arith.constant 7 : i32
        %shift_right_arithmetic3A_558 = vector.broadcast %shift_right_arithmetic3A_557 : i32 to vector<16xi32>
        %shift_right_arithmetic3A_559 = arith.shrsi %gather3A_548, %shift_right_arithmetic3A_558 : vector<16xi32>
        %and3A_560 = arith.constant 127 : i32
        %and3A_561 = vector.broadcast %and3A_560 : i32 to vector<16xi32>
        %and3A_562 = arith.andi %gather3A_548, %and3A_561 : vector<16xi32>
        tpu.vector_store_idx %arg7[%shift_right_arithmetic3A_559, %add3A_9, %and3A_562], %broadcast_in_dim3A_1 {add = true} : memref<2x64x128xf32, #tpu.memory_space<vmem>>[vector<16xi32>, vector<16xi32>, vector<16xi32>], vector<16xf32>,
        %shift_right_arithmetic3A_563 = arith.constant 7 : i32
        %shift_right_arithmetic3A_564 = vector.broadcast %shift_right_arithmetic3A_563 : i32 to vector<16xi32>
        %shift_right_arithmetic3A_565 = arith.shrsi %gather3A_549, %shift_right_arithmetic3A_564 : vector<16xi32>
        %and3A_566 = arith.constant 127 : i32
        %and3A_567 = vector.broadcast %and3A_566 : i32 to vector<16xi32>
        %and3A_568 = arith.andi %gather3A_549, %and3A_567 : vector<16xi32>
        tpu.vector_store_idx %arg7[%shift_right_arithmetic3A_565, %add3A_12, %and3A_568], %broadcast_in_dim3A_1 {add = true} : memref<2x64x128xf32, #tpu.memory_space<vmem>>[vector<16xi32>, vector<16xi32>, vector<16xi32>], vector<16xf32>,
        %shift_right_arithmetic3A_569 = arith.constant 7 : i32
        %shift_right_arithmetic3A_570 = vector.broadcast %shift_right_arithmetic3A_569 : i32 to vector<16xi32>
        %shift_right_arithmetic3A_571 = arith.shrsi %gather3A_550, %shift_right_arithmetic3A_570 : vector<16xi32>
        %and3A_572 = arith.constant 127 : i32
        %and3A_573 = vector.broadcast %and3A_572 : i32 to vector<16xi32>
        %and3A_574 = arith.andi %gather3A_550, %and3A_573 : vector<16xi32>
        tpu.vector_store_idx %arg7[%shift_right_arithmetic3A_571, %add3A_15, %and3A_574], %broadcast_in_dim3A_1 {add = true} : memref<2x64x128xf32, #tpu.memory_space<vmem>>[vector<16xi32>, vector<16xi32>, vector<16xi32>], vector<16xf32>,
      }
      %scan3A_128 = arith.constant 2 : i32
      %lt3A = arith.constant 3 : i32
      %lt3A_129 = arith.cmpi slt, %scan3A_95, %lt3A : i32
      %convert_element_type3A_130 = arith.extui %lt3A_129 : i1 to i32
      %cond3A_131 = arith.constant 0 : i32
      %cond3A_132 = arith.cmpi ne, %convert_element_type3A_130, %cond3A_131 : i32
      scf.if %cond3A_132 {
        %add3A_236 = arith.constant 2 : i32
        %add3A_237 = arith.addi %add3A_99, %add3A_236 : i32
        %mul3A_238 = arith.constant 512 : i32
        %mul3A_239 = arith.muli %add3A, %mul3A_238 : i32
        %mul3A_240 = arith.constant 64 : i32
        %mul3A_241 = arith.muli %add3A_237, %mul3A_240 : i32
        %add3A_242 = arith.addi %mul3A_239, %mul3A_241 : i32
        %dma_start3A_243 = arith.constant 0 : i32
        %dma_start3A_244 = tpu.memref_slice %arg2[%add3A_242, %dma_start3A_243] : memref<16384x200xi32, #tpu.memory_space<hbm>> -> memref<64x200xi32, #tpu.memory_space<hbm>>
        %dma_start3A_245 = arith.constant 0 : i32
        %dma_start3A_246 = tpu.memref_slice %arg2[%add3A_242, %dma_start3A_245] : memref<16384x200xi32, #tpu.memory_space<hbm>> -> memref<64x200xi32, #tpu.memory_space<hbm>>
        tpu.enqueue_dma source(%dma_start3A_246 : memref<64x200xi32, #tpu.memory_space<hbm>>) target(%arg5 : memref<64x200xi32, #tpu.memory_space<vmem>>) target_semaphore(%arg9 : memref<!tpu.dma_semaphore, #tpu.memory_space<semaphore_mem>>)
      } else {
      }
      %mul3A_133 = arith.constant 512 : i32
      %mul3A_134 = arith.muli %add3A, %mul3A_133 : i32
      %mul3A_135 = arith.constant 64 : i32
      %mul3A_136 = arith.muli %add3A_99, %mul3A_135 : i32
      %add3A_137 = arith.addi %mul3A_134, %mul3A_136 : i32
      %dma_start3A_138 = arith.constant 0 : i32
      %dma_start3A_139 = arith.constant 0 : i32
      %dma_start3A_140 = arith.constant 0 : i32
      %dma_start3A_141 = tpu.memref_slice %arg7[%dma_start3A_138, %dma_start3A_139, %dma_start3A_140] : memref<2x64x128xf32, #tpu.memory_space<vmem>> -> memref<1x64x128xf32, #tpu.memory_space<vmem>>
      %dma_start3A_142 = tpu.memref_squeeze %dma_start3A_141 : memref<1x64x128xf32, #tpu.memory_space<vmem>> -> memref<64x128xf32, #tpu.memory_space<vmem>>
      %dma_start3A_143 = arith.constant 0 : i32
      %dma_start3A_144 = tpu.memref_slice %arg3[%add3A_137, %dma_start3A_143] : memref<16384x128xf32, #tpu.memory_space<hbm>> -> memref<64x128xf32, #tpu.memory_space<hbm>>
      %dma_start3A_145 = arith.constant 0 : i32
      %dma_start3A_146 = tpu.memref_slice %arg3[%add3A_137, %dma_start3A_145] : memref<16384x128xf32, #tpu.memory_space<hbm>> -> memref<64x128xf32, #tpu.memory_space<hbm>>
      %dma_start3A_147 = arith.constant 0 : i32
      %dma_start3A_148 = arith.constant 0 : i32
      %dma_start3A_149 = tpu.memref_slice %arg7[%dma_start3A_138, %dma_start3A_147, %dma_start3A_148] : memref<2x64x128xf32, #tpu.memory_space<vmem>> -> memref<1x64x128xf32, #tpu.memory_space<vmem>>
      %dma_start3A_150 = tpu.memref_squeeze %dma_start3A_149 : memref<1x64x128xf32, #tpu.memory_space<vmem>> -> memref<64x128xf32, #tpu.memory_space<vmem>>
      tpu.enqueue_dma source(%dma_start3A_150 : memref<64x128xf32, #tpu.memory_space<vmem>>) target(%dma_start3A_146 : memref<64x128xf32, #tpu.memory_space<hbm>>) target_semaphore(%arg11 : memref<!tpu.dma_semaphore, #tpu.memory_space<semaphore_mem>>)
      %dma_start3A_151 = arith.constant 1 : i32
      %dma_start3A_152 = arith.constant 0 : i32
      %dma_start3A_153 = arith.constant 0 : i32
      %dma_start3A_154 = tpu.memref_slice %arg7[%dma_start3A_151, %dma_start3A_152, %dma_start3A_153] : memref<2x64x128xf32, #tpu.memory_space<vmem>> -> memref<1x64x128xf32, #tpu.memory_space<vmem>>
      %dma_start3A_155 = tpu.memref_squeeze %dma_start3A_154 : memref<1x64x128xf32, #tpu.memory_space<vmem>> -> memref<64x128xf32, #tpu.memory_space<vmem>>
      %dma_start3A_156 = arith.constant 0 : i32
      %dma_start3A_157 = tpu.memref_slice %arg4[%add3A_137, %dma_start3A_156] : memref<16384x128xf32, #tpu.memory_space<hbm>> -> memref<64x128xf32, #tpu.memory_space<hbm>>
      %dma_start3A_158 = arith.constant 0 : i32
      %dma_start3A_159 = tpu.memref_slice %arg4[%add3A_137, %dma_start3A_158] : memref<16384x128xf32, #tpu.memory_space<hbm>> -> memref<64x128xf32, #tpu.memory_space<hbm>>
      %dma_start3A_160 = arith.constant 0 : i32
      %dma_start3A_161 = arith.constant 0 : i32
      %dma_start3A_162 = tpu.memref_slice %arg7[%dma_start3A_151, %dma_start3A_160, %dma_start3A_161] : memref<2x64x128xf32, #tpu.memory_space<vmem>> -> memref<1x64x128xf32, #tpu.memory_space<vmem>>
      %dma_start3A_163 = tpu.memref_squeeze %dma_start3A_162 : memref<1x64x128xf32, #tpu.memory_space<vmem>> -> memref<64x128xf32, #tpu.memory_space<vmem>>
      tpu.enqueue_dma source(%dma_start3A_163 : memref<64x128xf32, #tpu.memory_space<vmem>>) target(%dma_start3A_159 : memref<64x128xf32, #tpu.memory_space<hbm>>) target_semaphore(%arg11 : memref<!tpu.dma_semaphore, #tpu.memory_space<semaphore_mem>>)
      %mul3A_164 = arith.constant 2 : i32
      %mul3A_165 = arith.muli %mul3A_164, %scan3A_95 : i32
      %add3A_166 = arith.constant 1 : i32
      %add3A_167 = arith.addi %mul3A_165, %add3A_166 : i32
      %gt3A_168 = arith.constant 0 : i32
      %gt3A_169 = arith.cmpi sgt, %scan3A_95, %gt3A_168 : i32
      %convert_element_type3A_170 = arith.extui %gt3A_169 : i1 to i32
      %cond3A_171 = arith.constant 0 : i32
      %cond3A_172 = arith.cmpi ne, %convert_element_type3A_170, %cond3A_171 : i32
      scf.if %cond3A_172 {
        %sub3A = arith.constant 2 : i32
        %sub3A_236 = arith.subi %add3A_167, %sub3A : i32
        %mul3A_237 = arith.constant 512 : i32
        %mul3A_238 = arith.muli %add3A, %mul3A_237 : i32
        %mul3A_239 = arith.constant 64 : i32
        %mul3A_240 = arith.muli %sub3A_236, %mul3A_239 : i32
        %add3A_241 = arith.addi %mul3A_238, %mul3A_240 : i32
        %dma_wait3A_242 = arith.constant 0 : i32
        %dma_wait3A_243 = arith.constant 0 : i32
        %dma_wait3A_244 = arith.constant 0 : i32
        %dma_wait3A_245 = tpu.memref_slice %arg8[%dma_wait3A_242, %dma_wait3A_243, %dma_wait3A_244] : memref<2x64x128xf32, #tpu.memory_space<vmem>> -> memref<1x64x128xf32, #tpu.memory_space<vmem>>
        %dma_wait3A_246 = tpu.memref_squeeze %dma_wait3A_245 : memref<1x64x128xf32, #tpu.memory_space<vmem>> -> memref<64x128xf32, #tpu.memory_space<vmem>>
        %dma_wait3A_247 = arith.constant 0 : i32
        %dma_wait3A_248 = tpu.memref_slice %arg3[%add3A_241, %dma_wait3A_247] : memref<16384x128xf32, #tpu.memory_space<hbm>> -> memref<64x128xf32, #tpu.memory_space<hbm>>
        %dma_wait3A_249 = arith.constant 0 : i32
        %dma_wait3A_250 = tpu.memref_slice %arg3[%add3A_241, %dma_wait3A_249] : memref<16384x128xf32, #tpu.memory_space<hbm>> -> memref<64x128xf32, #tpu.memory_space<hbm>>
        %dma_wait3A_251 = arith.constant 0 : i32
        %dma_wait3A_252 = arith.constant 0 : i32
        %dma_wait3A_253 = tpu.memref_slice %arg8[%dma_wait3A_242, %dma_wait3A_251, %dma_wait3A_252] : memref<2x64x128xf32, #tpu.memory_space<vmem>> -> memref<1x64x128xf32, #tpu.memory_space<vmem>>
        %dma_wait3A_254 = tpu.memref_squeeze %dma_wait3A_253 : memref<1x64x128xf32, #tpu.memory_space<vmem>> -> memref<64x128xf32, #tpu.memory_space<vmem>>
        tpu.wait_dma2 semaphore(%arg12 : memref<!tpu.dma_semaphore, #tpu.memory_space<semaphore_mem>>) src(%dma_wait3A_254 : memref<64x128xf32, #tpu.memory_space<vmem>>) dst(%dma_wait3A_250 : memref<64x128xf32, #tpu.memory_space<hbm>>)
        %dma_wait3A_255 = arith.constant 1 : i32
        %dma_wait3A_256 = arith.constant 0 : i32
        %dma_wait3A_257 = arith.constant 0 : i32
        %dma_wait3A_258 = tpu.memref_slice %arg8[%dma_wait3A_255, %dma_wait3A_256, %dma_wait3A_257] : memref<2x64x128xf32, #tpu.memory_space<vmem>> -> memref<1x64x128xf32, #tpu.memory_space<vmem>>
        %dma_wait3A_259 = tpu.memref_squeeze %dma_wait3A_258 : memref<1x64x128xf32, #tpu.memory_space<vmem>> -> memref<64x128xf32, #tpu.memory_space<vmem>>
        %dma_wait3A_260 = arith.constant 0 : i32
        %dma_wait3A_261 = tpu.memref_slice %arg4[%add3A_241, %dma_wait3A_260] : memref<16384x128xf32, #tpu.memory_space<hbm>> -> memref<64x128xf32, #tpu.memory_space<hbm>>
        %dma_wait3A_262 = arith.constant 0 : i32
        %dma_wait3A_263 = tpu.memref_slice %arg4[%add3A_241, %dma_wait3A_262] : memref<16384x128xf32, #tpu.memory_space<hbm>> -> memref<64x128xf32, #tpu.memory_space<hbm>>
        %dma_wait3A_264 = arith.constant 0 : i32
        %dma_wait3A_265 = arith.constant 0 : i32
        %dma_wait3A_266 = tpu.memref_slice %arg8[%dma_wait3A_255, %dma_wait3A_264, %dma_wait3A_265] : memref<2x64x128xf32, #tpu.memory_space<vmem>> -> memref<1x64x128xf32, #tpu.memory_space<vmem>>
        %dma_wait3A_267 = tpu.memref_squeeze %dma_wait3A_266 : memref<1x64x128xf32, #tpu.memory_space<vmem>> -> memref<64x128xf32, #tpu.memory_space<vmem>>
        tpu.wait_dma2 semaphore(%arg12 : memref<!tpu.dma_semaphore, #tpu.memory_space<semaphore_mem>>) src(%dma_wait3A_267 : memref<64x128xf32, #tpu.memory_space<vmem>>) dst(%dma_wait3A_263 : memref<64x128xf32, #tpu.memory_space<hbm>>)
      } else {
      }
      %mul3A_173 = arith.constant 512 : i32
      %mul3A_174 = arith.muli %add3A, %mul3A_173 : i32
      %mul3A_175 = arith.constant 64 : i32
      %mul3A_176 = arith.muli %add3A_167, %mul3A_175 : i32
      %add3A_177 = arith.addi %mul3A_174, %mul3A_176 : i32
      %dma_wait3A_178 = arith.constant 0 : i32
      %dma_wait3A_179 = tpu.memref_slice %arg2[%add3A_177, %dma_wait3A_178] : memref<16384x200xi32, #tpu.memory_space<hbm>> -> memref<64x200xi32, #tpu.memory_space<hbm>>
      %dma_wait3A_180 = arith.constant 0 : i32
      %dma_wait3A_181 = tpu.memref_slice %arg2[%add3A_177, %dma_wait3A_180] : memref<16384x200xi32, #tpu.memory_space<hbm>> -> memref<64x200xi32, #tpu.memory_space<hbm>>
      tpu.wait_dma2 semaphore(%arg10 : memref<!tpu.dma_semaphore, #tpu.memory_space<semaphore_mem>>) src(%dma_wait3A_181 : memref<64x200xi32, #tpu.memory_space<hbm>>) dst(%arg6 : memref<64x200xi32, #tpu.memory_space<vmem>>)
      %scan3A_182 = arith.constant 0 : i32
      %scan3A_183 = arith.constant 0 : i32
      %scan3A_184 = arith.constant 64 : i32
      %scan3A_185 = arith.addi %scan3A_183, %scan3A_184 : i32
      %scan3A_186 = arith.constant 1 : i32
      scf.for %scan3A_236 = %scan3A_183 to %scan3A_185 step %scan3A_186  : i32 {
        %swap3A = arith.constant 0 : i32
        %swap3A_237 = arith.index_cast %swap3A : i32 to index
        %swap3A_238 = arith.index_cast %scan3A_236 : i32 to index
        %swap3A_239 = arith.constant 0 : index
        %swap3A_240 = tpu.vector_load %arg8[%swap3A_237, %swap3A_238, %swap3A_239] {strides = array<i32>} : memref<2x64x128xf32, #tpu.memory_space<vmem>>, vector<16xf32>,
        tpu.vector_store %arg8[%swap3A_237, %swap3A_238, %swap3A_239], %broadcast_in_dim3A_3 {strides = array<i32>} : memref<2x64x128xf32, #tpu.memory_space<vmem>>, vector<16xf32>,
        %swap3A_241 = arith.constant 0 : i32
        %swap3A_242 = arith.index_cast %swap3A_241 : i32 to index
        %swap3A_243 = arith.index_cast %scan3A_236 : i32 to index
        %swap3A_244 = arith.constant 16 : index
        %swap3A_245 = tpu.vector_load %arg8[%swap3A_242, %swap3A_243, %swap3A_244] {strides = array<i32>} : memref<2x64x128xf32, #tpu.memory_space<vmem>>, vector<16xf32>,
        tpu.vector_store %arg8[%swap3A_242, %swap3A_243, %swap3A_244], %broadcast_in_dim3A_3 {strides = array<i32>} : memref<2x64x128xf32, #tpu.memory_space<vmem>>, vector<16xf32>,
        %swap3A_246 = arith.constant 0 : i32
        %swap3A_247 = arith.index_cast %swap3A_246 : i32 to index
        %swap3A_248 = arith.index_cast %scan3A_236 : i32 to index
        %swap3A_249 = arith.constant 32 : index
        %swap3A_250 = tpu.vector_load %arg8[%swap3A_247, %swap3A_248, %swap3A_249] {strides = array<i32>} : memref<2x64x128xf32, #tpu.memory_space<vmem>>, vector<16xf32>,
        tpu.vector_store %arg8[%swap3A_247, %swap3A_248, %swap3A_249], %broadcast_in_dim3A_3 {strides = array<i32>} : memref<2x64x128xf32, #tpu.memory_space<vmem>>, vector<16xf32>,
        %swap3A_251 = arith.constant 0 : i32
        %swap3A_252 = arith.index_cast %swap3A_251 : i32 to index
        %swap3A_253 = arith.index_cast %scan3A_236 : i32 to index
        %swap3A_254 = arith.constant 48 : index
        %swap3A_255 = tpu.vector_load %arg8[%swap3A_252, %swap3A_253, %swap3A_254] {strides = array<i32>} : memref<2x64x128xf32, #tpu.memory_space<vmem>>, vector<16xf32>,
        tpu.vector_store %arg8[%swap3A_252, %swap3A_253, %swap3A_254], %broadcast_in_dim3A_3 {strides = array<i32>} : memref<2x64x128xf32, #tpu.memory_space<vmem>>, vector<16xf32>,
        %swap3A_256 = arith.constant 0 : i32
        %swap3A_257 = arith.index_cast %swap3A_256 : i32 to index
        %swap3A_258 = arith.index_cast %scan3A_236 : i32 to index
        %swap3A_259 = arith.constant 64 : index
        %swap3A_260 = tpu.vector_load %arg8[%swap3A_257, %swap3A_258, %swap3A_259] {strides = array<i32>} : memref<2x64x128xf32, #tpu.memory_space<vmem>>, vector<16xf32>,
        tpu.vector_store %arg8[%swap3A_257, %swap3A_258, %swap3A_259], %broadcast_in_dim3A_3 {strides = array<i32>} : memref<2x64x128xf32, #tpu.memory_space<vmem>>, vector<16xf32>,
        %swap3A_261 = arith.constant 0 : i32
        %swap3A_262 = arith.index_cast %swap3A_261 : i32 to index
        %swap3A_263 = arith.index_cast %scan3A_236 : i32 to index
        %swap3A_264 = arith.constant 80 : index
        %swap3A_265 = tpu.vector_load %arg8[%swap3A_262, %swap3A_263, %swap3A_264] {strides = array<i32>} : memref<2x64x128xf32, #tpu.memory_space<vmem>>, vector<16xf32>,
        tpu.vector_store %arg8[%swap3A_262, %swap3A_263, %swap3A_264], %broadcast_in_dim3A_3 {strides = array<i32>} : memref<2x64x128xf32, #tpu.memory_space<vmem>>, vector<16xf32>,
        %swap3A_266 = arith.constant 0 : i32
        %swap3A_267 = arith.index_cast %swap3A_266 : i32 to index
        %swap3A_268 = arith.index_cast %scan3A_236 : i32 to index
        %swap3A_269 = arith.constant 96 : index
        %swap3A_270 = tpu.vector_load %arg8[%swap3A_267, %swap3A_268, %swap3A_269] {strides = array<i32>} : memref<2x64x128xf32, #tpu.memory_space<vmem>>, vector<16xf32>,
        tpu.vector_store %arg8[%swap3A_267, %swap3A_268, %swap3A_269], %broadcast_in_dim3A_3 {strides = array<i32>} : memref<2x64x128xf32, #tpu.memory_space<vmem>>, vector<16xf32>,
        %swap3A_271 = arith.constant 0 : i32
        %swap3A_272 = arith.index_cast %swap3A_271 : i32 to index
        %swap3A_273 = arith.index_cast %scan3A_236 : i32 to index
        %swap3A_274 = arith.constant 112 : index
        %swap3A_275 = tpu.vector_load %arg8[%swap3A_272, %swap3A_273, %swap3A_274] {strides = array<i32>} : memref<2x64x128xf32, #tpu.memory_space<vmem>>, vector<16xf32>,
        tpu.vector_store %arg8[%swap3A_272, %swap3A_273, %swap3A_274], %broadcast_in_dim3A_3 {strides = array<i32>} : memref<2x64x128xf32, #tpu.memory_space<vmem>>, vector<16xf32>,
        %swap3A_276 = arith.constant 1 : i32
        %swap3A_277 = arith.index_cast %swap3A_276 : i32 to index
        %swap3A_278 = arith.index_cast %scan3A_236 : i32 to index
        %swap3A_279 = arith.constant 0 : index
        %swap3A_280 = tpu.vector_load %arg8[%swap3A_277, %swap3A_278, %swap3A_279] {strides = array<i32>} : memref<2x64x128xf32, #tpu.memory_space<vmem>>, vector<16xf32>,
        tpu.vector_store %arg8[%swap3A_277, %swap3A_278, %swap3A_279], %broadcast_in_dim3A_3 {strides = array<i32>} : memref<2x64x128xf32, #tpu.memory_space<vmem>>, vector<16xf32>,
        %swap3A_281 = arith.constant 1 : i32
        %swap3A_282 = arith.index_cast %swap3A_281 : i32 to index
        %swap3A_283 = arith.index_cast %scan3A_236 : i32 to index
        %swap3A_284 = arith.constant 16 : index
        %swap3A_285 = tpu.vector_load %arg8[%swap3A_282, %swap3A_283, %swap3A_284] {strides = array<i32>} : memref<2x64x128xf32, #tpu.memory_space<vmem>>, vector<16xf32>,
        tpu.vector_store %arg8[%swap3A_282, %swap3A_283, %swap3A_284], %broadcast_in_dim3A_3 {strides = array<i32>} : memref<2x64x128xf32, #tpu.memory_space<vmem>>, vector<16xf32>,
        %swap3A_286 = arith.constant 1 : i32
        %swap3A_287 = arith.index_cast %swap3A_286 : i32 to index
        %swap3A_288 = arith.index_cast %scan3A_236 : i32 to index
        %swap3A_289 = arith.constant 32 : index
        %swap3A_290 = tpu.vector_load %arg8[%swap3A_287, %swap3A_288, %swap3A_289] {strides = array<i32>} : memref<2x64x128xf32, #tpu.memory_space<vmem>>, vector<16xf32>,
        tpu.vector_store %arg8[%swap3A_287, %swap3A_288, %swap3A_289], %broadcast_in_dim3A_3 {strides = array<i32>} : memref<2x64x128xf32, #tpu.memory_space<vmem>>, vector<16xf32>,
        %swap3A_291 = arith.constant 1 : i32
        %swap3A_292 = arith.index_cast %swap3A_291 : i32 to index
        %swap3A_293 = arith.index_cast %scan3A_236 : i32 to index
        %swap3A_294 = arith.constant 48 : index
        %swap3A_295 = tpu.vector_load %arg8[%swap3A_292, %swap3A_293, %swap3A_294] {strides = array<i32>} : memref<2x64x128xf32, #tpu.memory_space<vmem>>, vector<16xf32>,
        tpu.vector_store %arg8[%swap3A_292, %swap3A_293, %swap3A_294], %broadcast_in_dim3A_3 {strides = array<i32>} : memref<2x64x128xf32, #tpu.memory_space<vmem>>, vector<16xf32>,
        %swap3A_296 = arith.constant 1 : i32
        %swap3A_297 = arith.index_cast %swap3A_296 : i32 to index
        %swap3A_298 = arith.index_cast %scan3A_236 : i32 to index
        %swap3A_299 = arith.constant 64 : index
        %swap3A_300 = tpu.vector_load %arg8[%swap3A_297, %swap3A_298, %swap3A_299] {strides = array<i32>} : memref<2x64x128xf32, #tpu.memory_space<vmem>>, vector<16xf32>,
        tpu.vector_store %arg8[%swap3A_297, %swap3A_298, %swap3A_299], %broadcast_in_dim3A_3 {strides = array<i32>} : memref<2x64x128xf32, #tpu.memory_space<vmem>>, vector<16xf32>,
        %swap3A_301 = arith.constant 1 : i32
        %swap3A_302 = arith.index_cast %swap3A_301 : i32 to index
        %swap3A_303 = arith.index_cast %scan3A_236 : i32 to index
        %swap3A_304 = arith.constant 80 : index
        %swap3A_305 = tpu.vector_load %arg8[%swap3A_302, %swap3A_303, %swap3A_304] {strides = array<i32>} : memref<2x64x128xf32, #tpu.memory_space<vmem>>, vector<16xf32>,
        tpu.vector_store %arg8[%swap3A_302, %swap3A_303, %swap3A_304], %broadcast_in_dim3A_3 {strides = array<i32>} : memref<2x64x128xf32, #tpu.memory_space<vmem>>, vector<16xf32>,
        %swap3A_306 = arith.constant 1 : i32
        %swap3A_307 = arith.index_cast %swap3A_306 : i32 to index
        %swap3A_308 = arith.index_cast %scan3A_236 : i32 to index
        %swap3A_309 = arith.constant 96 : index
        %swap3A_310 = tpu.vector_load %arg8[%swap3A_307, %swap3A_308, %swap3A_309] {strides = array<i32>} : memref<2x64x128xf32, #tpu.memory_space<vmem>>, vector<16xf32>,
        tpu.vector_store %arg8[%swap3A_307, %swap3A_308, %swap3A_309], %broadcast_in_dim3A_3 {strides = array<i32>} : memref<2x64x128xf32, #tpu.memory_space<vmem>>, vector<16xf32>,
        %swap3A_311 = arith.constant 1 : i32
        %swap3A_312 = arith.index_cast %swap3A_311 : i32 to index
        %swap3A_313 = arith.index_cast %scan3A_236 : i32 to index
        %swap3A_314 = arith.constant 112 : index
        %swap3A_315 = tpu.vector_load %arg8[%swap3A_312, %swap3A_313, %swap3A_314] {strides = array<i32>} : memref<2x64x128xf32, #tpu.memory_space<vmem>>, vector<16xf32>,
        tpu.vector_store %arg8[%swap3A_312, %swap3A_313, %swap3A_314], %broadcast_in_dim3A_3 {strides = array<i32>} : memref<2x64x128xf32, #tpu.memory_space<vmem>>, vector<16xf32>,
      }
      %scan3A_187 = arith.constant 64 : i32
      %scan3A_188 = arith.constant 0 : i32
      %scan3A_189 = arith.constant 0 : i32
      %scan3A_190 = arith.constant 23 : i32
      %scan3A_191 = arith.addi %scan3A_189, %scan3A_190 : i32
      %scan3A_192 = arith.constant 1 : i32
      scf.for %scan3A_236 = %scan3A_189 to %scan3A_191 step %scan3A_192  : i32 {
        %mul3A_237 = arith.constant 8 : i32
        %mul3A_238 = arith.muli %scan3A_236, %mul3A_237 : i32
        %add3A_239 = arith.constant 0 : i32
        %add3A_240 = arith.addi %mul3A_238, %add3A_239 : i32
        %add3A_241 = vector.broadcast %add3A_240 : i32 to vector<16xi32>
        %add3A_242 = arith.addi %iota3A, %add3A_241 : vector<16xi32>
        %gather3A = tpu.vector_load_idx %arg6[%add3A_6, %add3A_242] : memref<64x200xi32, #tpu.memory_space<vmem>>[vector<16xi32>, vector<16xi32>], vector<16xi32>,
        %gather3A_243 = tpu.vector_load_idx %arg6[%add3A_9, %add3A_242] : memref<64x200xi32, #tpu.memory_space<vmem>>[vector<16xi32>, vector<16xi32>], vector<16xi32>,
        %gather3A_244 = tpu.vector_load_idx %arg6[%add3A_12, %add3A_242] : memref<64x200xi32, #tpu.memory_space<vmem>>[vector<16xi32>, vector<16xi32>], vector<16xi32>,
        %gather3A_245 = tpu.vector_load_idx %arg6[%add3A_15, %add3A_242] : memref<64x200xi32, #tpu.memory_space<vmem>>[vector<16xi32>, vector<16xi32>], vector<16xi32>,
        %shift_right_arithmetic3A = arith.constant 7 : i32
        %shift_right_arithmetic3A_246 = vector.broadcast %shift_right_arithmetic3A : i32 to vector<16xi32>
        %shift_right_arithmetic3A_247 = arith.shrsi %gather3A, %shift_right_arithmetic3A_246 : vector<16xi32>
        %and3A = arith.constant 127 : i32
        %and3A_248 = vector.broadcast %and3A : i32 to vector<16xi32>
        %and3A_249 = arith.andi %gather3A, %and3A_248 : vector<16xi32>
        tpu.vector_store_idx %arg8[%shift_right_arithmetic3A_247, %add3A_6, %and3A_249], %broadcast_in_dim3A_1 {add = true} : memref<2x64x128xf32, #tpu.memory_space<vmem>>[vector<16xi32>, vector<16xi32>, vector<16xi32>], vector<16xf32>,
        %shift_right_arithmetic3A_250 = arith.constant 7 : i32
        %shift_right_arithmetic3A_251 = vector.broadcast %shift_right_arithmetic3A_250 : i32 to vector<16xi32>
        %shift_right_arithmetic3A_252 = arith.shrsi %gather3A_243, %shift_right_arithmetic3A_251 : vector<16xi32>
        %and3A_253 = arith.constant 127 : i32
        %and3A_254 = vector.broadcast %and3A_253 : i32 to vector<16xi32>
        %and3A_255 = arith.andi %gather3A_243, %and3A_254 : vector<16xi32>
        tpu.vector_store_idx %arg8[%shift_right_arithmetic3A_252, %add3A_9, %and3A_255], %broadcast_in_dim3A_1 {add = true} : memref<2x64x128xf32, #tpu.memory_space<vmem>>[vector<16xi32>, vector<16xi32>, vector<16xi32>], vector<16xf32>,
        %shift_right_arithmetic3A_256 = arith.constant 7 : i32
        %shift_right_arithmetic3A_257 = vector.broadcast %shift_right_arithmetic3A_256 : i32 to vector<16xi32>
        %shift_right_arithmetic3A_258 = arith.shrsi %gather3A_244, %shift_right_arithmetic3A_257 : vector<16xi32>
        %and3A_259 = arith.constant 127 : i32
        %and3A_260 = vector.broadcast %and3A_259 : i32 to vector<16xi32>
        %and3A_261 = arith.andi %gather3A_244, %and3A_260 : vector<16xi32>
        tpu.vector_store_idx %arg8[%shift_right_arithmetic3A_258, %add3A_12, %and3A_261], %broadcast_in_dim3A_1 {add = true} : memref<2x64x128xf32, #tpu.memory_space<vmem>>[vector<16xi32>, vector<16xi32>, vector<16xi32>], vector<16xf32>,
        %shift_right_arithmetic3A_262 = arith.constant 7 : i32
        %shift_right_arithmetic3A_263 = vector.broadcast %shift_right_arithmetic3A_262 : i32 to vector<16xi32>
        %shift_right_arithmetic3A_264 = arith.shrsi %gather3A_245, %shift_right_arithmetic3A_263 : vector<16xi32>
        %and3A_265 = arith.constant 127 : i32
        %and3A_266 = vector.broadcast %and3A_265 : i32 to vector<16xi32>
        %and3A_267 = arith.andi %gather3A_245, %and3A_266 : vector<16xi32>
        tpu.vector_store_idx %arg8[%shift_right_arithmetic3A_264, %add3A_15, %and3A_267], %broadcast_in_dim3A_1 {add = true} : memref<2x64x128xf32, #tpu.memory_space<vmem>>[vector<16xi32>, vector<16xi32>, vector<16xi32>], vector<16xf32>,
        %mul3A_268 = arith.constant 8 : i32
        %mul3A_269 = arith.muli %scan3A_236, %mul3A_268 : i32
        %add3A_270 = arith.constant 1 : i32
        %add3A_271 = arith.addi %mul3A_269, %add3A_270 : i32
        %add3A_272 = vector.broadcast %add3A_271 : i32 to vector<16xi32>
        %add3A_273 = arith.addi %iota3A, %add3A_272 : vector<16xi32>
        %gather3A_274 = tpu.vector_load_idx %arg6[%add3A_6, %add3A_273] : memref<64x200xi32, #tpu.memory_space<vmem>>[vector<16xi32>, vector<16xi32>], vector<16xi32>,
        %gather3A_275 = tpu.vector_load_idx %arg6[%add3A_9, %add3A_273] : memref<64x200xi32, #tpu.memory_space<vmem>>[vector<16xi32>, vector<16xi32>], vector<16xi32>,
        %gather3A_276 = tpu.vector_load_idx %arg6[%add3A_12, %add3A_273] : memref<64x200xi32, #tpu.memory_space<vmem>>[vector<16xi32>, vector<16xi32>], vector<16xi32>,
        %gather3A_277 = tpu.vector_load_idx %arg6[%add3A_15, %add3A_273] : memref<64x200xi32, #tpu.memory_space<vmem>>[vector<16xi32>, vector<16xi32>], vector<16xi32>,
        %shift_right_arithmetic3A_278 = arith.constant 7 : i32
        %shift_right_arithmetic3A_279 = vector.broadcast %shift_right_arithmetic3A_278 : i32 to vector<16xi32>
        %shift_right_arithmetic3A_280 = arith.shrsi %gather3A_274, %shift_right_arithmetic3A_279 : vector<16xi32>
        %and3A_281 = arith.constant 127 : i32
        %and3A_282 = vector.broadcast %and3A_281 : i32 to vector<16xi32>
        %and3A_283 = arith.andi %gather3A_274, %and3A_282 : vector<16xi32>
        tpu.vector_store_idx %arg8[%shift_right_arithmetic3A_280, %add3A_6, %and3A_283], %broadcast_in_dim3A_1 {add = true} : memref<2x64x128xf32, #tpu.memory_space<vmem>>[vector<16xi32>, vector<16xi32>, vector<16xi32>], vector<16xf32>,
        %shift_right_arithmetic3A_284 = arith.constant 7 : i32
        %shift_right_arithmetic3A_285 = vector.broadcast %shift_right_arithmetic3A_284 : i32 to vector<16xi32>
        %shift_right_arithmetic3A_286 = arith.shrsi %gather3A_275, %shift_right_arithmetic3A_285 : vector<16xi32>
        %and3A_287 = arith.constant 127 : i32
        %and3A_288 = vector.broadcast %and3A_287 : i32 to vector<16xi32>
        %and3A_289 = arith.andi %gather3A_275, %and3A_288 : vector<16xi32>
        tpu.vector_store_idx %arg8[%shift_right_arithmetic3A_286, %add3A_9, %and3A_289], %broadcast_in_dim3A_1 {add = true} : memref<2x64x128xf32, #tpu.memory_space<vmem>>[vector<16xi32>, vector<16xi32>, vector<16xi32>], vector<16xf32>,
        %shift_right_arithmetic3A_290 = arith.constant 7 : i32
        %shift_right_arithmetic3A_291 = vector.broadcast %shift_right_arithmetic3A_290 : i32 to vector<16xi32>
        %shift_right_arithmetic3A_292 = arith.shrsi %gather3A_276, %shift_right_arithmetic3A_291 : vector<16xi32>
        %and3A_293 = arith.constant 127 : i32
        %and3A_294 = vector.broadcast %and3A_293 : i32 to vector<16xi32>
        %and3A_295 = arith.andi %gather3A_276, %and3A_294 : vector<16xi32>
        tpu.vector_store_idx %arg8[%shift_right_arithmetic3A_292, %add3A_12, %and3A_295], %broadcast_in_dim3A_1 {add = true} : memref<2x64x128xf32, #tpu.memory_space<vmem>>[vector<16xi32>, vector<16xi32>, vector<16xi32>], vector<16xf32>,
        %shift_right_arithmetic3A_296 = arith.constant 7 : i32
        %shift_right_arithmetic3A_297 = vector.broadcast %shift_right_arithmetic3A_296 : i32 to vector<16xi32>
        %shift_right_arithmetic3A_298 = arith.shrsi %gather3A_277, %shift_right_arithmetic3A_297 : vector<16xi32>
        %and3A_299 = arith.constant 127 : i32
        %and3A_300 = vector.broadcast %and3A_299 : i32 to vector<16xi32>
        %and3A_301 = arith.andi %gather3A_277, %and3A_300 : vector<16xi32>
        tpu.vector_store_idx %arg8[%shift_right_arithmetic3A_298, %add3A_15, %and3A_301], %broadcast_in_dim3A_1 {add = true} : memref<2x64x128xf32, #tpu.memory_space<vmem>>[vector<16xi32>, vector<16xi32>, vector<16xi32>], vector<16xf32>,
        %mul3A_302 = arith.constant 8 : i32
        %mul3A_303 = arith.muli %scan3A_236, %mul3A_302 : i32
        %add3A_304 = arith.constant 2 : i32
        %add3A_305 = arith.addi %mul3A_303, %add3A_304 : i32
        %add3A_306 = vector.broadcast %add3A_305 : i32 to vector<16xi32>
        %add3A_307 = arith.addi %iota3A, %add3A_306 : vector<16xi32>
        %gather3A_308 = tpu.vector_load_idx %arg6[%add3A_6, %add3A_307] : memref<64x200xi32, #tpu.memory_space<vmem>>[vector<16xi32>, vector<16xi32>], vector<16xi32>,
        %gather3A_309 = tpu.vector_load_idx %arg6[%add3A_9, %add3A_307] : memref<64x200xi32, #tpu.memory_space<vmem>>[vector<16xi32>, vector<16xi32>], vector<16xi32>,
        %gather3A_310 = tpu.vector_load_idx %arg6[%add3A_12, %add3A_307] : memref<64x200xi32, #tpu.memory_space<vmem>>[vector<16xi32>, vector<16xi32>], vector<16xi32>,
        %gather3A_311 = tpu.vector_load_idx %arg6[%add3A_15, %add3A_307] : memref<64x200xi32, #tpu.memory_space<vmem>>[vector<16xi32>, vector<16xi32>], vector<16xi32>,
        %shift_right_arithmetic3A_312 = arith.constant 7 : i32
        %shift_right_arithmetic3A_313 = vector.broadcast %shift_right_arithmetic3A_312 : i32 to vector<16xi32>
        %shift_right_arithmetic3A_314 = arith.shrsi %gather3A_308, %shift_right_arithmetic3A_313 : vector<16xi32>
        %and3A_315 = arith.constant 127 : i32
        %and3A_316 = vector.broadcast %and3A_315 : i32 to vector<16xi32>
        %and3A_317 = arith.andi %gather3A_308, %and3A_316 : vector<16xi32>
        tpu.vector_store_idx %arg8[%shift_right_arithmetic3A_314, %add3A_6, %and3A_317], %broadcast_in_dim3A_1 {add = true} : memref<2x64x128xf32, #tpu.memory_space<vmem>>[vector<16xi32>, vector<16xi32>, vector<16xi32>], vector<16xf32>,
        %shift_right_arithmetic3A_318 = arith.constant 7 : i32
        %shift_right_arithmetic3A_319 = vector.broadcast %shift_right_arithmetic3A_318 : i32 to vector<16xi32>
        %shift_right_arithmetic3A_320 = arith.shrsi %gather3A_309, %shift_right_arithmetic3A_319 : vector<16xi32>
        %and3A_321 = arith.constant 127 : i32
        %and3A_322 = vector.broadcast %and3A_321 : i32 to vector<16xi32>
        %and3A_323 = arith.andi %gather3A_309, %and3A_322 : vector<16xi32>
        tpu.vector_store_idx %arg8[%shift_right_arithmetic3A_320, %add3A_9, %and3A_323], %broadcast_in_dim3A_1 {add = true} : memref<2x64x128xf32, #tpu.memory_space<vmem>>[vector<16xi32>, vector<16xi32>, vector<16xi32>], vector<16xf32>,
        %shift_right_arithmetic3A_324 = arith.constant 7 : i32
        %shift_right_arithmetic3A_325 = vector.broadcast %shift_right_arithmetic3A_324 : i32 to vector<16xi32>
        %shift_right_arithmetic3A_326 = arith.shrsi %gather3A_310, %shift_right_arithmetic3A_325 : vector<16xi32>
        %and3A_327 = arith.constant 127 : i32
        %and3A_328 = vector.broadcast %and3A_327 : i32 to vector<16xi32>
        %and3A_329 = arith.andi %gather3A_310, %and3A_328 : vector<16xi32>
        tpu.vector_store_idx %arg8[%shift_right_arithmetic3A_326, %add3A_12, %and3A_329], %broadcast_in_dim3A_1 {add = true} : memref<2x64x128xf32, #tpu.memory_space<vmem>>[vector<16xi32>, vector<16xi32>, vector<16xi32>], vector<16xf32>,
        %shift_right_arithmetic3A_330 = arith.constant 7 : i32
        %shift_right_arithmetic3A_331 = vector.broadcast %shift_right_arithmetic3A_330 : i32 to vector<16xi32>
        %shift_right_arithmetic3A_332 = arith.shrsi %gather3A_311, %shift_right_arithmetic3A_331 : vector<16xi32>
        %and3A_333 = arith.constant 127 : i32
        %and3A_334 = vector.broadcast %and3A_333 : i32 to vector<16xi32>
        %and3A_335 = arith.andi %gather3A_311, %and3A_334 : vector<16xi32>
        tpu.vector_store_idx %arg8[%shift_right_arithmetic3A_332, %add3A_15, %and3A_335], %broadcast_in_dim3A_1 {add = true} : memref<2x64x128xf32, #tpu.memory_space<vmem>>[vector<16xi32>, vector<16xi32>, vector<16xi32>], vector<16xf32>,
        %mul3A_336 = arith.constant 8 : i32
        %mul3A_337 = arith.muli %scan3A_236, %mul3A_336 : i32
        %add3A_338 = arith.constant 3 : i32
        %add3A_339 = arith.addi %mul3A_337, %add3A_338 : i32
        %add3A_340 = vector.broadcast %add3A_339 : i32 to vector<16xi32>
        %add3A_341 = arith.addi %iota3A, %add3A_340 : vector<16xi32>
        %gather3A_342 = tpu.vector_load_idx %arg6[%add3A_6, %add3A_341] : memref<64x200xi32, #tpu.memory_space<vmem>>[vector<16xi32>, vector<16xi32>], vector<16xi32>,
        %gather3A_343 = tpu.vector_load_idx %arg6[%add3A_9, %add3A_341] : memref<64x200xi32, #tpu.memory_space<vmem>>[vector<16xi32>, vector<16xi32>], vector<16xi32>,
        %gather3A_344 = tpu.vector_load_idx %arg6[%add3A_12, %add3A_341] : memref<64x200xi32, #tpu.memory_space<vmem>>[vector<16xi32>, vector<16xi32>], vector<16xi32>,
        %gather3A_345 = tpu.vector_load_idx %arg6[%add3A_15, %add3A_341] : memref<64x200xi32, #tpu.memory_space<vmem>>[vector<16xi32>, vector<16xi32>], vector<16xi32>,
        %shift_right_arithmetic3A_346 = arith.constant 7 : i32
        %shift_right_arithmetic3A_347 = vector.broadcast %shift_right_arithmetic3A_346 : i32 to vector<16xi32>
        %shift_right_arithmetic3A_348 = arith.shrsi %gather3A_342, %shift_right_arithmetic3A_347 : vector<16xi32>
        %and3A_349 = arith.constant 127 : i32
        %and3A_350 = vector.broadcast %and3A_349 : i32 to vector<16xi32>
        %and3A_351 = arith.andi %gather3A_342, %and3A_350 : vector<16xi32>
        tpu.vector_store_idx %arg8[%shift_right_arithmetic3A_348, %add3A_6, %and3A_351], %broadcast_in_dim3A_1 {add = true} : memref<2x64x128xf32, #tpu.memory_space<vmem>>[vector<16xi32>, vector<16xi32>, vector<16xi32>], vector<16xf32>,
        %shift_right_arithmetic3A_352 = arith.constant 7 : i32
        %shift_right_arithmetic3A_353 = vector.broadcast %shift_right_arithmetic3A_352 : i32 to vector<16xi32>
        %shift_right_arithmetic3A_354 = arith.shrsi %gather3A_343, %shift_right_arithmetic3A_353 : vector<16xi32>
        %and3A_355 = arith.constant 127 : i32
        %and3A_356 = vector.broadcast %and3A_355 : i32 to vector<16xi32>
        %and3A_357 = arith.andi %gather3A_343, %and3A_356 : vector<16xi32>
        tpu.vector_store_idx %arg8[%shift_right_arithmetic3A_354, %add3A_9, %and3A_357], %broadcast_in_dim3A_1 {add = true} : memref<2x64x128xf32, #tpu.memory_space<vmem>>[vector<16xi32>, vector<16xi32>, vector<16xi32>], vector<16xf32>,
        %shift_right_arithmetic3A_358 = arith.constant 7 : i32
        %shift_right_arithmetic3A_359 = vector.broadcast %shift_right_arithmetic3A_358 : i32 to vector<16xi32>
        %shift_right_arithmetic3A_360 = arith.shrsi %gather3A_344, %shift_right_arithmetic3A_359 : vector<16xi32>
        %and3A_361 = arith.constant 127 : i32
        %and3A_362 = vector.broadcast %and3A_361 : i32 to vector<16xi32>
        %and3A_363 = arith.andi %gather3A_344, %and3A_362 : vector<16xi32>
        tpu.vector_store_idx %arg8[%shift_right_arithmetic3A_360, %add3A_12, %and3A_363], %broadcast_in_dim3A_1 {add = true} : memref<2x64x128xf32, #tpu.memory_space<vmem>>[vector<16xi32>, vector<16xi32>, vector<16xi32>], vector<16xf32>,
        %shift_right_arithmetic3A_364 = arith.constant 7 : i32
        %shift_right_arithmetic3A_365 = vector.broadcast %shift_right_arithmetic3A_364 : i32 to vector<16xi32>
        %shift_right_arithmetic3A_366 = arith.shrsi %gather3A_345, %shift_right_arithmetic3A_365 : vector<16xi32>
        %and3A_367 = arith.constant 127 : i32
        %and3A_368 = vector.broadcast %and3A_367 : i32 to vector<16xi32>
        %and3A_369 = arith.andi %gather3A_345, %and3A_368 : vector<16xi32>
        tpu.vector_store_idx %arg8[%shift_right_arithmetic3A_366, %add3A_15, %and3A_369], %broadcast_in_dim3A_1 {add = true} : memref<2x64x128xf32, #tpu.memory_space<vmem>>[vector<16xi32>, vector<16xi32>, vector<16xi32>], vector<16xf32>,
        %mul3A_370 = arith.constant 8 : i32
        %mul3A_371 = arith.muli %scan3A_236, %mul3A_370 : i32
        %add3A_372 = arith.constant 4 : i32
        %add3A_373 = arith.addi %mul3A_371, %add3A_372 : i32
        %add3A_374 = vector.broadcast %add3A_373 : i32 to vector<16xi32>
        %add3A_375 = arith.addi %iota3A, %add3A_374 : vector<16xi32>
        %gather3A_376 = tpu.vector_load_idx %arg6[%add3A_6, %add3A_375] : memref<64x200xi32, #tpu.memory_space<vmem>>[vector<16xi32>, vector<16xi32>], vector<16xi32>,
        %gather3A_377 = tpu.vector_load_idx %arg6[%add3A_9, %add3A_375] : memref<64x200xi32, #tpu.memory_space<vmem>>[vector<16xi32>, vector<16xi32>], vector<16xi32>,
        %gather3A_378 = tpu.vector_load_idx %arg6[%add3A_12, %add3A_375] : memref<64x200xi32, #tpu.memory_space<vmem>>[vector<16xi32>, vector<16xi32>], vector<16xi32>,
        %gather3A_379 = tpu.vector_load_idx %arg6[%add3A_15, %add3A_375] : memref<64x200xi32, #tpu.memory_space<vmem>>[vector<16xi32>, vector<16xi32>], vector<16xi32>,
        %shift_right_arithmetic3A_380 = arith.constant 7 : i32
        %shift_right_arithmetic3A_381 = vector.broadcast %shift_right_arithmetic3A_380 : i32 to vector<16xi32>
        %shift_right_arithmetic3A_382 = arith.shrsi %gather3A_376, %shift_right_arithmetic3A_381 : vector<16xi32>
        %and3A_383 = arith.constant 127 : i32
        %and3A_384 = vector.broadcast %and3A_383 : i32 to vector<16xi32>
        %and3A_385 = arith.andi %gather3A_376, %and3A_384 : vector<16xi32>
        tpu.vector_store_idx %arg8[%shift_right_arithmetic3A_382, %add3A_6, %and3A_385], %broadcast_in_dim3A_1 {add = true} : memref<2x64x128xf32, #tpu.memory_space<vmem>>[vector<16xi32>, vector<16xi32>, vector<16xi32>], vector<16xf32>,
        %shift_right_arithmetic3A_386 = arith.constant 7 : i32
        %shift_right_arithmetic3A_387 = vector.broadcast %shift_right_arithmetic3A_386 : i32 to vector<16xi32>
        %shift_right_arithmetic3A_388 = arith.shrsi %gather3A_377, %shift_right_arithmetic3A_387 : vector<16xi32>
        %and3A_389 = arith.constant 127 : i32
        %and3A_390 = vector.broadcast %and3A_389 : i32 to vector<16xi32>
        %and3A_391 = arith.andi %gather3A_377, %and3A_390 : vector<16xi32>
        tpu.vector_store_idx %arg8[%shift_right_arithmetic3A_388, %add3A_9, %and3A_391], %broadcast_in_dim3A_1 {add = true} : memref<2x64x128xf32, #tpu.memory_space<vmem>>[vector<16xi32>, vector<16xi32>, vector<16xi32>], vector<16xf32>,
        %shift_right_arithmetic3A_392 = arith.constant 7 : i32
        %shift_right_arithmetic3A_393 = vector.broadcast %shift_right_arithmetic3A_392 : i32 to vector<16xi32>
        %shift_right_arithmetic3A_394 = arith.shrsi %gather3A_378, %shift_right_arithmetic3A_393 : vector<16xi32>
        %and3A_395 = arith.constant 127 : i32
        %and3A_396 = vector.broadcast %and3A_395 : i32 to vector<16xi32>
        %and3A_397 = arith.andi %gather3A_378, %and3A_396 : vector<16xi32>
        tpu.vector_store_idx %arg8[%shift_right_arithmetic3A_394, %add3A_12, %and3A_397], %broadcast_in_dim3A_1 {add = true} : memref<2x64x128xf32, #tpu.memory_space<vmem>>[vector<16xi32>, vector<16xi32>, vector<16xi32>], vector<16xf32>,
        %shift_right_arithmetic3A_398 = arith.constant 7 : i32
        %shift_right_arithmetic3A_399 = vector.broadcast %shift_right_arithmetic3A_398 : i32 to vector<16xi32>
        %shift_right_arithmetic3A_400 = arith.shrsi %gather3A_379, %shift_right_arithmetic3A_399 : vector<16xi32>
        %and3A_401 = arith.constant 127 : i32
        %and3A_402 = vector.broadcast %and3A_401 : i32 to vector<16xi32>
        %and3A_403 = arith.andi %gather3A_379, %and3A_402 : vector<16xi32>
        tpu.vector_store_idx %arg8[%shift_right_arithmetic3A_400, %add3A_15, %and3A_403], %broadcast_in_dim3A_1 {add = true} : memref<2x64x128xf32, #tpu.memory_space<vmem>>[vector<16xi32>, vector<16xi32>, vector<16xi32>], vector<16xf32>,
        %mul3A_404 = arith.constant 8 : i32
        %mul3A_405 = arith.muli %scan3A_236, %mul3A_404 : i32
        %add3A_406 = arith.constant 5 : i32
        %add3A_407 = arith.addi %mul3A_405, %add3A_406 : i32
        %add3A_408 = vector.broadcast %add3A_407 : i32 to vector<16xi32>
        %add3A_409 = arith.addi %iota3A, %add3A_408 : vector<16xi32>
        %gather3A_410 = tpu.vector_load_idx %arg6[%add3A_6, %add3A_409] : memref<64x200xi32, #tpu.memory_space<vmem>>[vector<16xi32>, vector<16xi32>], vector<16xi32>,
        %gather3A_411 = tpu.vector_load_idx %arg6[%add3A_9, %add3A_409] : memref<64x200xi32, #tpu.memory_space<vmem>>[vector<16xi32>, vector<16xi32>], vector<16xi32>,
        %gather3A_412 = tpu.vector_load_idx %arg6[%add3A_12, %add3A_409] : memref<64x200xi32, #tpu.memory_space<vmem>>[vector<16xi32>, vector<16xi32>], vector<16xi32>,
        %gather3A_413 = tpu.vector_load_idx %arg6[%add3A_15, %add3A_409] : memref<64x200xi32, #tpu.memory_space<vmem>>[vector<16xi32>, vector<16xi32>], vector<16xi32>,
        %shift_right_arithmetic3A_414 = arith.constant 7 : i32
        %shift_right_arithmetic3A_415 = vector.broadcast %shift_right_arithmetic3A_414 : i32 to vector<16xi32>
        %shift_right_arithmetic3A_416 = arith.shrsi %gather3A_410, %shift_right_arithmetic3A_415 : vector<16xi32>
        %and3A_417 = arith.constant 127 : i32
        %and3A_418 = vector.broadcast %and3A_417 : i32 to vector<16xi32>
        %and3A_419 = arith.andi %gather3A_410, %and3A_418 : vector<16xi32>
        tpu.vector_store_idx %arg8[%shift_right_arithmetic3A_416, %add3A_6, %and3A_419], %broadcast_in_dim3A_1 {add = true} : memref<2x64x128xf32, #tpu.memory_space<vmem>>[vector<16xi32>, vector<16xi32>, vector<16xi32>], vector<16xf32>,
        %shift_right_arithmetic3A_420 = arith.constant 7 : i32
        %shift_right_arithmetic3A_421 = vector.broadcast %shift_right_arithmetic3A_420 : i32 to vector<16xi32>
        %shift_right_arithmetic3A_422 = arith.shrsi %gather3A_411, %shift_right_arithmetic3A_421 : vector<16xi32>
        %and3A_423 = arith.constant 127 : i32
        %and3A_424 = vector.broadcast %and3A_423 : i32 to vector<16xi32>
        %and3A_425 = arith.andi %gather3A_411, %and3A_424 : vector<16xi32>
        tpu.vector_store_idx %arg8[%shift_right_arithmetic3A_422, %add3A_9, %and3A_425], %broadcast_in_dim3A_1 {add = true} : memref<2x64x128xf32, #tpu.memory_space<vmem>>[vector<16xi32>, vector<16xi32>, vector<16xi32>], vector<16xf32>,
        %shift_right_arithmetic3A_426 = arith.constant 7 : i32
        %shift_right_arithmetic3A_427 = vector.broadcast %shift_right_arithmetic3A_426 : i32 to vector<16xi32>
        %shift_right_arithmetic3A_428 = arith.shrsi %gather3A_412, %shift_right_arithmetic3A_427 : vector<16xi32>
        %and3A_429 = arith.constant 127 : i32
        %and3A_430 = vector.broadcast %and3A_429 : i32 to vector<16xi32>
        %and3A_431 = arith.andi %gather3A_412, %and3A_430 : vector<16xi32>
        tpu.vector_store_idx %arg8[%shift_right_arithmetic3A_428, %add3A_12, %and3A_431], %broadcast_in_dim3A_1 {add = true} : memref<2x64x128xf32, #tpu.memory_space<vmem>>[vector<16xi32>, vector<16xi32>, vector<16xi32>], vector<16xf32>,
        %shift_right_arithmetic3A_432 = arith.constant 7 : i32
        %shift_right_arithmetic3A_433 = vector.broadcast %shift_right_arithmetic3A_432 : i32 to vector<16xi32>
        %shift_right_arithmetic3A_434 = arith.shrsi %gather3A_413, %shift_right_arithmetic3A_433 : vector<16xi32>
        %and3A_435 = arith.constant 127 : i32
        %and3A_436 = vector.broadcast %and3A_435 : i32 to vector<16xi32>
        %and3A_437 = arith.andi %gather3A_413, %and3A_436 : vector<16xi32>
        tpu.vector_store_idx %arg8[%shift_right_arithmetic3A_434, %add3A_15, %and3A_437], %broadcast_in_dim3A_1 {add = true} : memref<2x64x128xf32, #tpu.memory_space<vmem>>[vector<16xi32>, vector<16xi32>, vector<16xi32>], vector<16xf32>,
        %mul3A_438 = arith.constant 8 : i32
        %mul3A_439 = arith.muli %scan3A_236, %mul3A_438 : i32
        %add3A_440 = arith.constant 6 : i32
        %add3A_441 = arith.addi %mul3A_439, %add3A_440 : i32
        %add3A_442 = vector.broadcast %add3A_441 : i32 to vector<16xi32>
        %add3A_443 = arith.addi %iota3A, %add3A_442 : vector<16xi32>
        %gather3A_444 = tpu.vector_load_idx %arg6[%add3A_6, %add3A_443] : memref<64x200xi32, #tpu.memory_space<vmem>>[vector<16xi32>, vector<16xi32>], vector<16xi32>,
        %gather3A_445 = tpu.vector_load_idx %arg6[%add3A_9, %add3A_443] : memref<64x200xi32, #tpu.memory_space<vmem>>[vector<16xi32>, vector<16xi32>], vector<16xi32>,
        %gather3A_446 = tpu.vector_load_idx %arg6[%add3A_12, %add3A_443] : memref<64x200xi32, #tpu.memory_space<vmem>>[vector<16xi32>, vector<16xi32>], vector<16xi32>,
        %gather3A_447 = tpu.vector_load_idx %arg6[%add3A_15, %add3A_443] : memref<64x200xi32, #tpu.memory_space<vmem>>[vector<16xi32>, vector<16xi32>], vector<16xi32>,
        %shift_right_arithmetic3A_448 = arith.constant 7 : i32
        %shift_right_arithmetic3A_449 = vector.broadcast %shift_right_arithmetic3A_448 : i32 to vector<16xi32>
        %shift_right_arithmetic3A_450 = arith.shrsi %gather3A_444, %shift_right_arithmetic3A_449 : vector<16xi32>
        %and3A_451 = arith.constant 127 : i32
        %and3A_452 = vector.broadcast %and3A_451 : i32 to vector<16xi32>
        %and3A_453 = arith.andi %gather3A_444, %and3A_452 : vector<16xi32>
        tpu.vector_store_idx %arg8[%shift_right_arithmetic3A_450, %add3A_6, %and3A_453], %broadcast_in_dim3A_1 {add = true} : memref<2x64x128xf32, #tpu.memory_space<vmem>>[vector<16xi32>, vector<16xi32>, vector<16xi32>], vector<16xf32>,
        %shift_right_arithmetic3A_454 = arith.constant 7 : i32
        %shift_right_arithmetic3A_455 = vector.broadcast %shift_right_arithmetic3A_454 : i32 to vector<16xi32>
        %shift_right_arithmetic3A_456 = arith.shrsi %gather3A_445, %shift_right_arithmetic3A_455 : vector<16xi32>
        %and3A_457 = arith.constant 127 : i32
        %and3A_458 = vector.broadcast %and3A_457 : i32 to vector<16xi32>
        %and3A_459 = arith.andi %gather3A_445, %and3A_458 : vector<16xi32>
        tpu.vector_store_idx %arg8[%shift_right_arithmetic3A_456, %add3A_9, %and3A_459], %broadcast_in_dim3A_1 {add = true} : memref<2x64x128xf32, #tpu.memory_space<vmem>>[vector<16xi32>, vector<16xi32>, vector<16xi32>], vector<16xf32>,
        %shift_right_arithmetic3A_460 = arith.constant 7 : i32
        %shift_right_arithmetic3A_461 = vector.broadcast %shift_right_arithmetic3A_460 : i32 to vector<16xi32>
        %shift_right_arithmetic3A_462 = arith.shrsi %gather3A_446, %shift_right_arithmetic3A_461 : vector<16xi32>
        %and3A_463 = arith.constant 127 : i32
        %and3A_464 = vector.broadcast %and3A_463 : i32 to vector<16xi32>
        %and3A_465 = arith.andi %gather3A_446, %and3A_464 : vector<16xi32>
        tpu.vector_store_idx %arg8[%shift_right_arithmetic3A_462, %add3A_12, %and3A_465], %broadcast_in_dim3A_1 {add = true} : memref<2x64x128xf32, #tpu.memory_space<vmem>>[vector<16xi32>, vector<16xi32>, vector<16xi32>], vector<16xf32>,
        %shift_right_arithmetic3A_466 = arith.constant 7 : i32
        %shift_right_arithmetic3A_467 = vector.broadcast %shift_right_arithmetic3A_466 : i32 to vector<16xi32>
        %shift_right_arithmetic3A_468 = arith.shrsi %gather3A_447, %shift_right_arithmetic3A_467 : vector<16xi32>
        %and3A_469 = arith.constant 127 : i32
        %and3A_470 = vector.broadcast %and3A_469 : i32 to vector<16xi32>
        %and3A_471 = arith.andi %gather3A_447, %and3A_470 : vector<16xi32>
        tpu.vector_store_idx %arg8[%shift_right_arithmetic3A_468, %add3A_15, %and3A_471], %broadcast_in_dim3A_1 {add = true} : memref<2x64x128xf32, #tpu.memory_space<vmem>>[vector<16xi32>, vector<16xi32>, vector<16xi32>], vector<16xf32>,
        %mul3A_472 = arith.constant 8 : i32
        %mul3A_473 = arith.muli %scan3A_236, %mul3A_472 : i32
        %add3A_474 = arith.constant 7 : i32
        %add3A_475 = arith.addi %mul3A_473, %add3A_474 : i32
        %add3A_476 = vector.broadcast %add3A_475 : i32 to vector<16xi32>
        %add3A_477 = arith.addi %iota3A, %add3A_476 : vector<16xi32>
        %gather3A_478 = tpu.vector_load_idx %arg6[%add3A_6, %add3A_477] : memref<64x200xi32, #tpu.memory_space<vmem>>[vector<16xi32>, vector<16xi32>], vector<16xi32>,
        %gather3A_479 = tpu.vector_load_idx %arg6[%add3A_9, %add3A_477] : memref<64x200xi32, #tpu.memory_space<vmem>>[vector<16xi32>, vector<16xi32>], vector<16xi32>,
        %gather3A_480 = tpu.vector_load_idx %arg6[%add3A_12, %add3A_477] : memref<64x200xi32, #tpu.memory_space<vmem>>[vector<16xi32>, vector<16xi32>], vector<16xi32>,
        %gather3A_481 = tpu.vector_load_idx %arg6[%add3A_15, %add3A_477] : memref<64x200xi32, #tpu.memory_space<vmem>>[vector<16xi32>, vector<16xi32>], vector<16xi32>,
        %shift_right_arithmetic3A_482 = arith.constant 7 : i32
        %shift_right_arithmetic3A_483 = vector.broadcast %shift_right_arithmetic3A_482 : i32 to vector<16xi32>
        %shift_right_arithmetic3A_484 = arith.shrsi %gather3A_478, %shift_right_arithmetic3A_483 : vector<16xi32>
        %and3A_485 = arith.constant 127 : i32
        %and3A_486 = vector.broadcast %and3A_485 : i32 to vector<16xi32>
        %and3A_487 = arith.andi %gather3A_478, %and3A_486 : vector<16xi32>
        tpu.vector_store_idx %arg8[%shift_right_arithmetic3A_484, %add3A_6, %and3A_487], %broadcast_in_dim3A_1 {add = true} : memref<2x64x128xf32, #tpu.memory_space<vmem>>[vector<16xi32>, vector<16xi32>, vector<16xi32>], vector<16xf32>,
        %shift_right_arithmetic3A_488 = arith.constant 7 : i32
        %shift_right_arithmetic3A_489 = vector.broadcast %shift_right_arithmetic3A_488 : i32 to vector<16xi32>
        %shift_right_arithmetic3A_490 = arith.shrsi %gather3A_479, %shift_right_arithmetic3A_489 : vector<16xi32>
        %and3A_491 = arith.constant 127 : i32
        %and3A_492 = vector.broadcast %and3A_491 : i32 to vector<16xi32>
        %and3A_493 = arith.andi %gather3A_479, %and3A_492 : vector<16xi32>
        tpu.vector_store_idx %arg8[%shift_right_arithmetic3A_490, %add3A_9, %and3A_493], %broadcast_in_dim3A_1 {add = true} : memref<2x64x128xf32, #tpu.memory_space<vmem>>[vector<16xi32>, vector<16xi32>, vector<16xi32>], vector<16xf32>,
        %shift_right_arithmetic3A_494 = arith.constant 7 : i32
        %shift_right_arithmetic3A_495 = vector.broadcast %shift_right_arithmetic3A_494 : i32 to vector<16xi32>
        %shift_right_arithmetic3A_496 = arith.shrsi %gather3A_480, %shift_right_arithmetic3A_495 : vector<16xi32>
        %and3A_497 = arith.constant 127 : i32
        %and3A_498 = vector.broadcast %and3A_497 : i32 to vector<16xi32>
        %and3A_499 = arith.andi %gather3A_480, %and3A_498 : vector<16xi32>
        tpu.vector_store_idx %arg8[%shift_right_arithmetic3A_496, %add3A_12, %and3A_499], %broadcast_in_dim3A_1 {add = true} : memref<2x64x128xf32, #tpu.memory_space<vmem>>[vector<16xi32>, vector<16xi32>, vector<16xi32>], vector<16xf32>,
        %shift_right_arithmetic3A_500 = arith.constant 7 : i32
        %shift_right_arithmetic3A_501 = vector.broadcast %shift_right_arithmetic3A_500 : i32 to vector<16xi32>
        %shift_right_arithmetic3A_502 = arith.shrsi %gather3A_481, %shift_right_arithmetic3A_501 : vector<16xi32>
        %and3A_503 = arith.constant 127 : i32
        %and3A_504 = vector.broadcast %and3A_503 : i32 to vector<16xi32>
        %and3A_505 = arith.andi %gather3A_481, %and3A_504 : vector<16xi32>
        tpu.vector_store_idx %arg8[%shift_right_arithmetic3A_502, %add3A_15, %and3A_505], %broadcast_in_dim3A_1 {add = true} : memref<2x64x128xf32, #tpu.memory_space<vmem>>[vector<16xi32>, vector<16xi32>, vector<16xi32>], vector<16xf32>,
      }
      %scan3A_193 = arith.constant 23 : i32
      %scan3A_194 = arith.constant 0 : i32
      %scan3A_195 = arith.constant 0 : i32
      %scan3A_196 = arith.constant 2 : i32
      %scan3A_197 = arith.addi %scan3A_195, %scan3A_196 : i32
      %scan3A_198 = arith.constant 1 : i32
      scf.for %scan3A_236 = %scan3A_195 to %scan3A_197 step %scan3A_198  : i32 {
        %mul3A_237 = arith.constant 8 : i32
        %mul3A_238 = arith.muli %scan3A_236, %mul3A_237 : i32
        %add3A_239 = arith.constant 184 : i32
        %add3A_240 = arith.addi %add3A_239, %mul3A_238 : i32
        %add3A_241 = arith.constant 0 : i32
        %add3A_242 = arith.addi %add3A_240, %add3A_241 : i32
        %add3A_243 = vector.broadcast %add3A_242 : i32 to vector<16xi32>
        %add3A_244 = arith.addi %iota3A, %add3A_243 : vector<16xi32>
        %ge3A = arith.constant 200 : i32
        %ge3A_245 = vector.broadcast %ge3A : i32 to vector<16xi32>
        %ge3A_246 = arith.cmpi sge, %add3A_244, %ge3A_245 : vector<16xi32>
        %sub3A = arith.constant 200 : i32
        %sub3A_247 = vector.broadcast %sub3A : i32 to vector<16xi32>
        %sub3A_248 = arith.subi %add3A_244, %sub3A_247 : vector<16xi32>
        %select_n3A = arith.select %ge3A_246, %sub3A_248, %add3A_244 : vector<16xi1>, vector<16xi32>
        %gather3A = tpu.vector_load_idx %arg6[%add3A_6, %select_n3A] : memref<64x200xi32, #tpu.memory_space<vmem>>[vector<16xi32>, vector<16xi32>], vector<16xi32>,
        %gather3A_249 = tpu.vector_load_idx %arg6[%add3A_9, %select_n3A] : memref<64x200xi32, #tpu.memory_space<vmem>>[vector<16xi32>, vector<16xi32>], vector<16xi32>,
        %gather3A_250 = tpu.vector_load_idx %arg6[%add3A_12, %select_n3A] : memref<64x200xi32, #tpu.memory_space<vmem>>[vector<16xi32>, vector<16xi32>], vector<16xi32>,
        %gather3A_251 = tpu.vector_load_idx %arg6[%add3A_15, %select_n3A] : memref<64x200xi32, #tpu.memory_space<vmem>>[vector<16xi32>, vector<16xi32>], vector<16xi32>,
        %shift_right_arithmetic3A = arith.constant 7 : i32
        %shift_right_arithmetic3A_252 = vector.broadcast %shift_right_arithmetic3A : i32 to vector<16xi32>
        %shift_right_arithmetic3A_253 = arith.shrsi %gather3A, %shift_right_arithmetic3A_252 : vector<16xi32>
        %and3A = arith.constant 127 : i32
        %and3A_254 = vector.broadcast %and3A : i32 to vector<16xi32>
        %and3A_255 = arith.andi %gather3A, %and3A_254 : vector<16xi32>
        tpu.vector_store_idx %arg8[%shift_right_arithmetic3A_253, %add3A_6, %and3A_255], %broadcast_in_dim3A_1 {add = true} : memref<2x64x128xf32, #tpu.memory_space<vmem>>[vector<16xi32>, vector<16xi32>, vector<16xi32>], vector<16xf32>,
        %shift_right_arithmetic3A_256 = arith.constant 7 : i32
        %shift_right_arithmetic3A_257 = vector.broadcast %shift_right_arithmetic3A_256 : i32 to vector<16xi32>
        %shift_right_arithmetic3A_258 = arith.shrsi %gather3A_249, %shift_right_arithmetic3A_257 : vector<16xi32>
        %and3A_259 = arith.constant 127 : i32
        %and3A_260 = vector.broadcast %and3A_259 : i32 to vector<16xi32>
        %and3A_261 = arith.andi %gather3A_249, %and3A_260 : vector<16xi32>
        tpu.vector_store_idx %arg8[%shift_right_arithmetic3A_258, %add3A_9, %and3A_261], %broadcast_in_dim3A_1 {add = true} : memref<2x64x128xf32, #tpu.memory_space<vmem>>[vector<16xi32>, vector<16xi32>, vector<16xi32>], vector<16xf32>,
        %shift_right_arithmetic3A_262 = arith.constant 7 : i32
        %shift_right_arithmetic3A_263 = vector.broadcast %shift_right_arithmetic3A_262 : i32 to vector<16xi32>
        %shift_right_arithmetic3A_264 = arith.shrsi %gather3A_250, %shift_right_arithmetic3A_263 : vector<16xi32>
        %and3A_265 = arith.constant 127 : i32
        %and3A_266 = vector.broadcast %and3A_265 : i32 to vector<16xi32>
        %and3A_267 = arith.andi %gather3A_250, %and3A_266 : vector<16xi32>
        tpu.vector_store_idx %arg8[%shift_right_arithmetic3A_264, %add3A_12, %and3A_267], %broadcast_in_dim3A_1 {add = true} : memref<2x64x128xf32, #tpu.memory_space<vmem>>[vector<16xi32>, vector<16xi32>, vector<16xi32>], vector<16xf32>,
        %shift_right_arithmetic3A_268 = arith.constant 7 : i32
        %shift_right_arithmetic3A_269 = vector.broadcast %shift_right_arithmetic3A_268 : i32 to vector<16xi32>
        %shift_right_arithmetic3A_270 = arith.shrsi %gather3A_251, %shift_right_arithmetic3A_269 : vector<16xi32>
        %and3A_271 = arith.constant 127 : i32
        %and3A_272 = vector.broadcast %and3A_271 : i32 to vector<16xi32>
        %and3A_273 = arith.andi %gather3A_251, %and3A_272 : vector<16xi32>
        tpu.vector_store_idx %arg8[%shift_right_arithmetic3A_270, %add3A_15, %and3A_273], %broadcast_in_dim3A_1 {add = true} : memref<2x64x128xf32, #tpu.memory_space<vmem>>[vector<16xi32>, vector<16xi32>, vector<16xi32>], vector<16xf32>,
        %mul3A_274 = arith.constant 8 : i32
        %mul3A_275 = arith.muli %scan3A_236, %mul3A_274 : i32
        %add3A_276 = arith.constant 184 : i32
        %add3A_277 = arith.addi %add3A_276, %mul3A_275 : i32
        %add3A_278 = arith.constant 1 : i32
        %add3A_279 = arith.addi %add3A_277, %add3A_278 : i32
        %add3A_280 = vector.broadcast %add3A_279 : i32 to vector<16xi32>
        %add3A_281 = arith.addi %iota3A, %add3A_280 : vector<16xi32>
        %ge3A_282 = arith.constant 200 : i32
        %ge3A_283 = vector.broadcast %ge3A_282 : i32 to vector<16xi32>
        %ge3A_284 = arith.cmpi sge, %add3A_281, %ge3A_283 : vector<16xi32>
        %sub3A_285 = arith.constant 200 : i32
        %sub3A_286 = vector.broadcast %sub3A_285 : i32 to vector<16xi32>
        %sub3A_287 = arith.subi %add3A_281, %sub3A_286 : vector<16xi32>
        %select_n3A_288 = arith.select %ge3A_284, %sub3A_287, %add3A_281 : vector<16xi1>, vector<16xi32>
        %gather3A_289 = tpu.vector_load_idx %arg6[%add3A_6, %select_n3A_288] : memref<64x200xi32, #tpu.memory_space<vmem>>[vector<16xi32>, vector<16xi32>], vector<16xi32>,
        %gather3A_290 = tpu.vector_load_idx %arg6[%add3A_9, %select_n3A_288] : memref<64x200xi32, #tpu.memory_space<vmem>>[vector<16xi32>, vector<16xi32>], vector<16xi32>,
        %gather3A_291 = tpu.vector_load_idx %arg6[%add3A_12, %select_n3A_288] : memref<64x200xi32, #tpu.memory_space<vmem>>[vector<16xi32>, vector<16xi32>], vector<16xi32>,
        %gather3A_292 = tpu.vector_load_idx %arg6[%add3A_15, %select_n3A_288] : memref<64x200xi32, #tpu.memory_space<vmem>>[vector<16xi32>, vector<16xi32>], vector<16xi32>,
        %shift_right_arithmetic3A_293 = arith.constant 7 : i32
        %shift_right_arithmetic3A_294 = vector.broadcast %shift_right_arithmetic3A_293 : i32 to vector<16xi32>
        %shift_right_arithmetic3A_295 = arith.shrsi %gather3A_289, %shift_right_arithmetic3A_294 : vector<16xi32>
        %and3A_296 = arith.constant 127 : i32
        %and3A_297 = vector.broadcast %and3A_296 : i32 to vector<16xi32>
        %and3A_298 = arith.andi %gather3A_289, %and3A_297 : vector<16xi32>
        tpu.vector_store_idx %arg8[%shift_right_arithmetic3A_295, %add3A_6, %and3A_298], %broadcast_in_dim3A_1 {add = true} : memref<2x64x128xf32, #tpu.memory_space<vmem>>[vector<16xi32>, vector<16xi32>, vector<16xi32>], vector<16xf32>,
        %shift_right_arithmetic3A_299 = arith.constant 7 : i32
        %shift_right_arithmetic3A_300 = vector.broadcast %shift_right_arithmetic3A_299 : i32 to vector<16xi32>
        %shift_right_arithmetic3A_301 = arith.shrsi %gather3A_290, %shift_right_arithmetic3A_300 : vector<16xi32>
        %and3A_302 = arith.constant 127 : i32
        %and3A_303 = vector.broadcast %and3A_302 : i32 to vector<16xi32>
        %and3A_304 = arith.andi %gather3A_290, %and3A_303 : vector<16xi32>
        tpu.vector_store_idx %arg8[%shift_right_arithmetic3A_301, %add3A_9, %and3A_304], %broadcast_in_dim3A_1 {add = true} : memref<2x64x128xf32, #tpu.memory_space<vmem>>[vector<16xi32>, vector<16xi32>, vector<16xi32>], vector<16xf32>,
        %shift_right_arithmetic3A_305 = arith.constant 7 : i32
        %shift_right_arithmetic3A_306 = vector.broadcast %shift_right_arithmetic3A_305 : i32 to vector<16xi32>
        %shift_right_arithmetic3A_307 = arith.shrsi %gather3A_291, %shift_right_arithmetic3A_306 : vector<16xi32>
        %and3A_308 = arith.constant 127 : i32
        %and3A_309 = vector.broadcast %and3A_308 : i32 to vector<16xi32>
        %and3A_310 = arith.andi %gather3A_291, %and3A_309 : vector<16xi32>
        tpu.vector_store_idx %arg8[%shift_right_arithmetic3A_307, %add3A_12, %and3A_310], %broadcast_in_dim3A_1 {add = true} : memref<2x64x128xf32, #tpu.memory_space<vmem>>[vector<16xi32>, vector<16xi32>, vector<16xi32>], vector<16xf32>,
        %shift_right_arithmetic3A_311 = arith.constant 7 : i32
        %shift_right_arithmetic3A_312 = vector.broadcast %shift_right_arithmetic3A_311 : i32 to vector<16xi32>
        %shift_right_arithmetic3A_313 = arith.shrsi %gather3A_292, %shift_right_arithmetic3A_312 : vector<16xi32>
        %and3A_314 = arith.constant 127 : i32
        %and3A_315 = vector.broadcast %and3A_314 : i32 to vector<16xi32>
        %and3A_316 = arith.andi %gather3A_292, %and3A_315 : vector<16xi32>
        tpu.vector_store_idx %arg8[%shift_right_arithmetic3A_313, %add3A_15, %and3A_316], %broadcast_in_dim3A_1 {add = true} : memref<2x64x128xf32, #tpu.memory_space<vmem>>[vector<16xi32>, vector<16xi32>, vector<16xi32>], vector<16xf32>,
        %mul3A_317 = arith.constant 8 : i32
        %mul3A_318 = arith.muli %scan3A_236, %mul3A_317 : i32
        %add3A_319 = arith.constant 184 : i32
        %add3A_320 = arith.addi %add3A_319, %mul3A_318 : i32
        %add3A_321 = arith.constant 2 : i32
        %add3A_322 = arith.addi %add3A_320, %add3A_321 : i32
        %add3A_323 = vector.broadcast %add3A_322 : i32 to vector<16xi32>
        %add3A_324 = arith.addi %iota3A, %add3A_323 : vector<16xi32>
        %ge3A_325 = arith.constant 200 : i32
        %ge3A_326 = vector.broadcast %ge3A_325 : i32 to vector<16xi32>
        %ge3A_327 = arith.cmpi sge, %add3A_324, %ge3A_326 : vector<16xi32>
        %sub3A_328 = arith.constant 200 : i32
        %sub3A_329 = vector.broadcast %sub3A_328 : i32 to vector<16xi32>
        %sub3A_330 = arith.subi %add3A_324, %sub3A_329 : vector<16xi32>
        %select_n3A_331 = arith.select %ge3A_327, %sub3A_330, %add3A_324 : vector<16xi1>, vector<16xi32>
        %gather3A_332 = tpu.vector_load_idx %arg6[%add3A_6, %select_n3A_331] : memref<64x200xi32, #tpu.memory_space<vmem>>[vector<16xi32>, vector<16xi32>], vector<16xi32>,
        %gather3A_333 = tpu.vector_load_idx %arg6[%add3A_9, %select_n3A_331] : memref<64x200xi32, #tpu.memory_space<vmem>>[vector<16xi32>, vector<16xi32>], vector<16xi32>,
        %gather3A_334 = tpu.vector_load_idx %arg6[%add3A_12, %select_n3A_331] : memref<64x200xi32, #tpu.memory_space<vmem>>[vector<16xi32>, vector<16xi32>], vector<16xi32>,
        %gather3A_335 = tpu.vector_load_idx %arg6[%add3A_15, %select_n3A_331] : memref<64x200xi32, #tpu.memory_space<vmem>>[vector<16xi32>, vector<16xi32>], vector<16xi32>,
        %shift_right_arithmetic3A_336 = arith.constant 7 : i32
        %shift_right_arithmetic3A_337 = vector.broadcast %shift_right_arithmetic3A_336 : i32 to vector<16xi32>
        %shift_right_arithmetic3A_338 = arith.shrsi %gather3A_332, %shift_right_arithmetic3A_337 : vector<16xi32>
        %and3A_339 = arith.constant 127 : i32
        %and3A_340 = vector.broadcast %and3A_339 : i32 to vector<16xi32>
        %and3A_341 = arith.andi %gather3A_332, %and3A_340 : vector<16xi32>
        tpu.vector_store_idx %arg8[%shift_right_arithmetic3A_338, %add3A_6, %and3A_341], %broadcast_in_dim3A_1 {add = true} : memref<2x64x128xf32, #tpu.memory_space<vmem>>[vector<16xi32>, vector<16xi32>, vector<16xi32>], vector<16xf32>,
        %shift_right_arithmetic3A_342 = arith.constant 7 : i32
        %shift_right_arithmetic3A_343 = vector.broadcast %shift_right_arithmetic3A_342 : i32 to vector<16xi32>
        %shift_right_arithmetic3A_344 = arith.shrsi %gather3A_333, %shift_right_arithmetic3A_343 : vector<16xi32>
        %and3A_345 = arith.constant 127 : i32
        %and3A_346 = vector.broadcast %and3A_345 : i32 to vector<16xi32>
        %and3A_347 = arith.andi %gather3A_333, %and3A_346 : vector<16xi32>
        tpu.vector_store_idx %arg8[%shift_right_arithmetic3A_344, %add3A_9, %and3A_347], %broadcast_in_dim3A_1 {add = true} : memref<2x64x128xf32, #tpu.memory_space<vmem>>[vector<16xi32>, vector<16xi32>, vector<16xi32>], vector<16xf32>,
        %shift_right_arithmetic3A_348 = arith.constant 7 : i32
        %shift_right_arithmetic3A_349 = vector.broadcast %shift_right_arithmetic3A_348 : i32 to vector<16xi32>
        %shift_right_arithmetic3A_350 = arith.shrsi %gather3A_334, %shift_right_arithmetic3A_349 : vector<16xi32>
        %and3A_351 = arith.constant 127 : i32
        %and3A_352 = vector.broadcast %and3A_351 : i32 to vector<16xi32>
        %and3A_353 = arith.andi %gather3A_334, %and3A_352 : vector<16xi32>
        tpu.vector_store_idx %arg8[%shift_right_arithmetic3A_350, %add3A_12, %and3A_353], %broadcast_in_dim3A_1 {add = true} : memref<2x64x128xf32, #tpu.memory_space<vmem>>[vector<16xi32>, vector<16xi32>, vector<16xi32>], vector<16xf32>,
        %shift_right_arithmetic3A_354 = arith.constant 7 : i32
        %shift_right_arithmetic3A_355 = vector.broadcast %shift_right_arithmetic3A_354 : i32 to vector<16xi32>
        %shift_right_arithmetic3A_356 = arith.shrsi %gather3A_335, %shift_right_arithmetic3A_355 : vector<16xi32>
        %and3A_357 = arith.constant 127 : i32
        %and3A_358 = vector.broadcast %and3A_357 : i32 to vector<16xi32>
        %and3A_359 = arith.andi %gather3A_335, %and3A_358 : vector<16xi32>
        tpu.vector_store_idx %arg8[%shift_right_arithmetic3A_356, %add3A_15, %and3A_359], %broadcast_in_dim3A_1 {add = true} : memref<2x64x128xf32, #tpu.memory_space<vmem>>[vector<16xi32>, vector<16xi32>, vector<16xi32>], vector<16xf32>,
        %mul3A_360 = arith.constant 8 : i32
        %mul3A_361 = arith.muli %scan3A_236, %mul3A_360 : i32
        %add3A_362 = arith.constant 184 : i32
        %add3A_363 = arith.addi %add3A_362, %mul3A_361 : i32
        %add3A_364 = arith.constant 3 : i32
        %add3A_365 = arith.addi %add3A_363, %add3A_364 : i32
        %add3A_366 = vector.broadcast %add3A_365 : i32 to vector<16xi32>
        %add3A_367 = arith.addi %iota3A, %add3A_366 : vector<16xi32>
        %ge3A_368 = arith.constant 200 : i32
        %ge3A_369 = vector.broadcast %ge3A_368 : i32 to vector<16xi32>
        %ge3A_370 = arith.cmpi sge, %add3A_367, %ge3A_369 : vector<16xi32>
        %sub3A_371 = arith.constant 200 : i32
        %sub3A_372 = vector.broadcast %sub3A_371 : i32 to vector<16xi32>
        %sub3A_373 = arith.subi %add3A_367, %sub3A_372 : vector<16xi32>
        %select_n3A_374 = arith.select %ge3A_370, %sub3A_373, %add3A_367 : vector<16xi1>, vector<16xi32>
        %gather3A_375 = tpu.vector_load_idx %arg6[%add3A_6, %select_n3A_374] : memref<64x200xi32, #tpu.memory_space<vmem>>[vector<16xi32>, vector<16xi32>], vector<16xi32>,
        %gather3A_376 = tpu.vector_load_idx %arg6[%add3A_9, %select_n3A_374] : memref<64x200xi32, #tpu.memory_space<vmem>>[vector<16xi32>, vector<16xi32>], vector<16xi32>,
        %gather3A_377 = tpu.vector_load_idx %arg6[%add3A_12, %select_n3A_374] : memref<64x200xi32, #tpu.memory_space<vmem>>[vector<16xi32>, vector<16xi32>], vector<16xi32>,
        %gather3A_378 = tpu.vector_load_idx %arg6[%add3A_15, %select_n3A_374] : memref<64x200xi32, #tpu.memory_space<vmem>>[vector<16xi32>, vector<16xi32>], vector<16xi32>,
        %shift_right_arithmetic3A_379 = arith.constant 7 : i32
        %shift_right_arithmetic3A_380 = vector.broadcast %shift_right_arithmetic3A_379 : i32 to vector<16xi32>
        %shift_right_arithmetic3A_381 = arith.shrsi %gather3A_375, %shift_right_arithmetic3A_380 : vector<16xi32>
        %and3A_382 = arith.constant 127 : i32
        %and3A_383 = vector.broadcast %and3A_382 : i32 to vector<16xi32>
        %and3A_384 = arith.andi %gather3A_375, %and3A_383 : vector<16xi32>
        tpu.vector_store_idx %arg8[%shift_right_arithmetic3A_381, %add3A_6, %and3A_384], %broadcast_in_dim3A_1 {add = true} : memref<2x64x128xf32, #tpu.memory_space<vmem>>[vector<16xi32>, vector<16xi32>, vector<16xi32>], vector<16xf32>,
        %shift_right_arithmetic3A_385 = arith.constant 7 : i32
        %shift_right_arithmetic3A_386 = vector.broadcast %shift_right_arithmetic3A_385 : i32 to vector<16xi32>
        %shift_right_arithmetic3A_387 = arith.shrsi %gather3A_376, %shift_right_arithmetic3A_386 : vector<16xi32>
        %and3A_388 = arith.constant 127 : i32
        %and3A_389 = vector.broadcast %and3A_388 : i32 to vector<16xi32>
        %and3A_390 = arith.andi %gather3A_376, %and3A_389 : vector<16xi32>
        tpu.vector_store_idx %arg8[%shift_right_arithmetic3A_387, %add3A_9, %and3A_390], %broadcast_in_dim3A_1 {add = true} : memref<2x64x128xf32, #tpu.memory_space<vmem>>[vector<16xi32>, vector<16xi32>, vector<16xi32>], vector<16xf32>,
        %shift_right_arithmetic3A_391 = arith.constant 7 : i32
        %shift_right_arithmetic3A_392 = vector.broadcast %shift_right_arithmetic3A_391 : i32 to vector<16xi32>
        %shift_right_arithmetic3A_393 = arith.shrsi %gather3A_377, %shift_right_arithmetic3A_392 : vector<16xi32>
        %and3A_394 = arith.constant 127 : i32
        %and3A_395 = vector.broadcast %and3A_394 : i32 to vector<16xi32>
        %and3A_396 = arith.andi %gather3A_377, %and3A_395 : vector<16xi32>
        tpu.vector_store_idx %arg8[%shift_right_arithmetic3A_393, %add3A_12, %and3A_396], %broadcast_in_dim3A_1 {add = true} : memref<2x64x128xf32, #tpu.memory_space<vmem>>[vector<16xi32>, vector<16xi32>, vector<16xi32>], vector<16xf32>,
        %shift_right_arithmetic3A_397 = arith.constant 7 : i32
        %shift_right_arithmetic3A_398 = vector.broadcast %shift_right_arithmetic3A_397 : i32 to vector<16xi32>
        %shift_right_arithmetic3A_399 = arith.shrsi %gather3A_378, %shift_right_arithmetic3A_398 : vector<16xi32>
        %and3A_400 = arith.constant 127 : i32
        %and3A_401 = vector.broadcast %and3A_400 : i32 to vector<16xi32>
        %and3A_402 = arith.andi %gather3A_378, %and3A_401 : vector<16xi32>
        tpu.vector_store_idx %arg8[%shift_right_arithmetic3A_399, %add3A_15, %and3A_402], %broadcast_in_dim3A_1 {add = true} : memref<2x64x128xf32, #tpu.memory_space<vmem>>[vector<16xi32>, vector<16xi32>, vector<16xi32>], vector<16xf32>,
        %mul3A_403 = arith.constant 8 : i32
        %mul3A_404 = arith.muli %scan3A_236, %mul3A_403 : i32
        %add3A_405 = arith.constant 184 : i32
        %add3A_406 = arith.addi %add3A_405, %mul3A_404 : i32
        %add3A_407 = arith.constant 4 : i32
        %add3A_408 = arith.addi %add3A_406, %add3A_407 : i32
        %add3A_409 = vector.broadcast %add3A_408 : i32 to vector<16xi32>
        %add3A_410 = arith.addi %iota3A, %add3A_409 : vector<16xi32>
        %ge3A_411 = arith.constant 200 : i32
        %ge3A_412 = vector.broadcast %ge3A_411 : i32 to vector<16xi32>
        %ge3A_413 = arith.cmpi sge, %add3A_410, %ge3A_412 : vector<16xi32>
        %sub3A_414 = arith.constant 200 : i32
        %sub3A_415 = vector.broadcast %sub3A_414 : i32 to vector<16xi32>
        %sub3A_416 = arith.subi %add3A_410, %sub3A_415 : vector<16xi32>
        %select_n3A_417 = arith.select %ge3A_413, %sub3A_416, %add3A_410 : vector<16xi1>, vector<16xi32>
        %gather3A_418 = tpu.vector_load_idx %arg6[%add3A_6, %select_n3A_417] : memref<64x200xi32, #tpu.memory_space<vmem>>[vector<16xi32>, vector<16xi32>], vector<16xi32>,
        %gather3A_419 = tpu.vector_load_idx %arg6[%add3A_9, %select_n3A_417] : memref<64x200xi32, #tpu.memory_space<vmem>>[vector<16xi32>, vector<16xi32>], vector<16xi32>,
        %gather3A_420 = tpu.vector_load_idx %arg6[%add3A_12, %select_n3A_417] : memref<64x200xi32, #tpu.memory_space<vmem>>[vector<16xi32>, vector<16xi32>], vector<16xi32>,
        %gather3A_421 = tpu.vector_load_idx %arg6[%add3A_15, %select_n3A_417] : memref<64x200xi32, #tpu.memory_space<vmem>>[vector<16xi32>, vector<16xi32>], vector<16xi32>,
        %shift_right_arithmetic3A_422 = arith.constant 7 : i32
        %shift_right_arithmetic3A_423 = vector.broadcast %shift_right_arithmetic3A_422 : i32 to vector<16xi32>
        %shift_right_arithmetic3A_424 = arith.shrsi %gather3A_418, %shift_right_arithmetic3A_423 : vector<16xi32>
        %and3A_425 = arith.constant 127 : i32
        %and3A_426 = vector.broadcast %and3A_425 : i32 to vector<16xi32>
        %and3A_427 = arith.andi %gather3A_418, %and3A_426 : vector<16xi32>
        tpu.vector_store_idx %arg8[%shift_right_arithmetic3A_424, %add3A_6, %and3A_427], %broadcast_in_dim3A_1 {add = true} : memref<2x64x128xf32, #tpu.memory_space<vmem>>[vector<16xi32>, vector<16xi32>, vector<16xi32>], vector<16xf32>,
        %shift_right_arithmetic3A_428 = arith.constant 7 : i32
        %shift_right_arithmetic3A_429 = vector.broadcast %shift_right_arithmetic3A_428 : i32 to vector<16xi32>
        %shift_right_arithmetic3A_430 = arith.shrsi %gather3A_419, %shift_right_arithmetic3A_429 : vector<16xi32>
        %and3A_431 = arith.constant 127 : i32
        %and3A_432 = vector.broadcast %and3A_431 : i32 to vector<16xi32>
        %and3A_433 = arith.andi %gather3A_419, %and3A_432 : vector<16xi32>
        tpu.vector_store_idx %arg8[%shift_right_arithmetic3A_430, %add3A_9, %and3A_433], %broadcast_in_dim3A_1 {add = true} : memref<2x64x128xf32, #tpu.memory_space<vmem>>[vector<16xi32>, vector<16xi32>, vector<16xi32>], vector<16xf32>,
        %shift_right_arithmetic3A_434 = arith.constant 7 : i32
        %shift_right_arithmetic3A_435 = vector.broadcast %shift_right_arithmetic3A_434 : i32 to vector<16xi32>
        %shift_right_arithmetic3A_436 = arith.shrsi %gather3A_420, %shift_right_arithmetic3A_435 : vector<16xi32>
        %and3A_437 = arith.constant 127 : i32
        %and3A_438 = vector.broadcast %and3A_437 : i32 to vector<16xi32>
        %and3A_439 = arith.andi %gather3A_420, %and3A_438 : vector<16xi32>
        tpu.vector_store_idx %arg8[%shift_right_arithmetic3A_436, %add3A_12, %and3A_439], %broadcast_in_dim3A_1 {add = true} : memref<2x64x128xf32, #tpu.memory_space<vmem>>[vector<16xi32>, vector<16xi32>, vector<16xi32>], vector<16xf32>,
        %shift_right_arithmetic3A_440 = arith.constant 7 : i32
        %shift_right_arithmetic3A_441 = vector.broadcast %shift_right_arithmetic3A_440 : i32 to vector<16xi32>
        %shift_right_arithmetic3A_442 = arith.shrsi %gather3A_421, %shift_right_arithmetic3A_441 : vector<16xi32>
        %and3A_443 = arith.constant 127 : i32
        %and3A_444 = vector.broadcast %and3A_443 : i32 to vector<16xi32>
        %and3A_445 = arith.andi %gather3A_421, %and3A_444 : vector<16xi32>
        tpu.vector_store_idx %arg8[%shift_right_arithmetic3A_442, %add3A_15, %and3A_445], %broadcast_in_dim3A_1 {add = true} : memref<2x64x128xf32, #tpu.memory_space<vmem>>[vector<16xi32>, vector<16xi32>, vector<16xi32>], vector<16xf32>,
        %mul3A_446 = arith.constant 8 : i32
        %mul3A_447 = arith.muli %scan3A_236, %mul3A_446 : i32
        %add3A_448 = arith.constant 184 : i32
        %add3A_449 = arith.addi %add3A_448, %mul3A_447 : i32
        %add3A_450 = arith.constant 5 : i32
        %add3A_451 = arith.addi %add3A_449, %add3A_450 : i32
        %add3A_452 = vector.broadcast %add3A_451 : i32 to vector<16xi32>
        %add3A_453 = arith.addi %iota3A, %add3A_452 : vector<16xi32>
        %ge3A_454 = arith.constant 200 : i32
        %ge3A_455 = vector.broadcast %ge3A_454 : i32 to vector<16xi32>
        %ge3A_456 = arith.cmpi sge, %add3A_453, %ge3A_455 : vector<16xi32>
        %sub3A_457 = arith.constant 200 : i32
        %sub3A_458 = vector.broadcast %sub3A_457 : i32 to vector<16xi32>
        %sub3A_459 = arith.subi %add3A_453, %sub3A_458 : vector<16xi32>
        %select_n3A_460 = arith.select %ge3A_456, %sub3A_459, %add3A_453 : vector<16xi1>, vector<16xi32>
        %gather3A_461 = tpu.vector_load_idx %arg6[%add3A_6, %select_n3A_460] : memref<64x200xi32, #tpu.memory_space<vmem>>[vector<16xi32>, vector<16xi32>], vector<16xi32>,
        %gather3A_462 = tpu.vector_load_idx %arg6[%add3A_9, %select_n3A_460] : memref<64x200xi32, #tpu.memory_space<vmem>>[vector<16xi32>, vector<16xi32>], vector<16xi32>,
        %gather3A_463 = tpu.vector_load_idx %arg6[%add3A_12, %select_n3A_460] : memref<64x200xi32, #tpu.memory_space<vmem>>[vector<16xi32>, vector<16xi32>], vector<16xi32>,
        %gather3A_464 = tpu.vector_load_idx %arg6[%add3A_15, %select_n3A_460] : memref<64x200xi32, #tpu.memory_space<vmem>>[vector<16xi32>, vector<16xi32>], vector<16xi32>,
        %shift_right_arithmetic3A_465 = arith.constant 7 : i32
        %shift_right_arithmetic3A_466 = vector.broadcast %shift_right_arithmetic3A_465 : i32 to vector<16xi32>
        %shift_right_arithmetic3A_467 = arith.shrsi %gather3A_461, %shift_right_arithmetic3A_466 : vector<16xi32>
        %and3A_468 = arith.constant 127 : i32
        %and3A_469 = vector.broadcast %and3A_468 : i32 to vector<16xi32>
        %and3A_470 = arith.andi %gather3A_461, %and3A_469 : vector<16xi32>
        tpu.vector_store_idx %arg8[%shift_right_arithmetic3A_467, %add3A_6, %and3A_470], %broadcast_in_dim3A_1 {add = true} : memref<2x64x128xf32, #tpu.memory_space<vmem>>[vector<16xi32>, vector<16xi32>, vector<16xi32>], vector<16xf32>,
        %shift_right_arithmetic3A_471 = arith.constant 7 : i32
        %shift_right_arithmetic3A_472 = vector.broadcast %shift_right_arithmetic3A_471 : i32 to vector<16xi32>
        %shift_right_arithmetic3A_473 = arith.shrsi %gather3A_462, %shift_right_arithmetic3A_472 : vector<16xi32>
        %and3A_474 = arith.constant 127 : i32
        %and3A_475 = vector.broadcast %and3A_474 : i32 to vector<16xi32>
        %and3A_476 = arith.andi %gather3A_462, %and3A_475 : vector<16xi32>
        tpu.vector_store_idx %arg8[%shift_right_arithmetic3A_473, %add3A_9, %and3A_476], %broadcast_in_dim3A_1 {add = true} : memref<2x64x128xf32, #tpu.memory_space<vmem>>[vector<16xi32>, vector<16xi32>, vector<16xi32>], vector<16xf32>,
        %shift_right_arithmetic3A_477 = arith.constant 7 : i32
        %shift_right_arithmetic3A_478 = vector.broadcast %shift_right_arithmetic3A_477 : i32 to vector<16xi32>
        %shift_right_arithmetic3A_479 = arith.shrsi %gather3A_463, %shift_right_arithmetic3A_478 : vector<16xi32>
        %and3A_480 = arith.constant 127 : i32
        %and3A_481 = vector.broadcast %and3A_480 : i32 to vector<16xi32>
        %and3A_482 = arith.andi %gather3A_463, %and3A_481 : vector<16xi32>
        tpu.vector_store_idx %arg8[%shift_right_arithmetic3A_479, %add3A_12, %and3A_482], %broadcast_in_dim3A_1 {add = true} : memref<2x64x128xf32, #tpu.memory_space<vmem>>[vector<16xi32>, vector<16xi32>, vector<16xi32>], vector<16xf32>,
        %shift_right_arithmetic3A_483 = arith.constant 7 : i32
        %shift_right_arithmetic3A_484 = vector.broadcast %shift_right_arithmetic3A_483 : i32 to vector<16xi32>
        %shift_right_arithmetic3A_485 = arith.shrsi %gather3A_464, %shift_right_arithmetic3A_484 : vector<16xi32>
        %and3A_486 = arith.constant 127 : i32
        %and3A_487 = vector.broadcast %and3A_486 : i32 to vector<16xi32>
        %and3A_488 = arith.andi %gather3A_464, %and3A_487 : vector<16xi32>
        tpu.vector_store_idx %arg8[%shift_right_arithmetic3A_485, %add3A_15, %and3A_488], %broadcast_in_dim3A_1 {add = true} : memref<2x64x128xf32, #tpu.memory_space<vmem>>[vector<16xi32>, vector<16xi32>, vector<16xi32>], vector<16xf32>,
        %mul3A_489 = arith.constant 8 : i32
        %mul3A_490 = arith.muli %scan3A_236, %mul3A_489 : i32
        %add3A_491 = arith.constant 184 : i32
        %add3A_492 = arith.addi %add3A_491, %mul3A_490 : i32
        %add3A_493 = arith.constant 6 : i32
        %add3A_494 = arith.addi %add3A_492, %add3A_493 : i32
        %add3A_495 = vector.broadcast %add3A_494 : i32 to vector<16xi32>
        %add3A_496 = arith.addi %iota3A, %add3A_495 : vector<16xi32>
        %ge3A_497 = arith.constant 200 : i32
        %ge3A_498 = vector.broadcast %ge3A_497 : i32 to vector<16xi32>
        %ge3A_499 = arith.cmpi sge, %add3A_496, %ge3A_498 : vector<16xi32>
        %sub3A_500 = arith.constant 200 : i32
        %sub3A_501 = vector.broadcast %sub3A_500 : i32 to vector<16xi32>
        %sub3A_502 = arith.subi %add3A_496, %sub3A_501 : vector<16xi32>
        %select_n3A_503 = arith.select %ge3A_499, %sub3A_502, %add3A_496 : vector<16xi1>, vector<16xi32>
        %gather3A_504 = tpu.vector_load_idx %arg6[%add3A_6, %select_n3A_503] : memref<64x200xi32, #tpu.memory_space<vmem>>[vector<16xi32>, vector<16xi32>], vector<16xi32>,
        %gather3A_505 = tpu.vector_load_idx %arg6[%add3A_9, %select_n3A_503] : memref<64x200xi32, #tpu.memory_space<vmem>>[vector<16xi32>, vector<16xi32>], vector<16xi32>,
        %gather3A_506 = tpu.vector_load_idx %arg6[%add3A_12, %select_n3A_503] : memref<64x200xi32, #tpu.memory_space<vmem>>[vector<16xi32>, vector<16xi32>], vector<16xi32>,
        %gather3A_507 = tpu.vector_load_idx %arg6[%add3A_15, %select_n3A_503] : memref<64x200xi32, #tpu.memory_space<vmem>>[vector<16xi32>, vector<16xi32>], vector<16xi32>,
        %shift_right_arithmetic3A_508 = arith.constant 7 : i32
        %shift_right_arithmetic3A_509 = vector.broadcast %shift_right_arithmetic3A_508 : i32 to vector<16xi32>
        %shift_right_arithmetic3A_510 = arith.shrsi %gather3A_504, %shift_right_arithmetic3A_509 : vector<16xi32>
        %and3A_511 = arith.constant 127 : i32
        %and3A_512 = vector.broadcast %and3A_511 : i32 to vector<16xi32>
        %and3A_513 = arith.andi %gather3A_504, %and3A_512 : vector<16xi32>
        tpu.vector_store_idx %arg8[%shift_right_arithmetic3A_510, %add3A_6, %and3A_513], %broadcast_in_dim3A_1 {add = true} : memref<2x64x128xf32, #tpu.memory_space<vmem>>[vector<16xi32>, vector<16xi32>, vector<16xi32>], vector<16xf32>,
        %shift_right_arithmetic3A_514 = arith.constant 7 : i32
        %shift_right_arithmetic3A_515 = vector.broadcast %shift_right_arithmetic3A_514 : i32 to vector<16xi32>
        %shift_right_arithmetic3A_516 = arith.shrsi %gather3A_505, %shift_right_arithmetic3A_515 : vector<16xi32>
        %and3A_517 = arith.constant 127 : i32
        %and3A_518 = vector.broadcast %and3A_517 : i32 to vector<16xi32>
        %and3A_519 = arith.andi %gather3A_505, %and3A_518 : vector<16xi32>
        tpu.vector_store_idx %arg8[%shift_right_arithmetic3A_516, %add3A_9, %and3A_519], %broadcast_in_dim3A_1 {add = true} : memref<2x64x128xf32, #tpu.memory_space<vmem>>[vector<16xi32>, vector<16xi32>, vector<16xi32>], vector<16xf32>,
        %shift_right_arithmetic3A_520 = arith.constant 7 : i32
        %shift_right_arithmetic3A_521 = vector.broadcast %shift_right_arithmetic3A_520 : i32 to vector<16xi32>
        %shift_right_arithmetic3A_522 = arith.shrsi %gather3A_506, %shift_right_arithmetic3A_521 : vector<16xi32>
        %and3A_523 = arith.constant 127 : i32
        %and3A_524 = vector.broadcast %and3A_523 : i32 to vector<16xi32>
        %and3A_525 = arith.andi %gather3A_506, %and3A_524 : vector<16xi32>
        tpu.vector_store_idx %arg8[%shift_right_arithmetic3A_522, %add3A_12, %and3A_525], %broadcast_in_dim3A_1 {add = true} : memref<2x64x128xf32, #tpu.memory_space<vmem>>[vector<16xi32>, vector<16xi32>, vector<16xi32>], vector<16xf32>,
        %shift_right_arithmetic3A_526 = arith.constant 7 : i32
        %shift_right_arithmetic3A_527 = vector.broadcast %shift_right_arithmetic3A_526 : i32 to vector<16xi32>
        %shift_right_arithmetic3A_528 = arith.shrsi %gather3A_507, %shift_right_arithmetic3A_527 : vector<16xi32>
        %and3A_529 = arith.constant 127 : i32
        %and3A_530 = vector.broadcast %and3A_529 : i32 to vector<16xi32>
        %and3A_531 = arith.andi %gather3A_507, %and3A_530 : vector<16xi32>
        tpu.vector_store_idx %arg8[%shift_right_arithmetic3A_528, %add3A_15, %and3A_531], %broadcast_in_dim3A_1 {add = true} : memref<2x64x128xf32, #tpu.memory_space<vmem>>[vector<16xi32>, vector<16xi32>, vector<16xi32>], vector<16xf32>,
        %mul3A_532 = arith.constant 8 : i32
        %mul3A_533 = arith.muli %scan3A_236, %mul3A_532 : i32
        %add3A_534 = arith.constant 184 : i32
        %add3A_535 = arith.addi %add3A_534, %mul3A_533 : i32
        %add3A_536 = arith.constant 7 : i32
        %add3A_537 = arith.addi %add3A_535, %add3A_536 : i32
        %add3A_538 = vector.broadcast %add3A_537 : i32 to vector<16xi32>
        %add3A_539 = arith.addi %iota3A, %add3A_538 : vector<16xi32>
        %ge3A_540 = arith.constant 200 : i32
        %ge3A_541 = vector.broadcast %ge3A_540 : i32 to vector<16xi32>
        %ge3A_542 = arith.cmpi sge, %add3A_539, %ge3A_541 : vector<16xi32>
        %sub3A_543 = arith.constant 200 : i32
        %sub3A_544 = vector.broadcast %sub3A_543 : i32 to vector<16xi32>
        %sub3A_545 = arith.subi %add3A_539, %sub3A_544 : vector<16xi32>
        %select_n3A_546 = arith.select %ge3A_542, %sub3A_545, %add3A_539 : vector<16xi1>, vector<16xi32>
        %gather3A_547 = tpu.vector_load_idx %arg6[%add3A_6, %select_n3A_546] : memref<64x200xi32, #tpu.memory_space<vmem>>[vector<16xi32>, vector<16xi32>], vector<16xi32>,
        %gather3A_548 = tpu.vector_load_idx %arg6[%add3A_9, %select_n3A_546] : memref<64x200xi32, #tpu.memory_space<vmem>>[vector<16xi32>, vector<16xi32>], vector<16xi32>,
        %gather3A_549 = tpu.vector_load_idx %arg6[%add3A_12, %select_n3A_546] : memref<64x200xi32, #tpu.memory_space<vmem>>[vector<16xi32>, vector<16xi32>], vector<16xi32>,
        %gather3A_550 = tpu.vector_load_idx %arg6[%add3A_15, %select_n3A_546] : memref<64x200xi32, #tpu.memory_space<vmem>>[vector<16xi32>, vector<16xi32>], vector<16xi32>,
        %shift_right_arithmetic3A_551 = arith.constant 7 : i32
        %shift_right_arithmetic3A_552 = vector.broadcast %shift_right_arithmetic3A_551 : i32 to vector<16xi32>
        %shift_right_arithmetic3A_553 = arith.shrsi %gather3A_547, %shift_right_arithmetic3A_552 : vector<16xi32>
        %and3A_554 = arith.constant 127 : i32
        %and3A_555 = vector.broadcast %and3A_554 : i32 to vector<16xi32>
        %and3A_556 = arith.andi %gather3A_547, %and3A_555 : vector<16xi32>
        tpu.vector_store_idx %arg8[%shift_right_arithmetic3A_553, %add3A_6, %and3A_556], %broadcast_in_dim3A_1 {add = true} : memref<2x64x128xf32, #tpu.memory_space<vmem>>[vector<16xi32>, vector<16xi32>, vector<16xi32>], vector<16xf32>,
        %shift_right_arithmetic3A_557 = arith.constant 7 : i32
        %shift_right_arithmetic3A_558 = vector.broadcast %shift_right_arithmetic3A_557 : i32 to vector<16xi32>
        %shift_right_arithmetic3A_559 = arith.shrsi %gather3A_548, %shift_right_arithmetic3A_558 : vector<16xi32>
        %and3A_560 = arith.constant 127 : i32
        %and3A_561 = vector.broadcast %and3A_560 : i32 to vector<16xi32>
        %and3A_562 = arith.andi %gather3A_548, %and3A_561 : vector<16xi32>
        tpu.vector_store_idx %arg8[%shift_right_arithmetic3A_559, %add3A_9, %and3A_562], %broadcast_in_dim3A_1 {add = true} : memref<2x64x128xf32, #tpu.memory_space<vmem>>[vector<16xi32>, vector<16xi32>, vector<16xi32>], vector<16xf32>,
        %shift_right_arithmetic3A_563 = arith.constant 7 : i32
        %shift_right_arithmetic3A_564 = vector.broadcast %shift_right_arithmetic3A_563 : i32 to vector<16xi32>
        %shift_right_arithmetic3A_565 = arith.shrsi %gather3A_549, %shift_right_arithmetic3A_564 : vector<16xi32>
        %and3A_566 = arith.constant 127 : i32
        %and3A_567 = vector.broadcast %and3A_566 : i32 to vector<16xi32>
        %and3A_568 = arith.andi %gather3A_549, %and3A_567 : vector<16xi32>
        tpu.vector_store_idx %arg8[%shift_right_arithmetic3A_565, %add3A_12, %and3A_568], %broadcast_in_dim3A_1 {add = true} : memref<2x64x128xf32, #tpu.memory_space<vmem>>[vector<16xi32>, vector<16xi32>, vector<16xi32>], vector<16xf32>,
        %shift_right_arithmetic3A_569 = arith.constant 7 : i32
        %shift_right_arithmetic3A_570 = vector.broadcast %shift_right_arithmetic3A_569 : i32 to vector<16xi32>
        %shift_right_arithmetic3A_571 = arith.shrsi %gather3A_550, %shift_right_arithmetic3A_570 : vector<16xi32>
        %and3A_572 = arith.constant 127 : i32
        %and3A_573 = vector.broadcast %and3A_572 : i32 to vector<16xi32>
        %and3A_574 = arith.andi %gather3A_550, %and3A_573 : vector<16xi32>
        tpu.vector_store_idx %arg8[%shift_right_arithmetic3A_571, %add3A_15, %and3A_574], %broadcast_in_dim3A_1 {add = true} : memref<2x64x128xf32, #tpu.memory_space<vmem>>[vector<16xi32>, vector<16xi32>, vector<16xi32>], vector<16xf32>,
      }
      %scan3A_199 = arith.constant 2 : i32
      %lt3A_200 = arith.constant 3 : i32
      %lt3A_201 = arith.cmpi slt, %scan3A_95, %lt3A_200 : i32
      %convert_element_type3A_202 = arith.extui %lt3A_201 : i1 to i32
      %cond3A_203 = arith.constant 0 : i32
      %cond3A_204 = arith.cmpi ne, %convert_element_type3A_202, %cond3A_203 : i32
      scf.if %cond3A_204 {
        %add3A_236 = arith.constant 2 : i32
        %add3A_237 = arith.addi %add3A_167, %add3A_236 : i32
        %mul3A_238 = arith.constant 512 : i32
        %mul3A_239 = arith.muli %add3A, %mul3A_238 : i32
        %mul3A_240 = arith.constant 64 : i32
        %mul3A_241 = arith.muli %add3A_237, %mul3A_240 : i32
        %add3A_242 = arith.addi %mul3A_239, %mul3A_241 : i32
        %dma_start3A_243 = arith.constant 0 : i32
        %dma_start3A_244 = tpu.memref_slice %arg2[%add3A_242, %dma_start3A_243] : memref<16384x200xi32, #tpu.memory_space<hbm>> -> memref<64x200xi32, #tpu.memory_space<hbm>>
        %dma_start3A_245 = arith.constant 0 : i32
        %dma_start3A_246 = tpu.memref_slice %arg2[%add3A_242, %dma_start3A_245] : memref<16384x200xi32, #tpu.memory_space<hbm>> -> memref<64x200xi32, #tpu.memory_space<hbm>>
        tpu.enqueue_dma source(%dma_start3A_246 : memref<64x200xi32, #tpu.memory_space<hbm>>) target(%arg6 : memref<64x200xi32, #tpu.memory_space<vmem>>) target_semaphore(%arg10 : memref<!tpu.dma_semaphore, #tpu.memory_space<semaphore_mem>>)
      } else {
      }
      %mul3A_205 = arith.constant 512 : i32
      %mul3A_206 = arith.muli %add3A, %mul3A_205 : i32
      %mul3A_207 = arith.constant 64 : i32
      %mul3A_208 = arith.muli %add3A_167, %mul3A_207 : i32
      %add3A_209 = arith.addi %mul3A_206, %mul3A_208 : i32
      %dma_start3A_210 = arith.constant 0 : i32
      %dma_start3A_211 = arith.constant 0 : i32
      %dma_start3A_212 = arith.constant 0 : i32
      %dma_start3A_213 = tpu.memref_slice %arg8[%dma_start3A_210, %dma_start3A_211, %dma_start3A_212] : memref<2x64x128xf32, #tpu.memory_space<vmem>> -> memref<1x64x128xf32, #tpu.memory_space<vmem>>
      %dma_start3A_214 = tpu.memref_squeeze %dma_start3A_213 : memref<1x64x128xf32, #tpu.memory_space<vmem>> -> memref<64x128xf32, #tpu.memory_space<vmem>>
      %dma_start3A_215 = arith.constant 0 : i32
      %dma_start3A_216 = tpu.memref_slice %arg3[%add3A_209, %dma_start3A_215] : memref<16384x128xf32, #tpu.memory_space<hbm>> -> memref<64x128xf32, #tpu.memory_space<hbm>>
      %dma_start3A_217 = arith.constant 0 : i32
      %dma_start3A_218 = tpu.memref_slice %arg3[%add3A_209, %dma_start3A_217] : memref<16384x128xf32, #tpu.memory_space<hbm>> -> memref<64x128xf32, #tpu.memory_space<hbm>>
      %dma_start3A_219 = arith.constant 0 : i32
      %dma_start3A_220 = arith.constant 0 : i32
      %dma_start3A_221 = tpu.memref_slice %arg8[%dma_start3A_210, %dma_start3A_219, %dma_start3A_220] : memref<2x64x128xf32, #tpu.memory_space<vmem>> -> memref<1x64x128xf32, #tpu.memory_space<vmem>>
      %dma_start3A_222 = tpu.memref_squeeze %dma_start3A_221 : memref<1x64x128xf32, #tpu.memory_space<vmem>> -> memref<64x128xf32, #tpu.memory_space<vmem>>
      tpu.enqueue_dma source(%dma_start3A_222 : memref<64x128xf32, #tpu.memory_space<vmem>>) target(%dma_start3A_218 : memref<64x128xf32, #tpu.memory_space<hbm>>) target_semaphore(%arg12 : memref<!tpu.dma_semaphore, #tpu.memory_space<semaphore_mem>>)
      %dma_start3A_223 = arith.constant 1 : i32
      %dma_start3A_224 = arith.constant 0 : i32
      %dma_start3A_225 = arith.constant 0 : i32
      %dma_start3A_226 = tpu.memref_slice %arg8[%dma_start3A_223, %dma_start3A_224, %dma_start3A_225] : memref<2x64x128xf32, #tpu.memory_space<vmem>> -> memref<1x64x128xf32, #tpu.memory_space<vmem>>
      %dma_start3A_227 = tpu.memref_squeeze %dma_start3A_226 : memref<1x64x128xf32, #tpu.memory_space<vmem>> -> memref<64x128xf32, #tpu.memory_space<vmem>>
      %dma_start3A_228 = arith.constant 0 : i32
      %dma_start3A_229 = tpu.memref_slice %arg4[%add3A_209, %dma_start3A_228] : memref<16384x128xf32, #tpu.memory_space<hbm>> -> memref<64x128xf32, #tpu.memory_space<hbm>>
      %dma_start3A_230 = arith.constant 0 : i32
      %dma_start3A_231 = tpu.memref_slice %arg4[%add3A_209, %dma_start3A_230] : memref<16384x128xf32, #tpu.memory_space<hbm>> -> memref<64x128xf32, #tpu.memory_space<hbm>>
      %dma_start3A_232 = arith.constant 0 : i32
      %dma_start3A_233 = arith.constant 0 : i32
      %dma_start3A_234 = tpu.memref_slice %arg8[%dma_start3A_223, %dma_start3A_232, %dma_start3A_233] : memref<2x64x128xf32, #tpu.memory_space<vmem>> -> memref<1x64x128xf32, #tpu.memory_space<vmem>>
      %dma_start3A_235 = tpu.memref_squeeze %dma_start3A_234 : memref<1x64x128xf32, #tpu.memory_space<vmem>> -> memref<64x128xf32, #tpu.memory_space<vmem>>
      tpu.enqueue_dma source(%dma_start3A_235 : memref<64x128xf32, #tpu.memory_space<vmem>>) target(%dma_start3A_231 : memref<64x128xf32, #tpu.memory_space<hbm>>) target_semaphore(%arg12 : memref<!tpu.dma_semaphore, #tpu.memory_space<semaphore_mem>>)
    }
    %scan3A_35 = arith.constant 4 : i32
    %mul3A_36 = arith.constant 512 : i32
    %mul3A_37 = arith.muli %add3A, %mul3A_36 : i32
    %add3A_38 = arith.constant 384 : i32
    %add3A_39 = arith.addi %mul3A_37, %add3A_38 : i32
    %dma_wait3A = arith.constant 0 : i32
    %dma_wait3A_40 = arith.constant 0 : i32
    %dma_wait3A_41 = arith.constant 0 : i32
    %dma_wait3A_42 = tpu.memref_slice %arg7[%dma_wait3A, %dma_wait3A_40, %dma_wait3A_41] : memref<2x64x128xf32, #tpu.memory_space<vmem>> -> memref<1x64x128xf32, #tpu.memory_space<vmem>>
    %dma_wait3A_43 = tpu.memref_squeeze %dma_wait3A_42 : memref<1x64x128xf32, #tpu.memory_space<vmem>> -> memref<64x128xf32, #tpu.memory_space<vmem>>
    %dma_wait3A_44 = arith.constant 0 : i32
    %dma_wait3A_45 = tpu.memref_slice %arg3[%add3A_39, %dma_wait3A_44] : memref<16384x128xf32, #tpu.memory_space<hbm>> -> memref<64x128xf32, #tpu.memory_space<hbm>>
    %dma_wait3A_46 = arith.constant 0 : i32
    %dma_wait3A_47 = tpu.memref_slice %arg3[%add3A_39, %dma_wait3A_46] : memref<16384x128xf32, #tpu.memory_space<hbm>> -> memref<64x128xf32, #tpu.memory_space<hbm>>
    %dma_wait3A_48 = arith.constant 0 : i32
    %dma_wait3A_49 = arith.constant 0 : i32
    %dma_wait3A_50 = tpu.memref_slice %arg7[%dma_wait3A, %dma_wait3A_48, %dma_wait3A_49] : memref<2x64x128xf32, #tpu.memory_space<vmem>> -> memref<1x64x128xf32, #tpu.memory_space<vmem>>
    %dma_wait3A_51 = tpu.memref_squeeze %dma_wait3A_50 : memref<1x64x128xf32, #tpu.memory_space<vmem>> -> memref<64x128xf32, #tpu.memory_space<vmem>>
    tpu.wait_dma2 semaphore(%arg11 : memref<!tpu.dma_semaphore, #tpu.memory_space<semaphore_mem>>) src(%dma_wait3A_51 : memref<64x128xf32, #tpu.memory_space<vmem>>) dst(%dma_wait3A_47 : memref<64x128xf32, #tpu.memory_space<hbm>>)
    %dma_wait3A_52 = arith.constant 1 : i32
    %dma_wait3A_53 = arith.constant 0 : i32
    %dma_wait3A_54 = arith.constant 0 : i32
    %dma_wait3A_55 = tpu.memref_slice %arg7[%dma_wait3A_52, %dma_wait3A_53, %dma_wait3A_54] : memref<2x64x128xf32, #tpu.memory_space<vmem>> -> memref<1x64x128xf32, #tpu.memory_space<vmem>>
    %dma_wait3A_56 = tpu.memref_squeeze %dma_wait3A_55 : memref<1x64x128xf32, #tpu.memory_space<vmem>> -> memref<64x128xf32, #tpu.memory_space<vmem>>
    %dma_wait3A_57 = arith.constant 0 : i32
    %dma_wait3A_58 = tpu.memref_slice %arg4[%add3A_39, %dma_wait3A_57] : memref<16384x128xf32, #tpu.memory_space<hbm>> -> memref<64x128xf32, #tpu.memory_space<hbm>>
    %dma_wait3A_59 = arith.constant 0 : i32
    %dma_wait3A_60 = tpu.memref_slice %arg4[%add3A_39, %dma_wait3A_59] : memref<16384x128xf32, #tpu.memory_space<hbm>> -> memref<64x128xf32, #tpu.memory_space<hbm>>
    %dma_wait3A_61 = arith.constant 0 : i32
    %dma_wait3A_62 = arith.constant 0 : i32
    %dma_wait3A_63 = tpu.memref_slice %arg7[%dma_wait3A_52, %dma_wait3A_61, %dma_wait3A_62] : memref<2x64x128xf32, #tpu.memory_space<vmem>> -> memref<1x64x128xf32, #tpu.memory_space<vmem>>
    %dma_wait3A_64 = tpu.memref_squeeze %dma_wait3A_63 : memref<1x64x128xf32, #tpu.memory_space<vmem>> -> memref<64x128xf32, #tpu.memory_space<vmem>>
    tpu.wait_dma2 semaphore(%arg11 : memref<!tpu.dma_semaphore, #tpu.memory_space<semaphore_mem>>) src(%dma_wait3A_64 : memref<64x128xf32, #tpu.memory_space<vmem>>) dst(%dma_wait3A_60 : memref<64x128xf32, #tpu.memory_space<hbm>>)
    %mul3A_65 = arith.constant 512 : i32
    %mul3A_66 = arith.muli %add3A, %mul3A_65 : i32
    %add3A_67 = arith.constant 448 : i32
    %add3A_68 = arith.addi %mul3A_66, %add3A_67 : i32
    %dma_wait3A_69 = arith.constant 0 : i32
    %dma_wait3A_70 = arith.constant 0 : i32
    %dma_wait3A_71 = arith.constant 0 : i32
    %dma_wait3A_72 = tpu.memref_slice %arg8[%dma_wait3A_69, %dma_wait3A_70, %dma_wait3A_71] : memref<2x64x128xf32, #tpu.memory_space<vmem>> -> memref<1x64x128xf32, #tpu.memory_space<vmem>>
    %dma_wait3A_73 = tpu.memref_squeeze %dma_wait3A_72 : memref<1x64x128xf32, #tpu.memory_space<vmem>> -> memref<64x128xf32, #tpu.memory_space<vmem>>
    %dma_wait3A_74 = arith.constant 0 : i32
    %dma_wait3A_75 = tpu.memref_slice %arg3[%add3A_68, %dma_wait3A_74] : memref<16384x128xf32, #tpu.memory_space<hbm>> -> memref<64x128xf32, #tpu.memory_space<hbm>>
    %dma_wait3A_76 = arith.constant 0 : i32
    %dma_wait3A_77 = tpu.memref_slice %arg3[%add3A_68, %dma_wait3A_76] : memref<16384x128xf32, #tpu.memory_space<hbm>> -> memref<64x128xf32, #tpu.memory_space<hbm>>
    %dma_wait3A_78 = arith.constant 0 : i32
    %dma_wait3A_79 = arith.constant 0 : i32
    %dma_wait3A_80 = tpu.memref_slice %arg8[%dma_wait3A_69, %dma_wait3A_78, %dma_wait3A_79] : memref<2x64x128xf32, #tpu.memory_space<vmem>> -> memref<1x64x128xf32, #tpu.memory_space<vmem>>
    %dma_wait3A_81 = tpu.memref_squeeze %dma_wait3A_80 : memref<1x64x128xf32, #tpu.memory_space<vmem>> -> memref<64x128xf32, #tpu.memory_space<vmem>>
    tpu.wait_dma2 semaphore(%arg12 : memref<!tpu.dma_semaphore, #tpu.memory_space<semaphore_mem>>) src(%dma_wait3A_81 : memref<64x128xf32, #tpu.memory_space<vmem>>) dst(%dma_wait3A_77 : memref<64x128xf32, #tpu.memory_space<hbm>>)
    %dma_wait3A_82 = arith.constant 1 : i32
    %dma_wait3A_83 = arith.constant 0 : i32
    %dma_wait3A_84 = arith.constant 0 : i32
    %dma_wait3A_85 = tpu.memref_slice %arg8[%dma_wait3A_82, %dma_wait3A_83, %dma_wait3A_84] : memref<2x64x128xf32, #tpu.memory_space<vmem>> -> memref<1x64x128xf32, #tpu.memory_space<vmem>>
    %dma_wait3A_86 = tpu.memref_squeeze %dma_wait3A_85 : memref<1x64x128xf32, #tpu.memory_space<vmem>> -> memref<64x128xf32, #tpu.memory_space<vmem>>
    %dma_wait3A_87 = arith.constant 0 : i32
    %dma_wait3A_88 = tpu.memref_slice %arg4[%add3A_68, %dma_wait3A_87] : memref<16384x128xf32, #tpu.memory_space<hbm>> -> memref<64x128xf32, #tpu.memory_space<hbm>>
    %dma_wait3A_89 = arith.constant 0 : i32
    %dma_wait3A_90 = tpu.memref_slice %arg4[%add3A_68, %dma_wait3A_89] : memref<16384x128xf32, #tpu.memory_space<hbm>> -> memref<64x128xf32, #tpu.memory_space<hbm>>
    %dma_wait3A_91 = arith.constant 0 : i32
    %dma_wait3A_92 = arith.constant 0 : i32
    %dma_wait3A_93 = tpu.memref_slice %arg8[%dma_wait3A_82, %dma_wait3A_91, %dma_wait3A_92] : memref<2x64x128xf32, #tpu.memory_space<vmem>> -> memref<1x64x128xf32, #tpu.memory_space<vmem>>
    %dma_wait3A_94 = tpu.memref_squeeze %dma_wait3A_93 : memref<1x64x128xf32, #tpu.memory_space<vmem>> -> memref<64x128xf32, #tpu.memory_space<vmem>>
    tpu.wait_dma2 semaphore(%arg12 : memref<!tpu.dma_semaphore, #tpu.memory_space<semaphore_mem>>) src(%dma_wait3A_94 : memref<64x128xf32, #tpu.memory_space<vmem>>) dst(%dma_wait3A_90 : memref<64x128xf32, #tpu.memory_space<hbm>>)
    return
  }
}

module attributes {stable_mosaic.version = 14 : i64} {
  func.func @_mlp_body(%arg0: i32, %arg1: memref<8192x128xf32, #tpu.memory_space<vmem>>, %arg2: memref<8192x128xf32, #tpu.memory_space<vmem>>, %arg3: memref<256x128xf32, #tpu.memory_space<vmem>>, %arg4: memref<128x128xf32, #tpu.memory_space<vmem>>, %arg5: memref<1x128xf32, #tpu.memory_space<vmem>>, %arg6: memref<8192x128xf32, #tpu.memory_space<vmem>>) attributes {dimension_semantics = [#tpu.dimension_semantics<arbitrary>], iteration_bounds = array<i64: 2>, scalar_prefetch = 0 : i64, scratch_operands = 0 : i64, tpu.core_type = #tpu.core_type<tc>, window_params = [{transform_indices = @transform_0, window_bounds = array<i64: 8192, 128>}, {transform_indices = @transform_1, window_bounds = array<i64: 8192, 128>}, {pipeline_mode = #tpu.pipeline_mode<synchronous>, transform_indices = @transform_2, window_bounds = array<i64: 256, 128>}, {pipeline_mode = #tpu.pipeline_mode<synchronous>, transform_indices = @transform_3, window_bounds = array<i64: 128, 128>}, {pipeline_mode = #tpu.pipeline_mode<synchronous>, transform_indices = @transform_4, window_bounds = array<i64: 1, 128>}, {transform_indices = @transform_5, window_bounds = array<i64: 8192, 128>}]} {
    %get3A = arith.constant 0 : index
    %get3A_0 = arith.constant 0 : index
    %get3A_1 = vector.load %arg3[%get3A, %get3A_0] : memref<256x128xf32, #tpu.memory_space<vmem>>, vector<256x128xf32>
    %get3A_2 = arith.constant 0 : index
    %get3A_3 = arith.constant 0 : index
    %get3A_4 = vector.load %arg1[%get3A_2, %get3A_3] : memref<8192x128xf32, #tpu.memory_space<vmem>>, vector<8192x128xf32>
    %slice3A = vector.extract_strided_slice %get3A_1 {offsets = [0, 0], sizes = [128, 128], strides = [1, 1]} : vector<256x128xf32> to vector<128x128xf32>
    %dot_general3A = arith.constant dense<0.000000e+00> : vector<8192x128xf32>
    %dot_general3A_5 = tpu.matmul %get3A_4, %slice3A, %dot_general3A {dimension_numbers = #tpu.dot_dimension_numbers<[1], [0], [0], [1], [0, 0, 1, 1], [], []>, transpose_lhs_hint = false} : vector<8192x128xf32>, vector<128x128xf32>, vector<8192x128xf32> -> vector<8192x128xf32>
    %get3A_6 = arith.constant 0 : index
    %get3A_7 = arith.constant 0 : index
    %get3A_8 = vector.load %arg2[%get3A_6, %get3A_7] : memref<8192x128xf32, #tpu.memory_space<vmem>>, vector<8192x128xf32>
    %slice3A_9 = vector.extract_strided_slice %get3A_1 {offsets = [128, 0], sizes = [128, 128], strides = [1, 1]} : vector<256x128xf32> to vector<128x128xf32>
    %dot_general3A_10 = arith.constant dense<0.000000e+00> : vector<8192x128xf32>
    %dot_general3A_11 = tpu.matmul %get3A_8, %slice3A_9, %dot_general3A_10 {dimension_numbers = #tpu.dot_dimension_numbers<[1], [0], [0], [1], [0, 0, 1, 1], [], []>, transpose_lhs_hint = false} : vector<8192x128xf32>, vector<128x128xf32>, vector<8192x128xf32> -> vector<8192x128xf32>
    %add3A = arith.addf %dot_general3A_5, %dot_general3A_11 : vector<8192x128xf32>
    %mul3A = arith.constant 5.000000e-03 : f32
    %mul3A_12 = vector.broadcast %mul3A : f32 to vector<8192x128xf32>
    %mul3A_13 = arith.mulf %add3A, %mul3A_12 : vector<8192x128xf32>
    %get3A_14 = arith.constant 0 : index
    %get3A_15 = arith.constant 0 : index
    %get3A_16 = vector.load %arg4[%get3A_14, %get3A_15] : memref<128x128xf32, #tpu.memory_space<vmem>>, vector<128x128xf32>
    %dot_general3A_17 = arith.constant dense<0.000000e+00> : vector<8192x128xf32>
    %dot_general3A_18 = tpu.matmul %mul3A_13, %get3A_16, %dot_general3A_17 {dimension_numbers = #tpu.dot_dimension_numbers<[1], [0], [0], [1], [0, 0, 1, 1], [], []>, transpose_lhs_hint = false} : vector<8192x128xf32>, vector<128x128xf32>, vector<8192x128xf32> -> vector<8192x128xf32>
    %get3A_19 = arith.constant 0 : index
    %get3A_20 = arith.constant 0 : index
    %get3A_21 = vector.load %arg5[%get3A_19, %get3A_20] : memref<1x128xf32, #tpu.memory_space<vmem>>, vector<1x128xf32>
    %add3A_22 = vector.broadcast %get3A_21 : vector<1x128xf32> to vector<8192x128xf32>
    %add3A_23 = arith.addf %dot_general3A_18, %add3A_22 : vector<8192x128xf32>
    %mul3A_24 = arith.constant 5.000000e-01 : f32
    %mul3A_25 = vector.broadcast %mul3A_24 : f32 to vector<8192x128xf32>
    %mul3A_26 = arith.mulf %mul3A_25, %add3A_23 : vector<8192x128xf32>
    %mul3A_27 = arith.constant 0.707106769 : f32
    %mul3A_28 = vector.broadcast %mul3A_27 : f32 to vector<8192x128xf32>
    %mul3A_29 = arith.mulf %add3A_23, %mul3A_28 : vector<8192x128xf32>
    %erf3A = math.erf %mul3A_29 : vector<8192x128xf32>
    %add3A_30 = arith.constant 1.000000e+00 : f32
    %add3A_31 = vector.broadcast %add3A_30 : f32 to vector<8192x128xf32>
    %add3A_32 = arith.addf %add3A_31, %erf3A : vector<8192x128xf32>
    %mul3A_33 = arith.mulf %mul3A_26, %add3A_32 : vector<8192x128xf32>
    %swap3A = arith.constant 0 : index
    %swap3A_34 = arith.constant 0 : index
    %swap3A_35 = vector.load %arg6[%swap3A, %swap3A_34] : memref<8192x128xf32, #tpu.memory_space<vmem>>, vector<8192x128xf32>
    tpu.vector_store %arg6[%swap3A, %swap3A_34], %mul3A_33 {strides = array<i32>} : memref<8192x128xf32, #tpu.memory_space<vmem>>, vector<8192x128xf32>,
    return
  }
  func.func @transform_0(%arg0: i32) -> (i32, i32) {
    %c0_i32 = arith.constant 0 : i32
    %c0_i32_0 = arith.constant 0 : i32
    return %arg0, %c0_i32 : i32, i32
  }
  func.func @transform_1(%arg0: i32) -> (i32, i32) {
    %c0_i32 = arith.constant 0 : i32
    %c0_i32_0 = arith.constant 0 : i32
    return %arg0, %c0_i32 : i32, i32
  }
  func.func @transform_2(%arg0: i32) -> (i32, i32) {
    %c0_i32 = arith.constant 0 : i32
    %c0_i32_0 = arith.constant 0 : i32
    %c0_i32_1 = arith.constant 0 : i32
    return %c0_i32, %c0_i32_0 : i32, i32
  }
  func.func @transform_3(%arg0: i32) -> (i32, i32) {
    %c0_i32 = arith.constant 0 : i32
    %c0_i32_0 = arith.constant 0 : i32
    %c0_i32_1 = arith.constant 0 : i32
    return %c0_i32, %c0_i32_0 : i32, i32
  }
  func.func @transform_4(%arg0: i32) -> (i32, i32) {
    %c0_i32 = arith.constant 0 : i32
    %c0_i32_0 = arith.constant 0 : i32
    %c0_i32_1 = arith.constant 0 : i32
    return %c0_i32, %c0_i32_0 : i32, i32
  }
  func.func @transform_5(%arg0: i32) -> (i32, i32) {
    %c0_i32 = arith.constant 0 : i32
    %c0_i32_0 = arith.constant 0 : i32
    return %arg0, %c0_i32 : i32, i32
  }
}

</mosaic_0001>

<sc_bundles>
// kernel: kernel.4.cloned.1.call-start
scs
__scs_entry_jumppad:
0x0: {  	(pc) =	sbr.rel $0x88, $3  }
0x1: {  	(tag) =	ssettag $0x0;
	lr =	simm.s32 $0x1  }
0x2: {  	[smem:$0x3F9D] =	sst lr;
	_ =	strace $0xD0000000  }
0x3: {  	_ = 	snop  }
0x4: {  	_ = 	snop  }
0x5: {  	_ = 	snop  }
0x6: {  	_ = 	snop  }
0x7: {  	_ = 	snop  }
__scs_overlays_trampoline_lowered:
0x8: {  	[smem:$0x3FAC] =	sst s0  }
0x9: {  	[smem:$0x3FAD] =	sst s1  }
0xa: {  	[smem:$0x3FAE] =	sst s2  }
0xb: {  	[smem:$0x3FAF] =	sst s3  }
0xc: {  	[smem:$0x3FB0] =	sst s4  }
0xd: {  	[smem:$0x3FB1] =	sst s5  }
0xe: {  	[smem:$0x3FB2] =	sst s6  }
0xf: {  	[smem:$0x3FB3] =	sst s7  }
0x10: {  	[smem:$0x3FB4] =	sst s8  }
0x11: {  	[smem:$0x3FB5] =	sst s9;
	s0 =	simm.s32 @!p0 $0x0  }
0x12: {  	s1 =	sld [smem:$0x3F9B];
	s0 =	simm.s32 @p0 $0x1  }
0x13: {  	[smem:$0x3FB6] =	sst s0;
	s0 =	simm.s32 @!p1 $0x0  }
0x14: {  	s2 =	sld [smem:$0x3F9A];
	s0 =	simm.s32 @p1 $0x1  }
0x15: {  	[smem:$0x3FB7] =	sst s0;
	s0 =	simm.s32 @!p2 $0x0  }
0x16: {  	s3 =	sld [smem:$0x3FDB];
	s0 =	simm.s32 @p2 $0x1  }
0x17: {  	s4 =	simm.s32 $0x1BF5;
	[smem:$0x3FB9] =	sst s0  }
0x18: {  	s0 =	sld [smem:$0x3F9C];
	_ =	swait.ge [sflag:s4], $0x0  }
0x19: {  	s7 =	sld [smem:$0x3F9D]  }
0x1a: {  	s8 =	sadd.s32 $0xFFFFE003, lr  }
0x1b: {  	s9 =	sadd.s32 $0xFFFFFEF7, lr;
	s5 =	simm.s32 $0xFFFFFFFF;
	p2 =	slt.u32 s8, $0xFFFFF086  }
0x1c: {  	p1 =	slt.u32 s9, $0xF7A;
	s5 =	simm.s32 @!p2 $0x0  }
0x1d: {  	s5 =	simm.s32 @p1 $0x1;
	p0 =	seq.s32 s7, s2  }
0x1e: {  	s7 =	smul.u32 @!p0 $0xF7A, s2;
	p2 =	seq.s32 @!p0 s5, $0x0  }
0x1f: {  	s9 =	smul.u32 $0xF7A, s1;
	s8 =	simm.s32 @!p0 $0x1BF5;
	p2 =	por !p2, p0  }
0x20: {  	[sflag:s8] =	ssyncset.s32 @!p0 $0xFFFFF086;
	s6 =	sadd.s32 @!p0 s3, s7;
	s7 =	simm.s32 @!p0 $0x108  }
0x21: {  	s3 =	sadd.s32 s3, s9;
	s6 =	sadd.s32 @!p0 $0x88, s6;
	s7 =	simm.s32 @p2 $0x1082  }
0x22: {  	[simem:s7], [sflag:s8] =	dma.local @!p0 [hbm:s6], $0xF7A  }
0x23: {  	s9 =	sor.u32 $0xD0000000, s2;
	s6 =	simm.s32 $0x108;
	_ =	swait.ge @!p0 [sflag:s8], $0x0  }
0x24: {  	s3 =	sadd.s32 $0x88, s3;
	s6 =	simm.s32 @!p1 $0x1082;
	[sflag:s4] =	ssyncset.s32 $0xFFFFF086  }
0x25: {  	[simem:s6], [sflag:s4] =	dma.local [hbm:s3], $0xF7A  }
0x26: {  	[smem:$0x3F9D] =	sst s1;
	(tag) =	ssettag s2;
	_ =	strace s9  }
0x27: {  	s1 =	sld [smem:$0x3FAD]  }
0x28: {  	s2 =	sld [smem:$0x3FAE]  }
0x29: {  	s4 =	sld [smem:$0x3FB0]  }
0x2a: {  	p0 =	seq.s32 s5, $0x0;
	s5 =	sld [smem:$0x3FB1]  }
0x2b: {  	s6 =	sld [smem:$0x3FB2]  }
0x2c: {  	s7 =	sld [smem:$0x3FB3]  }
0x2d: {  	s3 =	simm.s32 $0x108;
	s8 =	sld [smem:$0x3FB4]  }
0x2e: {  	s3 =	simm.s32 @!p0 $0x1082;
	s9 =	sld [smem:$0x3FB5]  }
0x2f: {  	lr =	sadd.s32 s0, s3;
	s0 =	sld [smem:$0x3FAC]  }
0x30: {  	s3 =	sld [smem:$0x3FAF]  }
0x31: {  	[smem:$0x3FB8] =	sst s10  }
0x32: {  	s10 =	sld [smem:$0x3FB6];
	_ =	sdelay $0x3  }
0x33: {  	p0 =	seq.s32 s10, $0x1;
	s10 =	sld [smem:$0x3FB8];
	_ =	sdelay $0x3  }
0x34: {  	[smem:$0x3FB8] =	sst s10  }
0x35: {  	s10 =	sld [smem:$0x3FB7];
	_ =	sdelay $0x3  }
0x36: {  	p1 =	seq.s32 s10, $0x1;
	s10 =	sld [smem:$0x3FB8];
	_ =	sdelay $0x3  }
0x37: {  	[smem:$0x3FB8] =	sst s10  }
0x38: {  	s10 =	sld [smem:$0x3FB9]  }
0x39: {  	_ = 	snop;
	(pc) =	sbr.ind lr, $3  }
0x3a: {  	_ = 	snop  }
0x3b: {  	_ = 	snop  }
0x3c: {  	p2 =	seq.s32 s10, $0x1;
	s10 =	sld [smem:$0x3FB8]  }
0x3d: {  	_ =	shalt  }
0x3e: {  	_ =	shalt  }
0x3f: {  	_ =	shalt  }
0x40: {  	_ =	shalt  }
0x41: {  	_ =	shalt  }
0x42: {  	_ =	shalt  }
0x43: {  	_ =	shalt  }
0x44: {  	_ =	shalt  }
0x45: {  	_ =	shalt  }
0x46: {  	_ =	shalt  }
0x47: {  	_ =	shalt  }
0x48: {  	_ =	shalt  }
0x49: {  	_ =	shalt  }
0x4a: {  	_ =	shalt  }
0x4b: {  	_ =	shalt  }
0x4c: {  	_ =	shalt  }
0x4d: {  	_ =	shalt  }
0x4e: {  	_ =	shalt  }
0x4f: {  	_ =	shalt  }
0x50: {  	_ =	shalt  }
0x51: {  	_ =	shalt  }
0x52: {  	_ =	shalt  }
0x53: {  	_ =	shalt  }
0x54: {  	_ =	shalt  }
0x55: {  	_ =	shalt  }
0x56: {  	_ =	shalt  }
0x57: {  	_ =	shalt  }
0x58: {  	_ =	shalt  }
0x59: {  	_ =	shalt  }
0x5a: {  	_ =	shalt  }
0x5b: {  	_ =	shalt  }
0x5c: {  	_ =	shalt  }
0x5d: {  	_ =	shalt  }
0x5e: {  	_ =	shalt  }
0x5f: {  	_ =	shalt  }
0x60: {  	_ =	shalt  }
0x61: {  	_ =	shalt  }
0x62: {  	_ =	shalt  }
0x63: {  	_ =	shalt  }
0x64: {  	_ =	shalt  }
0x65: {  	_ =	shalt  }
0x66: {  	_ =	shalt  }
0x67: {  	_ =	shalt  }
0x68: {  	_ =	shalt  }
0x69: {  	_ =	shalt  }
0x6a: {  	_ =	shalt  }
0x6b: {  	_ =	shalt  }
0x6c: {  	_ =	shalt  }
0x6d: {  	_ =	shalt  }
0x6e: {  	_ =	shalt  }
0x6f: {  	_ =	shalt  }
0x70: {  	_ =	shalt  }
0x71: {  	_ =	shalt  }
0x72: {  	_ =	shalt  }
0x73: {  	_ =	shalt  }
0x74: {  	_ =	shalt  }
0x75: {  	_ =	shalt  }
0x76: {  	_ =	shalt  }
0x77: {  	_ =	shalt  }
0x78: {  	_ =	shalt  }
0x79: {  	_ =	shalt  }
0x7a: {  	_ =	shalt  }
0x7b: {  	_ =	shalt  }
0x7c: {  	_ =	shalt  }
0x7d: {  	_ =	shalt  }
0x7e: {  	_ =	shalt  }
0x7f: {  	_ =	shalt  }
0x80: {  	_ =	shalt  }
0x81: {  	_ =	shalt  }
0x82: {  	_ =	shalt  }
0x83: {  	_ =	shalt  }
0x84: {  	_ =	shalt  }
0x85: {  	_ =	shalt  }
0x86: {  	_ =	shalt  }
0x87: {  	_ =	shalt  }
.Lfunc_end0:
.L_simem_size_0:
called_computation_lowered:
.L_overlay_start_0:
0x88: {  	s2 =	sld [smem:$0x3FD9]  }
0x89: {  	s3 =	sld [smem:$0x3FFE];
	_ =	sdelay $0x1  }
0x8a: {  	s1 =	srdreg.scid  }
0x8b: {  	s0 =	sand.u32 $0x1, s1  }
0x8c: {  	s17 =	sshll.u32 s0, $0xA;
	s2 =	sadd.s32 s3, s2  }
0x8d: {  	s2 =	sadd.s32 s2, s17  }
0x8e: {  	[smem:$0x3FC4] =	sst s2  }
0x8f: {  	_ = 	snop  }
0x90: {  	s2 =	sld [smem:$0x3FD0];
	(tm) =	ssettm $0x1  }
0x91: {  	s18 =	sld [smem:$0x3FFB];
	_ =	sdelay $0x3  }
0x92: {  	_ =	strace s18  }
0x93: {  	s3 =	sld [smem:$0x3FFC];
	_ =	sdelay $0x3  }
0x94: {  	_ =	strace s3  }
0x95: {  	s3 =	sld [smem:$0x3FFD];
	_ =	sdelay $0x3  }
0x96: {  	_ =	strace s3  }
0x97: {  	_ =	strace $0x8FFFFFFF  }
0x98: {  	s19 =	sld [smem:$0x3FDB];
	_ =	sdelay $0x1  }
0x99: {  	s4 =	simm.s32 $_scs_section_size  }
0x9a: {  	s5 =	simm.s32 $_size__tile_overlayer_lowered;
	s6 =	simm.s32 $_tile_overlayer_lowered  }
0x9b: {  	s22 =	simm.s32 $0x1BFF;
	s21 =	sshll.u32 s6, $0x1;
	s3 =	sadd.s32 s4, s19  }
0x9c: {  	s7 =	simm.s32 $0x0;
	s20 =	sshll.u32 s5, $0x1;
	s5 =	sadd.s32 s21, s3  }
0x9d: {  	[timem:s7], [sflag:s22] =	dma.local [hbm:s5], s20  }
0x9e: {  	_ =	swait.ge [sflag:s22], s20  }
0x9f: {  	s4 =	ssub.s32 $0x0, s20;
	[sflag:s22] =	ssyncset.done $0x0  }
0xa0: {  	[sflag:s22] =	ssyncadd.s32 s4;
	_ =	sdelay $0x1  }
0xa1: {  	s23 =	simm.s32 $0x1B8B  }
0xa2: {  	_ =	swait.ge [sflag:s23], $0x1  }
0xa3: {  	[sflag:s23] =	ssyncset.done $0x0  }
0xa4: {  	s25 =	simm.s32 $0x1B8E;
	s24 =	sld [smem:$0x3FFE];
	[sflag:s23] =	ssyncadd.s32 $0xFFFFFFFF  }
0xa5: {  	s26 =	simm.s32 $execute0_lowered;
	[smem:$0x3FD2] =	sst s25  }
0xa6: {  	s5 =	sshll.u32 s26, $0x1;
	_ =	strace $0x80000046;
	[dreg:$0x1] =	wrdreg $0xFFFFFFFF  }
0xa7: {  	s28 =	simm.s32 $_size_execute0_lowered;
	s3 =	sadd.s32 s3, s5;
	[dreg:$0x0] =	wrdreg $0x0  }
0xa8: {  	s5 =	sshll.u32 s28, $0x1;
	[dreg:$0x2] =	wrdreg s3  }
0xa9: {  	[dreg:$0x3] =	wrdreg s5  }
0xaa: {  	[dreg:$0x4] =	wrdreg $0xC0  }
0xab: {  	_ =	task [dreg:s7], $0x5FFFF  }
0xac: {  	[dreg:$0x1] =	wrdreg $0xFFFFFFFF  }
0xad: {  	[dreg:$0x0] =	wrdreg $0x60  }
0xae: {  	[dreg:$0x2] =	wrdreg s24  }
0xaf: {  	[dreg:$0x3] =	wrdreg s2  }
0xb0: {  	[dreg:$0x4] =	wrdreg $0x9  }
0xb1: {  	_ =	task.clear_ibuf [dreg:s7], $0x5FFFF;
	_ =	strace $0x90000046  }
0xb2: {  	s29 =	simm.s32 $0x9;
	_ =	strace $0x80000048  }
0xb3: {  	_ =	swait.ge [sflag:s29], $0x1  }
0xb4: {  	[sflag:s29] =	ssyncadd.s32 $0xFFFFFFFF  }
0xb5: {  	_ =	strace $0x90000048  }
0xb6: {  	_ =	sfence  }
0xb7: {  	s30 =	sld [smem:$0x0];
	_ =	sdelay $0x2  }
0xb8: {  	s31 =	sshll.u32 s1, $0xD;
	s1 =	sshrl.u32 s1, $0x2  }
0xb9: {  	s3 =	sand.u32 $0x4000, s31;
	s1 =	sadd.s32 s1, s30  }
0xba: {  	s0 =	sor.u32 s3, s0;
	s1 =	sshll.u32 s1, $0x11  }
0xbb: {  	s0 =	sor.u32 s1, s0  }
0xbc: {  	s0 =	sadd.s32 $0x8F2B, s0  }
0xbd: {  	[sflag:s0] =	ssyncadd.remote.s32 $0x1  }
0xbe: {  	_ =	sfence.sel $0xFFFF  }
0xbf: {  	[dreg:$0x0] =	wrdreg $0xFFFFFFFF;
	(pc) =	sbr.abs _section_cstart, $3  }
0xc0: {  	[dreg:$0x1] =	wrdreg $0xFFFFFFFF  }
0xc1: {  	_ =	task.clear_ibuf [dreg:s7], $0x2FFFF;
	_ =	strace $0x9FFFFFFF  }
0xc2: {  	(tm) =	ssettm $0x7FFFFFFF  }
0xc3: {  	_ =	shalt  }
tec
execute0_lowered:
.L_overlay_start_1:
0x0: {  	(tag) =	ssettag $0x1  }
0x1: {  	v0 =	vimm.s32 $0xB80;
	vm14 =	vcmask $0x300;
	vm13 =	vcmask $0x704  }
0x2: {  	vm12 =	vcmask $0xB08;
	vm11 =	vcmask $0xF0C;
	vm10 =	vcmask $0x1310  }
0x3: {  	vm9 =	vcmask $0x1714;
	vm8 =	vcmask $0x1B18;
	vm7 =	vcmask $0x1F1C  }
0x4: {  	vm6 =	vcmask $0x2320;
	vm5 =	vcmask $0x2724;
	vm4 =	vcmask $0x2B28  }
0x5: {  	vm3 =	vcmask $0x2F2C;
	vm2 =	vcmask $0x3330;
	vm1 =	vcmask $0x3734  }
0x6: {  	vm0 =	vcmask $0x3B38;
	v3 =	vimm.s32 $0x1B80;
	v4 =	vimm.s32 $0x2B80  }
0x7: {  	v5 =	vimm.s32 $0x3B80;
	v0 =	vsel vm14, $0x0, v0;
	v3 =	vsel vm14, $0x1000, v3  }
0x8: {  	v4 =	vsel vm14, $0x2000, v4;
	v5 =	vsel vm14, $0x3000, v5;
	v0 =	vsel vm13, $0x80, v0  }
0x9: {  	v3 =	vsel vm13, $0x1080, v3;
	v4 =	vsel vm13, $0x2080, v4;
	v5 =	vsel vm13, $0x3080, v5  }
0xa: {  	v0 =	vsel vm12, $0x100, v0;
	v3 =	vsel vm12, $0x1100, v3;
	v4 =	vsel vm12, $0x2100, v4  }
0xb: {  	v5 =	vsel vm12, $0x3100, v5;
	v0 =	vsel vm11, $0x180, v0;
	v3 =	vsel vm11, $0x1180, v3  }
0xc: {  	v4 =	vsel vm11, $0x2180, v4;
	v5 =	vsel vm11, $0x3180, v5;
	v0 =	vsel vm10, $0x200, v0  }
0xd: {  	v3 =	vsel vm10, $0x1200, v3;
	v4 =	vsel vm10, $0x2200, v4;
	v5 =	vsel vm10, $0x3200, v5  }
0xe: {  	v0 =	vsel vm9, $0x280, v0;
	v3 =	vsel vm9, $0x1280, v3;
	v4 =	vsel vm9, $0x2280, v4  }
0xf: {  	v5 =	vsel vm9, $0x3280, v5;
	v0 =	vsel vm8, $0x300, v0;
	v3 =	vsel vm8, $0x1300, v3  }
0x10: {  	v4 =	vsel vm8, $0x2300, v4;
	v5 =	vsel vm8, $0x3300, v5;
	v0 =	vsel vm7, $0x380, v0  }
0x11: {  	s6 =	rddreg [dreg:$0x0];
	v3 =	vsel vm7, $0x1380, v3;
	v4 =	vsel vm7, $0x2380, v4;
	v5 =	vsel vm7, $0x3380, v5  }
0x12: {  	s1 =	rddreg [dreg:$0x1];
	v0 =	vsel vm6, $0x800, v0;
	v3 =	vsel vm6, $0x1800, v3;
	v4 =	vsel vm6, $0x2800, v4  }
0x13: {  	s0 =	rddreg [dreg:$0x2];
	s4 =	srdreg.scid;
	v5 =	vsel vm6, $0x3800, v5;
	v0 =	vsel vm5, $0x880, v0;
	v3 =	vsel vm5, $0x1880, v3  }
0x14: {  	s3 =	simm.s32 $0x0;
	s2 =	stileid.u32;
	s13 =	simm.s32 $0x4000;
	v4 =	vsel vm5, $0x2880, v4;
	v5 =	vsel vm5, $0x3880, v5;
	v1 =	vsel vm4, $0x900, v0  }
0x15: {  	s14 =	simm.s32 $0x1;
	s15 =	simm.s32 $0x8000;
	s16 =	simm.s32 $0xA000;
	v0 =	vimm.f32 $0.0e+00;
	v3 =	vsel vm4, $0x1900, v3;
	v4 =	vsel vm4, $0x2900, v4  }
0x16: {  	s17 =	simm.s32 $0x2;
	s18 =	simm.s32 $0xC000;
	s19 =	simm.s32 $0xE000;
	v5 =	vsel vm4, $0x3900, v5;
	v2 =	vsel vm3, $0x980, v1;
	v1 =	vlaneseq.u32  }
0x17: {  	s20 =	simm.s32 $0x3;
	s21 =	simm.s32 $0x4;
	s22 =	simm.s32 $0x0;
	v3 =	vsel vm3, $0x1980, v3;
	v4 =	vsel vm3, $0x2980, v4;
	v2 =	vsel vm2, $0xA00, v2  }
0x18: {  	s4 =	sand.u32 $0x1, s4;
	[smem:$0x7FF] =	sst s3;
	s5 =	sshll.u32 s2, $0xA;
	v3 =	vsel vm2, $0x1A00, v3;
	v11 =	vadd.s32 $0xFFFFFF38, v1;
	v2 =	vsel vm1, $0xA80, v2  }
0x19: {  	s7 =	sshll.u32 s4, $0x9;
	_ =	strace $0x80000047;
	s8 =	ssub.s32 $0x2, s4;
	v6 =	vsel vm1, $0x1A80, v3;
	v3 =	vsel vm2, $0x2A00, v4;
	v4 =	vsel vm3, $0x3980, v5  }
0x1a: {  	s4 =	sor.u32 s7, s5;
	s5 =	sadd.s32 $0x1200, s6;
	s31 =	sshrl.u32 s8, $0x1;
	v2 =	vsel vm0, $0xB00, v2;
	v5 =	vsel vm1, $0x2A80, v3;
	v7 =	vsel vm2, $0x3A00, v4  }
0x1b: {  	s6 =	sadd.s32 $0x81200, s6;
	s9 =	sshll.u32 s4, $0x5;
	s12 =	ssub.s32 s8, s31;
	v3 =	vmul.u32 $0x80, v1;
	v4 =	vsel vm0, $0x1B00, v6;
	v6 =	vsel vm1, $0x3A80, v7  }
0x1c: {  	s10 =	sshll.u32 s4, $0x4;
	s11 =	sor.u32 $0xC0, s4;
	s7 =	sadd.s32 s5, s9;
	v5 =	vsel vm0, $0x2B00, v5;
	v7 =	vimm.f32 $1.000000000e+00;
	v6 =	vsel vm0, $0x3B00, v6  }
0x1d: {  	s9 =	sor.u32 $0x80, s4;
	s12 =	smax.u32 s12, $0x1;
	s8 =	sadd.s32 $0x800, s7;
	v8 =	vor.u32 $0x800, v3;
	v9 =	vor.u32 $0x1000, v3;
	v10 =	vor.u32 $0x1800, v3  }
.LBB2_1:
0x1e: {  	[tilespmem:s3], [sflag:$0x1] =	stream.linear.gather [hbm4b:s7+s3], $0x4000, $0x38;
	[tilespmem:$0x10000] =	vst v63  }
0x1f: {  	s23 =	simm.s32 $0x0  }
0x20: {  	[tilespmem:s13], [sflag:$0x2] =	stream.linear.gather [hbm4b:s8+s3], $0x4000, $0x38;
	[tilespmem:$0x10000] =	vst v63  }
.LBB2_2:
0x21: {  	p0 =	seq.s32 s23, $0x0  }
0x22: {  	s24 =	simm.s32 @!p0 $0x3  }
0x23: {  	_ =	swait.ge @!p0 [sflag:s24], $0x2000  }
0x24: {  	[sflag:s24] =	ssyncset.done @!p0 $0x0  }
0x25: {  	[sflag:s24] =	ssyncadd.s32 @!p0 $0xFFFFE000  }
0x26: {  	_ =	swait.ge @!p0 [sflag:s24], $0x2000  }
0x27: {  	[sflag:s24] =	ssyncset.done @!p0 $0x0  }
0x28: {  	[sflag:s24] =	ssyncadd.s32 @!p0 $0xFFFFE000  }
0x29: {  	_ =	swait.ge [sflag:s14], $0x4000  }
0x2a: {  	s25 =	simm.s32 $0x40;
	[sflag:s14] =	ssyncset.done $0x0  }
0x2b: {  	s26 =	simm.s32 $0x300;
	s24 =	sshll.u32 s23, $0x7;
	[sflag:s14] =	ssyncadd.s32 $0xFFFFC000  }
.LBB2_3:
0x2c: {  	p1 =	sne.s32 s26, $0x7F00;
	[tilespmem:s25+$0xA030] =	vst v0  }
0x2d: {  	[tilespmem:s25+$0x7FC0] =	vst v0  }
0x2e: {  	[tilespmem:s25+$0x7FD0] =	vst v0  }
0x2f: {  	[tilespmem:s25+$0x7FE0] =	vst v0  }
0x30: {  	[tilespmem:s25+$0x7FF0] =	vst v0  }
0x31: {  	[tilespmem:s25+$0x8000] =	vst v0  }
0x32: {  	[tilespmem:s25+$0x8010] =	vst v0  }
0x33: {  	[tilespmem:s25+$0x8020] =	vst v0  }
0x34: {  	[tilespmem:s25+$0x8030] =	vst v0  }
0x35: {  	[tilespmem:s25+$0x9FC0] =	vst v0  }
0x36: {  	[tilespmem:s25+$0x9FD0] =	vst v0  }
.Ltmp0:
0x37: {  	[tilespmem:s25+$0x9FE0] =	vst v0;
	(pc) =	sbr.rel @p1 .LBB2_3-.Ltmp0, $4  }
0x38: {  	[tilespmem:s25+$0x9FF0] =	vst v0  }
0x39: {  	[tilespmem:s25+$0xA000] =	vst v0  }
0x3a: {  	[tilespmem:s25+$0xA010] =	vst v0  }
0x3b: {  	[tilespmem:s25+$0xA020] =	vst v0;
	s25 =	sshra.s32 s26, $0x2;
	s26 =	sadd.s32 $0x200, s26  }
0x3c: {  	[tilespmem:s25+$0xA030] =	vst v0  }
0x3d: {  	[tilespmem:s25+$0x7FC0] =	vst v0  }
0x3e: {  	[tilespmem:s25+$0x7FD0] =	vst v0  }
0x3f: {  	[tilespmem:s25+$0x7FE0] =	vst v0  }
0x40: {  	[tilespmem:s25+$0x7FF0] =	vst v0  }
0x41: {  	[tilespmem:s25+$0x8000] =	vst v0  }
0x42: {  	[tilespmem:s25+$0x8010] =	vst v0  }
0x43: {  	[tilespmem:s25+$0x8020] =	vst v0  }
0x44: {  	[tilespmem:s25+$0x8030] =	vst v0  }
0x45: {  	[tilespmem:s25+$0x9FC0] =	vst v0  }
0x46: {  	[tilespmem:s25+$0x9FD0] =	vst v0  }
0x47: {  	[tilespmem:s25+$0x9FE0] =	vst v0  }
0x48: {  	[tilespmem:s25+$0x9FF0] =	vst v0  }
0x49: {  	[tilespmem:s25+$0xA000] =	vst v0  }
0x4a: {  	[tilespmem:s25+$0xA010] =	vst v0  }
0x4b: {  	[tilespmem:s25+$0xA020] =	vst v0;
	s26 =	simm.s32 $0x7  }
.LBB2_5:
0x4c: {  	s25 =	sadd.s32 $0xFFFFFFF9, s26  }
0x4d: {  	v12 =	vadd.s32 s25, v1  }
0x4e: {  	v13 =	vshll.u32 v12, $0x3  }
0x4f: {  	v12 =	vand.u32 $0x7F, v12;
	v13 =	vand.u32 $0xC00, v13  }
0x50: {  	v12 =	vor.u32 v12, v13  }
0x51: {  	v13 =	vadd.s32 v2, v12  }
0x52: {  	v14 =	vadd.s32 v4, v12  }
0x53: {  	v15 =	vadd.s32 v5, v12  }
0x54: {  	v12 =	vadd.s32 v6, v12  }
0x55: {  	s25 =	simm.s32 $0x0  }
0x56: {  	v13 =	vld.idx.msk [tilespmem:v13+s25+$0x0], $0xffff  }
0x57: {  	v14 =	vld.idx.msk [tilespmem:v14+s25+$0x0], $0xffff  }
0x58: {  	v15 =	vld.idx.msk [tilespmem:v15+s25+$0x0], $0xffff  }
0x59: {  	s28 =	sadd.s32 $0xFFFFFFFA, s26;
	v12 =	vld.idx.msk [tilespmem:v12+s25+$0x0], $0xffff  }
0x5a: {  	v44 =	vadd.s32 s28, v1  }
0x5b: {  	v45 =	vshll.u32 v44, $0x3  }
0x5c: {  	v16 =	vshll.u32 v13, $0x6;
	v13 =	vand.u32 $0x7F, v13;
	v42 =	vand.u32 $0x7F, v14  }
0x5d: {  	v14 =	vshll.u32 v14, $0x6;
	v17 =	vshll.u32 v15, $0x6;
	v15 =	vand.u32 $0x7F, v15  }
0x5e: {  	v43 =	vshll.u32 v12, $0x6;
	v12 =	vand.u32 $0x7F, v12;
	v16 =	vand.u32 $0xFFFFE000, v16  }
0x5f: {  	v14 =	vand.u32 $0xFFFFE000, v14;
	v17 =	vand.u32 $0xFFFFE000, v17;
	v13 =	vor.u32 v16, v13  }
0x60: {  	v14 =	vor.u32 v14, v42;
	v15 =	vor.u32 v17, v15;
	v13 =	vor.u32 v3, v13  }
0x61: {  	v16 =	vand.u32 $0xFFFFE000, v43;
	v17 =	vand.u32 $0x7F, v44;
	v14 =	vor.u32 v8, v14  }
0x62: {  	v12 =	vor.u32 v16, v12;
	v15 =	vor.u32 v9, v15;
	v16 =	vand.u32 $0x7FFFFC00, v45  }
0x63: {  	v12 =	vor.u32 v10, v12;
	v16 =	vor.u32 v17, v16  }
0x64: {  	v17 =	vadd.s32 v2, v16  }
0x65: {  	v46 =	vadd.s32 v4, v16;
	[tilespmem:v13+s15+$0x0] =	vst.idx.add.f32.msk $0xffff, v7  }
0x66: {  	v47 =	vadd.s32 v5, v16;
	[tilespmem:v14+s15+$0x0] =	vst.idx.add.f32.msk $0xffff, v7  }
0x67: {  	v48 =	vadd.s32 v6, v16;
	[tilespmem:v15+s15+$0x0] =	vst.idx.add.f32.msk $0xffff, v7  }
0x68: {  	[tilespmem:v12+s15+$0x0] =	vst.idx.add.f32.msk $0xffff, v7  }
0x69: {  	v14 =	vld.idx.msk [tilespmem:v17+s25+$0x0], $0xffff  }
0x6a: {  	v13 =	vld.idx.msk [tilespmem:v46+s25+$0x0], $0xffff  }
0x6b: {  	v12 =	vld.idx.msk [tilespmem:v47+s25+$0x0], $0xffff  }
0x6c: {  	s30 =	sadd.s32 $0xFFFFFFFB, s26;
	v15 =	vld.idx.msk [tilespmem:v48+s25+$0x0], $0xffff  }
0x6d: {  	v53 =	vadd.s32 s30, v1  }
0x6e: {  	v54 =	vshll.u32 v53, $0x3  }
0x6f: {  	v49 =	vshll.u32 v14, $0x6;
	v14 =	vand.u32 $0x7F, v14;
	v50 =	vand.u32 $0x7F, v13  }
0x70: {  	v13 =	vshll.u32 v13, $0x6;
	v51 =	vshll.u32 v12, $0x6;
	v12 =	vand.u32 $0x7F, v12  }
0x71: {  	v52 =	vshll.u32 v15, $0x6;
	v15 =	vand.u32 $0x7F, v15;
	v16 =	vand.u32 $0xFFFFE000, v49  }
0x72: {  	v13 =	vand.u32 $0xFFFFE000, v13;
	v17 =	vand.u32 $0xFFFFE000, v51;
	v14 =	vor.u32 v16, v14  }
0x73: {  	v13 =	vor.u32 v13, v50;
	v12 =	vor.u32 v17, v12;
	v14 =	vor.u32 v3, v14  }
0x74: {  	v16 =	vand.u32 $0xFFFFE000, v52;
	v17 =	vand.u32 $0x7F, v53;
	v13 =	vor.u32 v8, v13  }
0x75: {  	v15 =	vor.u32 v16, v15;
	v12 =	vor.u32 v9, v12;
	v16 =	vand.u32 $0x7FFFFC00, v54  }
0x76: {  	v15 =	vor.u32 v10, v15;
	v16 =	vor.u32 v17, v16  }
0x77: {  	v17 =	vadd.s32 v2, v16  }
0x78: {  	v55 =	vadd.s32 v4, v16;
	[tilespmem:v14+s15+$0x0] =	vst.idx.add.f32.msk $0xffff, v7  }
0x79: {  	v56 =	vadd.s32 v5, v16;
	[tilespmem:v13+s15+$0x0] =	vst.idx.add.f32.msk $0xffff, v7  }
0x7a: {  	v57 =	vadd.s32 v6, v16;
	[tilespmem:v12+s15+$0x0] =	vst.idx.add.f32.msk $0xffff, v7  }
0x7b: {  	[tilespmem:v15+s15+$0x0] =	vst.idx.add.f32.msk $0xffff, v7  }
0x7c: {  	v14 =	vld.idx.msk [tilespmem:v17+s25+$0x0], $0xffff  }
0x7d: {  	v12 =	vld.idx.msk [tilespmem:v55+s25+$0x0], $0xffff  }
0x7e: {  	v13 =	vld.idx.msk [tilespmem:v56+s25+$0x0], $0xffff  }
0x7f: {  	s31 =	sadd.s32 $0xFFFFFFFC, s26;
	v15 =	vld.idx.msk [tilespmem:v57+s25+$0x0], $0xffff  }
0x80: {  	v62 =	vadd.s32 s31, v1  }
0x81: {  	v63 =	vshll.u32 v62, $0x3  }
0x82: {  	v58 =	vshll.u32 v14, $0x6;
	v14 =	vand.u32 $0x7F, v14;
	v59 =	vand.u32 $0x7F, v12  }
0x83: {  	v12 =	vshll.u32 v12, $0x6;
	v60 =	vshll.u32 v13, $0x6;
	v13 =	vand.u32 $0x7F, v13  }
0x84: {  	v61 =	vshll.u32 v15, $0x6;
	v15 =	vand.u32 $0x7F, v15;
	v16 =	vand.u32 $0xFFFFE000, v58  }
0x85: {  	v12 =	vand.u32 $0xFFFFE000, v12;
	v17 =	vand.u32 $0xFFFFE000, v60;
	v14 =	vor.u32 v16, v14  }
0x86: {  	v12 =	vor.u32 v12, v59;
	v13 =	vor.u32 v17, v13;
	v14 =	vor.u32 v3, v14  }
0x87: {  	v16 =	vand.u32 $0xFFFFE000, v61;
	v17 =	vand.u32 $0x7F, v62;
	v12 =	vor.u32 v8, v12  }
0x88: {  	v15 =	vor.u32 v16, v15;
	v13 =	vor.u32 v9, v13;
	v16 =	vand.u32 $0x7FFFFC00, v63  }
0x89: {  	v15 =	vor.u32 v10, v15;
	v16 =	vor.u32 v17, v16  }
0x8a: {  	v17 =	vadd.s32 v2, v16  }
0x8b: {  	v20 =	vadd.s32 v4, v16;
	[tilespmem:v14+s15+$0x0] =	vst.idx.add.f32.msk $0xffff, v7  }
0x8c: {  	v21 =	vadd.s32 v5, v16;
	[tilespmem:v12+s15+$0x0] =	vst.idx.add.f32.msk $0xffff, v7  }
0x8d: {  	v22 =	vadd.s32 v6, v16;
	[tilespmem:v13+s15+$0x0] =	vst.idx.add.f32.msk $0xffff, v7  }
0x8e: {  	[tilespmem:v15+s15+$0x0] =	vst.idx.add.f32.msk $0xffff, v7  }
0x8f: {  	v14 =	vld.idx.msk [tilespmem:v17+s25+$0x0], $0xffff  }
0x90: {  	v12 =	vld.idx.msk [tilespmem:v20+s25+$0x0], $0xffff  }
0x91: {  	v13 =	vld.idx.msk [tilespmem:v21+s25+$0x0], $0xffff  }
0x92: {  	s29 =	sadd.s32 $0xFFFFFFFD, s26;
	v15 =	vld.idx.msk [tilespmem:v22+s25+$0x0], $0xffff  }
0x93: {  	v27 =	vadd.s32 s29, v1  }
0x94: {  	v28 =	vshll.u32 v27, $0x3  }
0x95: {  	v23 =	vshll.u32 v14, $0x6;
	v14 =	vand.u32 $0x7F, v14;
	v24 =	vand.u32 $0x7F, v12  }
0x96: {  	v12 =	vshll.u32 v12, $0x6;
	v25 =	vshll.u32 v13, $0x6;
	v13 =	vand.u32 $0x7F, v13  }
0x97: {  	v26 =	vshll.u32 v15, $0x6;
	v15 =	vand.u32 $0x7F, v15;
	v16 =	vand.u32 $0xFFFFE000, v23  }
0x98: {  	v12 =	vand.u32 $0xFFFFE000, v12;
	v17 =	vand.u32 $0xFFFFE000, v25;
	v14 =	vor.u32 v16, v14  }
0x99: {  	v12 =	vor.u32 v12, v24;
	v13 =	vor.u32 v17, v13;
	v14 =	vor.u32 v3, v14  }
0x9a: {  	v16 =	vand.u32 $0xFFFFE000, v26;
	v17 =	vand.u32 $0x7F, v27;
	v12 =	vor.u32 v8, v12  }
0x9b: {  	v15 =	vor.u32 v16, v15;
	v13 =	vor.u32 v9, v13;
	v16 =	vand.u32 $0x7FFFFC00, v28  }
0x9c: {  	v15 =	vor.u32 v10, v15;
	v16 =	vor.u32 v17, v16  }
0x9d: {  	v17 =	vadd.s32 v2, v16  }
0x9e: {  	v29 =	vadd.s32 v4, v16;
	[tilespmem:v14+s15+$0x0] =	vst.idx.add.f32.msk $0xffff, v7  }
0x9f: {  	v30 =	vadd.s32 v5, v16;
	[tilespmem:v12+s15+$0x0] =	vst.idx.add.f32.msk $0xffff, v7  }
0xa0: {  	v31 =	vadd.s32 v6, v16;
	[tilespmem:v13+s15+$0x0] =	vst.idx.add.f32.msk $0xffff, v7  }
0xa1: {  	[tilespmem:v15+s15+$0x0] =	vst.idx.add.f32.msk $0xffff, v7  }
0xa2: {  	v14 =	vld.idx.msk [tilespmem:v17+s25+$0x0], $0xffff  }
0xa3: {  	v12 =	vld.idx.msk [tilespmem:v29+s25+$0x0], $0xffff  }
0xa4: {  	v13 =	vld.idx.msk [tilespmem:v30+s25+$0x0], $0xffff  }
0xa5: {  	s30 =	sadd.s32 $0xFFFFFFFE, s26;
	v15 =	vld.idx.msk [tilespmem:v31+s25+$0x0], $0xffff  }
0xa6: {  	v36 =	vadd.s32 s30, v1  }
0xa7: {  	v37 =	vshll.u32 v36, $0x3  }
0xa8: {  	v32 =	vshll.u32 v14, $0x6;
	v14 =	vand.u32 $0x7F, v14;
	v33 =	vand.u32 $0x7F, v12  }
0xa9: {  	v12 =	vshll.u32 v12, $0x6;
	v34 =	vshll.u32 v13, $0x6;
	v13 =	vand.u32 $0x7F, v13  }
0xaa: {  	v35 =	vshll.u32 v15, $0x6;
	v15 =	vand.u32 $0x7F, v15;
	v16 =	vand.u32 $0xFFFFE000, v32  }
0xab: {  	v12 =	vand.u32 $0xFFFFE000, v12;
	v17 =	vand.u32 $0xFFFFE000, v34;
	v14 =	vor.u32 v16, v14  }
0xac: {  	v12 =	vor.u32 v12, v33;
	v13 =	vor.u32 v17, v13;
	v14 =	vor.u32 v3, v14  }
0xad: {  	v16 =	vand.u32 $0xFFFFE000, v35;
	v17 =	vand.u32 $0x7F, v36;
	v12 =	vor.u32 v8, v12  }
0xae: {  	v15 =	vor.u32 v16, v15;
	v13 =	vor.u32 v9, v13;
	v16 =	vand.u32 $0x7FFFFC00, v37  }
0xaf: {  	v15 =	vor.u32 v10, v15;
	v16 =	vor.u32 v17, v16  }
0xb0: {  	v17 =	vadd.s32 v2, v16  }
0xb1: {  	v38 =	vadd.s32 v4, v16;
	[tilespmem:v14+s15+$0x0] =	vst.idx.add.f32.msk $0xffff, v7  }
0xb2: {  	v39 =	vadd.s32 v5, v16;
	[tilespmem:v12+s15+$0x0] =	vst.idx.add.f32.msk $0xffff, v7  }
0xb3: {  	v40 =	vadd.s32 v6, v16;
	[tilespmem:v13+s15+$0x0] =	vst.idx.add.f32.msk $0xffff, v7  }
0xb4: {  	[tilespmem:v15+s15+$0x0] =	vst.idx.add.f32.msk $0xffff, v7  }
0xb5: {  	v14 =	vld.idx.msk [tilespmem:v17+s25+$0x0], $0xffff  }
0xb6: {  	v12 =	vld.idx.msk [tilespmem:v38+s25+$0x0], $0xffff  }
0xb7: {  	v13 =	vld.idx.msk [tilespmem:v39+s25+$0x0], $0xffff  }
0xb8: {  	s31 =	sadd.s32 $0xFFFFFFFF, s26;
	v15 =	vld.idx.msk [tilespmem:v40+s25+$0x0], $0xffff  }
0xb9: {  	v45 =	vadd.s32 s31, v1  }
0xba: {  	v46 =	vshll.u32 v45, $0x3  }
0xbb: {  	v41 =	vshll.u32 v14, $0x6;
	v14 =	vand.u32 $0x7F, v14;
	v42 =	vand.u32 $0x7F, v12  }
0xbc: {  	v12 =	vshll.u32 v12, $0x6;
	v43 =	vshll.u32 v13, $0x6;
	v13 =	vand.u32 $0x7F, v13  }
0xbd: {  	v44 =	vshll.u32 v15, $0x6;
	v15 =	vand.u32 $0x7F, v15;
	v16 =	vand.u32 $0xFFFFE000, v41  }
0xbe: {  	v12 =	vand.u32 $0xFFFFE000, v12;
	v17 =	vand.u32 $0xFFFFE000, v43;
	v14 =	vor.u32 v16, v14  }
0xbf: {  	v12 =	vor.u32 v12, v42;
	v13 =	vor.u32 v17, v13;
	v14 =	vor.u32 v3, v14  }
0xc0: {  	v16 =	vand.u32 $0xFFFFE000, v44;
	v17 =	vand.u32 $0x7F, v45;
	v12 =	vor.u32 v8, v12  }
0xc1: {  	v15 =	vor.u32 v16, v15;
	v13 =	vor.u32 v9, v13;
	v16 =	vand.u32 $0x7FFFFC00, v46  }
0xc2: {  	v15 =	vor.u32 v10, v15;
	v16 =	vor.u32 v17, v16  }
0xc3: {  	v17 =	vadd.s32 v2, v16  }
0xc4: {  	v47 =	vadd.s32 v4, v16;
	[tilespmem:v14+s15+$0x0] =	vst.idx.add.f32.msk $0xffff, v7  }
0xc5: {  	v48 =	vadd.s32 v5, v16;
	[tilespmem:v12+s15+$0x0] =	vst.idx.add.f32.msk $0xffff, v7  }
0xc6: {  	v49 =	vadd.s32 v6, v16;
	[tilespmem:v13+s15+$0x0] =	vst.idx.add.f32.msk $0xffff, v7  }
0xc7: {  	[tilespmem:v15+s15+$0x0] =	vst.idx.add.f32.msk $0xffff, v7  }
0xc8: {  	v14 =	vld.idx.msk [tilespmem:v17+s25+$0x0], $0xffff  }
0xc9: {  	v12 =	vld.idx.msk [tilespmem:v47+s25+$0x0], $0xffff  }
0xca: {  	v13 =	vld.idx.msk [tilespmem:v48+s25+$0x0], $0xffff  }
0xcb: {  	v15 =	vld.idx.msk [tilespmem:v49+s25+$0x0], $0xffff  }
0xcc: {  	v54 =	vadd.s32 s26, v1  }
0xcd: {  	v55 =	vshll.u32 v54, $0x3  }
0xce: {  	v50 =	vshll.u32 v14, $0x6;
	v14 =	vand.u32 $0x7F, v14;
	v51 =	vand.u32 $0x7F, v12  }
0xcf: {  	v12 =	vshll.u32 v12, $0x6;
	v52 =	vshll.u32 v13, $0x6;
	v13 =	vand.u32 $0x7F, v13  }
0xd0: {  	v53 =	vshll.u32 v15, $0x6;
	v15 =	vand.u32 $0x7F, v15;
	v16 =	vand.u32 $0xFFFFE000, v50  }
0xd1: {  	v12 =	vand.u32 $0xFFFFE000, v12;
	v17 =	vand.u32 $0xFFFFE000, v52;
	v14 =	vor.u32 v16, v14  }
0xd2: {  	v12 =	vor.u32 v12, v51;
	v13 =	vor.u32 v17, v13;
	v14 =	vor.u32 v3, v14  }
0xd3: {  	v16 =	vand.u32 $0xFFFFE000, v53;
	v17 =	vand.u32 $0x7F, v54;
	v12 =	vor.u32 v8, v12  }
0xd4: {  	v15 =	vor.u32 v16, v15;
	v13 =	vor.u32 v9, v13;
	v16 =	vand.u32 $0x7FFFFC00, v55  }
0xd5: {  	v15 =	vor.u32 v10, v15;
	v16 =	vor.u32 v17, v16  }
0xd6: {  	v17 =	vadd.s32 v2, v16  }
0xd7: {  	v56 =	vadd.s32 v4, v16;
	[tilespmem:v14+s15+$0x0] =	vst.idx.add.f32.msk $0xffff, v7  }
0xd8: {  	v57 =	vadd.s32 v5, v16;
	[tilespmem:v12+s15+$0x0] =	vst.idx.add.f32.msk $0xffff, v7  }
0xd9: {  	v58 =	vadd.s32 v6, v16;
	[tilespmem:v13+s15+$0x0] =	vst.idx.add.f32.msk $0xffff, v7  }
0xda: {  	[tilespmem:v15+s15+$0x0] =	vst.idx.add.f32.msk $0xffff, v7  }
0xdb: {  	v14 =	vld.idx.msk [tilespmem:v17+s25+$0x0], $0xffff  }
0xdc: {  	v12 =	vld.idx.msk [tilespmem:v56+s25+$0x0], $0xffff  }
0xdd: {  	v13 =	vld.idx.msk [tilespmem:v57+s25+$0x0], $0xffff  }
0xde: {  	v15 =	vld.idx.msk [tilespmem:v58+s25+$0x0], $0xffff;
	_ =	sdelay $0x2  }
0xdf: {  	v59 =	vshll.u32 v14, $0x6;
	v14 =	vand.u32 $0x7F, v14  }
0xe0: {  	v60 =	vshll.u32 v12, $0x6;
	v12 =	vand.u32 $0x7F, v12;
	v61 =	vshll.u32 v13, $0x6  }
0xe1: {  	v13 =	vand.u32 $0x7F, v13;
	v63 =	vshll.u32 v15, $0x6;
	v16 =	vand.u32 $0xFFFFE000, v59  }
0xe2: {  	v15 =	vand.u32 $0x7F, v15;
	v14 =	vor.u32 v16, v14;
	v16 =	vand.u32 $0xFFFFE000, v60  }
0xe3: {  	v62 =	vand.u32 $0xFFFFE000, v61;
	v12 =	vor.u32 v16, v12;
	v14 =	vor.u32 v3, v14  }
0xe4: {  	v13 =	vor.u32 v62, v13;
	v16 =	vand.u32 $0xFFFFE000, v63;
	v12 =	vor.u32 v8, v12  }
0xe5: {  	v13 =	vor.u32 v9, v13;
	v15 =	vor.u32 v16, v15  }
0xe6: {  	p1 =	sne.s32 s26, $0xB7;
	v15 =	vor.u32 v10, v15  }
.Ltmp1:
0xe7: {  	_ = 	snop;
	(pc) =	sbr.rel @p1 .LBB2_5-.Ltmp1, $4  }
0xe8: {  	[tilespmem:v14+s15+$0x0] =	vst.idx.add.f32.msk $0xffff, v7  }
0xe9: {  	[tilespmem:v12+s15+$0x0] =	vst.idx.add.f32.msk $0xffff, v7  }
0xea: {  	[tilespmem:v13+s15+$0x0] =	vst.idx.add.f32.msk $0xffff, v7  }
0xeb: {  	s26 =	sadd.s32 $0x8, s26;
	[tilespmem:v15+s15+$0x0] =	vst.idx.add.f32.msk $0xffff, v7  }
0xec: {  	p1 =	por $0x1, $0x1  }
.LBB2_7:
0xed: {  	s26 =	sadd.s32 $0xB8, s25  }
0xee: {  	v12 =	vadd.s32 s26, v1  }
0xef: {  	v13 =	vadd.s32 s26, v11;
	vm0 =	vgt.u32 v12, $0xC7  }
0xf0: {  	v12 =	vsel vm0, v13, v12  }
0xf1: {  	v13 =	vshll.u32 v12, $0x3  }
0xf2: {  	v12 =	vand.u32 $0x7F, v12;
	v13 =	vand.u32 $0xFFFFFC00, v13  }
0xf3: {  	v12 =	vor.u32 v12, v13  }
0xf4: {  	v13 =	vadd.s32 v2, v12  }
0xf5: {  	v14 =	vadd.s32 v4, v12  }
0xf6: {  	v15 =	vadd.s32 v5, v12  }
0xf7: {  	v12 =	vadd.s32 v6, v12;
	_ =	sdelay $0x1  }
0xf8: {  	v13 =	vld.idx.msk [tilespmem:v13+s3+$0x0], $0xffff  }
0xf9: {  	v14 =	vld.idx.msk [tilespmem:v14+s3+$0x0], $0xffff  }
0xfa: {  	v15 =	vld.idx.msk [tilespmem:v15+s3+$0x0], $0xffff  }
0xfb: {  	v12 =	vld.idx.msk [tilespmem:v12+s3+$0x0], $0xffff  }
0xfc: {  	s29 =	sadd.s32 $0xB9, s25  }
0xfd: {  	v24 =	vadd.s32 s29, v1;
	v25 =	vadd.s32 s29, v11  }
0xfe: {  	vm9 =	vgt.u32 v24, $0xC7;
	v16 =	vand.u32 $0x7F, v13;
	v13 =	vshll.u32 v13, $0x6  }
0xff: {  	v17 =	vshll.u32 v14, $0x6;
	v14 =	vand.u32 $0x7F, v14;
	v23 =	vshll.u32 v15, $0x6  }
0x100: {  	v15 =	vand.u32 $0x7F, v15;
	v18 =	vshll.u32 v12, $0x6;
	v12 =	vand.u32 $0x7F, v12  }
0x101: {  	v13 =	vand.u32 $0xFFFFE000, v13;
	v17 =	vand.u32 $0xFFFFE000, v17;
	v26 =	vand.u32 $0xFFFFE000, v18  }
0x102: {  	v13 =	vor.u32 v13, v16;
	v14 =	vor.u32 v17, v14;
	v16 =	vand.u32 $0xFFFFE000, v23  }
0x103: {  	v13 =	vor.u32 v3, v13;
	v15 =	vor.u32 v16, v15;
	v16 =	vsel vm9, v25, v24  }
0x104: {  	v12 =	vor.u32 v26, v12;
	v14 =	vor.u32 v8, v14;
	v27 =	vshll.u32 v16, $0x3  }
0x105: {  	v15 =	vor.u32 v9, v15;
	v16 =	vand.u32 $0x7F, v16;
	v28 =	vand.u32 $0xFFFFFC00, v27  }
0x106: {  	v12 =	vor.u32 v10, v12;
	v16 =	vor.u32 v16, v28  }
0x107: {  	v17 =	vadd.s32 v2, v16  }
0x108: {  	v29 =	vadd.s32 v4, v16;
	[tilespmem:v13+s15+$0x0] =	vst.idx.add.f32.msk $0xffff, v7  }
0x109: {  	v30 =	vadd.s32 v5, v16;
	[tilespmem:v14+s15+$0x0] =	vst.idx.add.f32.msk $0xffff, v7  }
0x10a: {  	v31 =	vadd.s32 v6, v16;
	[tilespmem:v15+s15+$0x0] =	vst.idx.add.f32.msk $0xffff, v7  }
0x10b: {  	[tilespmem:v12+s15+$0x0] =	vst.idx.add.f32.msk $0xffff, v7  }
0x10c: {  	v14 =	vld.idx.msk [tilespmem:v17+s3+$0x0], $0xffff  }
0x10d: {  	v13 =	vld.idx.msk [tilespmem:v29+s3+$0x0], $0xffff  }
0x10e: {  	v12 =	vld.idx.msk [tilespmem:v30+s3+$0x0], $0xffff  }
0x10f: {  	v15 =	vld.idx.msk [tilespmem:v31+s3+$0x0], $0xffff  }
0x110: {  	s30 =	sadd.s32 $0xBA, s25  }
0x111: {  	v35 =	vadd.s32 s30, v1;
	v36 =	vadd.s32 s30, v11  }
0x112: {  	vm10 =	vgt.u32 v35, $0xC7;
	v32 =	vand.u32 $0x7F, v14;
	v14 =	vshll.u32 v14, $0x6  }
0x113: {  	v33 =	vshll.u32 v13, $0x6;
	v13 =	vand.u32 $0x7F, v13;
	v34 =	vshll.u32 v12, $0x6  }
0x114: {  	v12 =	vand.u32 $0x7F, v12;
	v37 =	vshll.u32 v15, $0x6;
	v15 =	vand.u32 $0x7F, v15  }
0x115: {  	v14 =	vand.u32 $0xFFFFE000, v14;
	v17 =	vand.u32 $0xFFFFE000, v33;
	v16 =	vand.u32 $0xFFFFE000, v34  }
0x116: {  	v38 =	vand.u32 $0xFFFFE000, v37;
	v14 =	vor.u32 v14, v32;
	v13 =	vor.u32 v17, v13  }
0x117: {  	v12 =	vor.u32 v16, v12;
	v16 =	vsel vm10, v36, v35;
	v14 =	vor.u32 v3, v14  }
0x118: {  	v15 =	vor.u32 v38, v15;
	v13 =	vor.u32 v8, v13;
	v39 =	vshll.u32 v16, $0x3  }
0x119: {  	v12 =	vor.u32 v9, v12;
	v16 =	vand.u32 $0x7F, v16;
	v40 =	vand.u32 $0xFFFFFC00, v39  }
0x11a: {  	v15 =	vor.u32 v10, v15;
	v16 =	vor.u32 v16, v40  }
0x11b: {  	v17 =	vadd.s32 v2, v16  }
0x11c: {  	v41 =	vadd.s32 v4, v16;
	[tilespmem:v14+s15+$0x0] =	vst.idx.add.f32.msk $0xffff, v7  }
0x11d: {  	v42 =	vadd.s32 v5, v16;
	[tilespmem:v13+s15+$0x0] =	vst.idx.add.f32.msk $0xffff, v7  }
0x11e: {  	v43 =	vadd.s32 v6, v16;
	[tilespmem:v12+s15+$0x0] =	vst.idx.add.f32.msk $0xffff, v7  }
0x11f: {  	[tilespmem:v15+s15+$0x0] =	vst.idx.add.f32.msk $0xffff, v7  }
0x120: {  	v13 =	vld.idx.msk [tilespmem:v17+s3+$0x0], $0xffff  }
0x121: {  	v14 =	vld.idx.msk [tilespmem:v41+s3+$0x0], $0xffff  }
0x122: {  	v12 =	vld.idx.msk [tilespmem:v42+s3+$0x0], $0xffff  }
0x123: {  	v15 =	vld.idx.msk [tilespmem:v43+s3+$0x0], $0xffff  }
0x124: {  	s31 =	sadd.s32 $0xBB, s25  }
0x125: {  	v47 =	vadd.s32 s31, v1;
	v48 =	vadd.s32 s31, v11  }
0x126: {  	vm11 =	vgt.u32 v47, $0xC7;
	v44 =	vand.u32 $0x7F, v13;
	v13 =	vshll.u32 v13, $0x6  }
0x127: {  	v45 =	vshll.u32 v14, $0x6;
	v14 =	vand.u32 $0x7F, v14;
	v46 =	vshll.u32 v12, $0x6  }
0x128: {  	v12 =	vand.u32 $0x7F, v12;
	v49 =	vshll.u32 v15, $0x6;
	v15 =	vand.u32 $0x7F, v15  }
0x129: {  	v13 =	vand.u32 $0xFFFFE000, v13;
	v17 =	vand.u32 $0xFFFFE000, v45;
	v16 =	vand.u32 $0xFFFFE000, v46  }
0x12a: {  	v50 =	vand.u32 $0xFFFFE000, v49;
	v13 =	vor.u32 v13, v44;
	v14 =	vor.u32 v17, v14  }
0x12b: {  	v12 =	vor.u32 v16, v12;
	v16 =	vsel vm11, v48, v47;
	v13 =	vor.u32 v3, v13  }
0x12c: {  	v15 =	vor.u32 v50, v15;
	v14 =	vor.u32 v8, v14;
	v51 =	vshll.u32 v16, $0x3  }
0x12d: {  	v12 =	vor.u32 v9, v12;
	v16 =	vand.u32 $0x7F, v16;
	v52 =	vand.u32 $0xFFFFFC00, v51  }
0x12e: {  	v15 =	vor.u32 v10, v15;
	v16 =	vor.u32 v16, v52  }
0x12f: {  	v17 =	vadd.s32 v2, v16  }
0x130: {  	v53 =	vadd.s32 v4, v16;
	[tilespmem:v13+s15+$0x0] =	vst.idx.add.f32.msk $0xffff, v7  }
0x131: {  	v54 =	vadd.s32 v5, v16;
	[tilespmem:v14+s15+$0x0] =	vst.idx.add.f32.msk $0xffff, v7  }
0x132: {  	v55 =	vadd.s32 v6, v16;
	[tilespmem:v12+s15+$0x0] =	vst.idx.add.f32.msk $0xffff, v7  }
0x133: {  	[tilespmem:v15+s15+$0x0] =	vst.idx.add.f32.msk $0xffff, v7  }
0x134: {  	v14 =	vld.idx.msk [tilespmem:v17+s3+$0x0], $0xffff  }
0x135: {  	v13 =	vld.idx.msk [tilespmem:v53+s3+$0x0], $0xffff  }
0x136: {  	v12 =	vld.idx.msk [tilespmem:v54+s3+$0x0], $0xffff  }
0x137: {  	v15 =	vld.idx.msk [tilespmem:v55+s3+$0x0], $0xffff  }
0x138: {  	s28 =	sadd.s32 $0xBC, s25  }
0x139: {  	v59 =	vadd.s32 s28, v1;
	v60 =	vadd.s32 s28, v11  }
0x13a: {  	vm12 =	vgt.u32 v59, $0xC7;
	v56 =	vand.u32 $0x7F, v14;
	v14 =	vshll.u32 v14, $0x6  }
0x13b: {  	v57 =	vshll.u32 v13, $0x6;
	v13 =	vand.u32 $0x7F, v13;
	v58 =	vshll.u32 v12, $0x6  }
0x13c: {  	v12 =	vand.u32 $0x7F, v12;
	v61 =	vshll.u32 v15, $0x6;
	v15 =	vand.u32 $0x7F, v15  }
0x13d: {  	v14 =	vand.u32 $0xFFFFE000, v14;
	v17 =	vand.u32 $0xFFFFE000, v57;
	v16 =	vand.u32 $0xFFFFE000, v58  }
0x13e: {  	v62 =	vand.u32 $0xFFFFE000, v61;
	v14 =	vor.u32 v14, v56;
	v13 =	vor.u32 v17, v13  }
0x13f: {  	v12 =	vor.u32 v16, v12;
	v16 =	vsel vm12, v60, v59;
	v14 =	vor.u32 v3, v14  }
0x140: {  	v15 =	vor.u32 v62, v15;
	v13 =	vor.u32 v8, v13;
	v63 =	vshll.u32 v16, $0x3  }
0x141: {  	v12 =	vor.u32 v9, v12;
	v16 =	vand.u32 $0x7F, v16;
	v21 =	vand.u32 $0xFFFFFC00, v63  }
0x142: {  	v15 =	vor.u32 v10, v15;
	v16 =	vor.u32 v16, v21  }
0x143: {  	v17 =	vadd.s32 v2, v16  }
0x144: {  	v22 =	vadd.s32 v4, v16;
	[tilespmem:v14+s15+$0x0] =	vst.idx.add.f32.msk $0xffff, v7  }
0x145: {  	v23 =	vadd.s32 v5, v16;
	[tilespmem:v13+s15+$0x0] =	vst.idx.add.f32.msk $0xffff, v7  }
0x146: {  	v24 =	vadd.s32 v6, v16;
	[tilespmem:v12+s15+$0x0] =	vst.idx.add.f32.msk $0xffff, v7  }
0x147: {  	[tilespmem:v15+s15+$0x0] =	vst.idx.add.f32.msk $0xffff, v7  }
0x148: {  	v13 =	vld.idx.msk [tilespmem:v17+s3+$0x0], $0xffff  }
0x149: {  	v14 =	vld.idx.msk [tilespmem:v22+s3+$0x0], $0xffff  }
0x14a: {  	v12 =	vld.idx.msk [tilespmem:v23+s3+$0x0], $0xffff  }
0x14b: {  	s29 =	sadd.s32 $0xBD, s25;
	v15 =	vld.idx.msk [tilespmem:v24+s3+$0x0], $0xffff  }
0x14c: {  	v28 =	vadd.s32 s29, v1  }
0x14d: {  	vm13 =	vgt.u32 v28, $0xC7  }
0x14e: {  	v29 =	vadd.s32 s29, v11;
	v25 =	vand.u32 $0x7F, v13;
	v13 =	vshll.u32 v13, $0x6  }
0x14f: {  	v26 =	vshll.u32 v14, $0x6;
	v14 =	vand.u32 $0x7F, v14;
	v27 =	vshll.u32 v12, $0x6  }
0x150: {  	v12 =	vand.u32 $0x7F, v12;
	v30 =	vshll.u32 v15, $0x6;
	v15 =	vand.u32 $0x7F, v15  }
0x151: {  	v13 =	vand.u32 $0xFFFFE000, v13;
	v17 =	vand.u32 $0xFFFFE000, v26;
	v16 =	vand.u32 $0xFFFFE000, v27  }
0x152: {  	v31 =	vand.u32 $0xFFFFE000, v30;
	v13 =	vor.u32 v13, v25;
	v14 =	vor.u32 v17, v14  }
0x153: {  	v12 =	vor.u32 v16, v12;
	v16 =	vsel vm13, v29, v28;
	v13 =	vor.u32 v3, v13  }
0x154: {  	v15 =	vor.u32 v31, v15;
	v14 =	vor.u32 v8, v14;
	v32 =	vshll.u32 v16, $0x3  }
0x155: {  	v12 =	vor.u32 v9, v12;
	v16 =	vand.u32 $0x7F, v16;
	v33 =	vand.u32 $0xFFFFFC00, v32  }
0x156: {  	v15 =	vor.u32 v10, v15;
	v16 =	vor.u32 v16, v33  }
0x157: {  	v17 =	vadd.s32 v2, v16  }
0x158: {  	v34 =	vadd.s32 v4, v16;
	[tilespmem:v13+s15+$0x0] =	vst.idx.add.f32.msk $0xffff, v7  }
0x159: {  	v35 =	vadd.s32 v5, v16;
	[tilespmem:v14+s15+$0x0] =	vst.idx.add.f32.msk $0xffff, v7  }
0x15a: {  	v36 =	vadd.s32 v6, v16;
	[tilespmem:v12+s15+$0x0] =	vst.idx.add.f32.msk $0xffff, v7  }
0x15b: {  	[tilespmem:v15+s15+$0x0] =	vst.idx.add.f32.msk $0xffff, v7  }
0x15c: {  	v14 =	vld.idx.msk [tilespmem:v17+s3+$0x0], $0xffff  }
0x15d: {  	v13 =	vld.idx.msk [tilespmem:v34+s3+$0x0], $0xffff  }
0x15e: {  	v12 =	vld.idx.msk [tilespmem:v35+s3+$0x0], $0xffff  }
0x15f: {  	s30 =	sadd.s32 $0xBE, s25;
	v15 =	vld.idx.msk [tilespmem:v36+s3+$0x0], $0xffff  }
0x160: {  	v40 =	vadd.s32 s30, v1  }
0x161: {  	vm14 =	vgt.u32 v40, $0xC7  }
0x162: {  	v41 =	vadd.s32 s30, v11;
	v37 =	vand.u32 $0x7F, v14;
	v14 =	vshll.u32 v14, $0x6  }
0x163: {  	v38 =	vshll.u32 v13, $0x6;
	v13 =	vand.u32 $0x7F, v13;
	v39 =	vshll.u32 v12, $0x6  }
0x164: {  	v12 =	vand.u32 $0x7F, v12;
	v42 =	vshll.u32 v15, $0x6;
	v15 =	vand.u32 $0x7F, v15  }
0x165: {  	v14 =	vand.u32 $0xFFFFE000, v14;
	v17 =	vand.u32 $0xFFFFE000, v38;
	v16 =	vand.u32 $0xFFFFE000, v39  }
0x166: {  	v43 =	vand.u32 $0xFFFFE000, v42;
	v14 =	vor.u32 v14, v37;
	v13 =	vor.u32 v17, v13  }
0x167: {  	v12 =	vor.u32 v16, v12;
	v16 =	vsel vm14, v41, v40;
	v14 =	vor.u32 v3, v14  }
0x168: {  	v15 =	vor.u32 v43, v15;
	v13 =	vor.u32 v8, v13;
	v44 =	vshll.u32 v16, $0x3  }
0x169: {  	v12 =	vor.u32 v9, v12;
	v16 =	vand.u32 $0x7F, v16;
	v45 =	vand.u32 $0xFFFFFC00, v44  }
0x16a: {  	v15 =	vor.u32 v10, v15;
	v16 =	vor.u32 v16, v45  }
0x16b: {  	v17 =	vadd.s32 v2, v16  }
0x16c: {  	v46 =	vadd.s32 v4, v16;
	[tilespmem:v14+s15+$0x0] =	vst.idx.add.f32.msk $0xffff, v7  }
0x16d: {  	v47 =	vadd.s32 v5, v16;
	[tilespmem:v13+s15+$0x0] =	vst.idx.add.f32.msk $0xffff, v7  }
0x16e: {  	v48 =	vadd.s32 v6, v16;
	[tilespmem:v12+s15+$0x0] =	vst.idx.add.f32.msk $0xffff, v7  }
0x16f: {  	[tilespmem:v15+s15+$0x0] =	vst.idx.add.f32.msk $0xffff, v7  }
0x170: {  	v13 =	vld.idx.msk [tilespmem:v17+s3+$0x0], $0xffff  }
0x171: {  	v14 =	vld.idx.msk [tilespmem:v46+s3+$0x0], $0xffff  }
0x172: {  	v12 =	vld.idx.msk [tilespmem:v47+s3+$0x0], $0xffff  }
0x173: {  	s31 =	sadd.s32 $0xBF, s25;
	v15 =	vld.idx.msk [tilespmem:v48+s3+$0x0], $0xffff  }
0x174: {  	v52 =	vadd.s32 s31, v1  }
0x175: {  	vm15 =	vgt.u32 v52, $0xC7  }
0x176: {  	v53 =	vadd.s32 s31, v11;
	v49 =	vand.u32 $0x7F, v13;
	v13 =	vshll.u32 v13, $0x6  }
0x177: {  	v50 =	vshll.u32 v14, $0x6;
	v14 =	vand.u32 $0x7F, v14;
	v51 =	vand.u32 $0x7F, v12  }
0x178: {  	v12 =	vshll.u32 v12, $0x6;
	v54 =	vshll.u32 v15, $0x6;
	v15 =	vand.u32 $0x7F, v15  }
0x179: {  	v13 =	vand.u32 $0xFFFFE000, v13;
	v17 =	vand.u32 $0xFFFFE000, v50;
	v12 =	vand.u32 $0xFFFFE000, v12  }
0x17a: {  	v16 =	vand.u32 $0xFFFFE000, v54;
	v13 =	vor.u32 v13, v49;
	v14 =	vor.u32 v17, v14  }
0x17b: {  	v17 =	vsel vm15, v53, v52;
	v12 =	vor.u32 v12, v51;
	v13 =	vor.u32 v3, v13  }
0x17c: {  	v15 =	vor.u32 v16, v15;
	v14 =	vor.u32 v8, v14;
	v55 =	vshll.u32 v17, $0x3  }
0x17d: {  	v12 =	vor.u32 v9, v12;
	v17 =	vand.u32 $0x7F, v17;
	v16 =	vand.u32 $0xFFFFFC00, v55  }
0x17e: {  	v15 =	vor.u32 v10, v15;
	v16 =	vor.u32 v17, v16  }
0x17f: {  	v17 =	vadd.s32 v2, v16  }
0x180: {  	v56 =	vadd.s32 v4, v16;
	[tilespmem:v13+s15+$0x0] =	vst.idx.add.f32.msk $0xffff, v7  }
0x181: {  	v57 =	vadd.s32 v5, v16;
	[tilespmem:v14+s15+$0x0] =	vst.idx.add.f32.msk $0xffff, v7  }
0x182: {  	v58 =	vadd.s32 v6, v16;
	[tilespmem:v12+s15+$0x0] =	vst.idx.add.f32.msk $0xffff, v7  }
0x183: {  	[tilespmem:v15+s15+$0x0] =	vst.idx.add.f32.msk $0xffff, v7  }
0x184: {  	v14 =	vld.idx.msk [tilespmem:v17+s3+$0x0], $0xffff  }
0x185: {  	v13 =	vld.idx.msk [tilespmem:v56+s3+$0x0], $0xffff  }
0x186: {  	v12 =	vld.idx.msk [tilespmem:v57+s3+$0x0], $0xffff  }
0x187: {  	v15 =	vld.idx.msk [tilespmem:v58+s3+$0x0], $0xffff;
	_ =	sdelay $0x2  }
0x188: {  	v59 =	vshll.u32 v14, $0x6;
	v14 =	vand.u32 $0x7F, v14  }
0x189: {  	v60 =	vshll.u32 v13, $0x6;
	v13 =	vand.u32 $0x7F, v13;
	v61 =	vshll.u32 v12, $0x6  }
0x18a: {  	v12 =	vand.u32 $0x7F, v12;
	v63 =	vshll.u32 v15, $0x6;
	v16 =	vand.u32 $0xFFFFE000, v59  }
0x18b: {  	v15 =	vand.u32 $0x7F, v15;
	v14 =	vor.u32 v16, v14;
	v16 =	vand.u32 $0xFFFFE000, v60  }
0x18c: {  	v62 =	vand.u32 $0xFFFFE000, v61;
	v13 =	vor.u32 v16, v13;
	v14 =	vor.u32 v3, v14  }
0x18d: {  	v12 =	vor.u32 v62, v12;
	v16 =	vand.u32 $0xFFFFE000, v63;
	v13 =	vor.u32 v8, v13  }
0x18e: {  	v12 =	vor.u32 v9, v12;
	v15 =	vor.u32 v16, v15  }
0x18f: {  	p2 =	por p1, p1;
	v15 =	vor.u32 v10, v15  }
.Ltmp2:
0x190: {  	_ = 	snop;
	(pc) =	sbr.rel @p2 .LBB2_7-.Ltmp2, $4  }
0x191: {  	[tilespmem:v14+s15+$0x0] =	vst.idx.add.f32.msk $0xffff, v7  }
0x192: {  	[tilespmem:v13+s15+$0x0] =	vst.idx.add.f32.msk $0xffff, v7  }
0x193: {  	[tilespmem:v12+s15+$0x0] =	vst.idx.add.f32.msk $0xffff, v7  }
0x194: {  	p1 =	por $0x0, $0x0;
	s25 =	simm.s32 $0x8;
	[tilespmem:v15+s15+$0x0] =	vst.idx.add.f32.msk $0xffff, v7  }
0x195: {  	p1 =	seq.s32 s23, $0x3  }
0x196: {  	s25 =	sadd.s32 @!p1 s24, s9  }
0x197: {  	s25 =	sshll.u32 @!p1 s25, $0x5  }
0x198: {  	s30 =	sshll.u32 s23, $0xB;
	s26 =	simm.s32 @!p1 $0x0;
	s25 =	sadd.s32 @!p1 s5, s25  }
0x199: {  	[tilespmem:s26], [sflag:$0x1] =	stream.linear.gather @!p1 [hbm4b:s25+s26], $0x4000, $0x38;
	[tilespmem:$0x10000] =	vst v63  }
0x19a: {  	s25 =	sadd.s32 s10, s30  }
0x19b: {  	s31 =	sadd.s32 s1, s25  }
0x19c: {  	[hbm4b:s31+s3] =	stream.linear.scatter [tilespmem:s15], [sflag:$0x3], $0x2000, $0x38;
	[tilespmem:$0x10000] =	vst v63  }
0x19d: {  	s25 =	sadd.s32 s6, s25  }
0x19e: {  	[hbm4b:s25+s3] =	stream.linear.scatter [tilespmem:s16], [sflag:$0x3], $0x2000, $0x38;
	[tilespmem:$0x10000] =	vst v63  }
0x19f: {  	s25 =	simm.s32 @!p0 $0x4  }
0x1a0: {  	_ =	swait.ge @!p0 [sflag:s25], $0x2000  }
0x1a1: {  	[sflag:s25] =	ssyncset.done @!p0 $0x0  }
0x1a2: {  	[sflag:s25] =	ssyncadd.s32 @!p0 $0xFFFFE000  }
0x1a3: {  	_ =	swait.ge @!p0 [sflag:s25], $0x2000  }
0x1a4: {  	[sflag:s25] =	ssyncset.done @!p0 $0x0  }
0x1a5: {  	[sflag:s25] =	ssyncadd.s32 @!p0 $0xFFFFE000  }
0x1a6: {  	_ =	swait.ge [sflag:s17], $0x4000  }
0x1a7: {  	[sflag:s17] =	ssyncset.done $0x0  }
0x1a8: {  	s26 =	simm.s32 $0x300;
	s25 =	simm.s32 $0x40;
	[sflag:s17] =	ssyncadd.s32 $0xFFFFC000  }
.LBB2_9:
0x1a9: {  	p0 =	sne.s32 s26, $0x7F00;
	[tilespmem:s25+$0xE030] =	vst v0  }
0x1aa: {  	[tilespmem:s25+$0xBFC0] =	vst v0  }
0x1ab: {  	[tilespmem:s25+$0xBFD0] =	vst v0  }
0x1ac: {  	[tilespmem:s25+$0xBFE0] =	vst v0  }
0x1ad: {  	[tilespmem:s25+$0xBFF0] =	vst v0  }
0x1ae: {  	[tilespmem:s25+$0xC000] =	vst v0  }
0x1af: {  	[tilespmem:s25+$0xC010] =	vst v0  }
0x1b0: {  	[tilespmem:s25+$0xC020] =	vst v0  }
0x1b1: {  	[tilespmem:s25+$0xC030] =	vst v0  }
0x1b2: {  	[tilespmem:s25+$0xDFC0] =	vst v0  }
0x1b3: {  	[tilespmem:s25+$0xDFD0] =	vst v0  }
.Ltmp3:
0x1b4: {  	[tilespmem:s25+$0xDFE0] =	vst v0;
	(pc) =	sbr.rel @p0 .LBB2_9-.Ltmp3, $4  }
0x1b5: {  	[tilespmem:s25+$0xDFF0] =	vst v0  }
0x1b6: {  	[tilespmem:s25+$0xE000] =	vst v0  }
0x1b7: {  	[tilespmem:s25+$0xE010] =	vst v0  }
0x1b8: {  	[tilespmem:s25+$0xE020] =	vst v0;
	s25 =	sshra.s32 s26, $0x2;
	s26 =	sadd.s32 $0x200, s26  }
0x1b9: {  	[tilespmem:s25+$0xE030] =	vst v0  }
0x1ba: {  	[tilespmem:s25+$0xBFC0] =	vst v0  }
0x1bb: {  	[tilespmem:s25+$0xBFD0] =	vst v0  }
0x1bc: {  	[tilespmem:s25+$0xBFE0] =	vst v0  }
0x1bd: {  	[tilespmem:s25+$0xBFF0] =	vst v0  }
0x1be: {  	[tilespmem:s25+$0xC000] =	vst v0  }
0x1bf: {  	[tilespmem:s25+$0xC010] =	vst v0  }
0x1c0: {  	[tilespmem:s25+$0xC020] =	vst v0  }
0x1c1: {  	[tilespmem:s25+$0xC030] =	vst v0  }
0x1c2: {  	[tilespmem:s25+$0xDFC0] =	vst v0  }
0x1c3: {  	[tilespmem:s25+$0xDFD0] =	vst v0  }
0x1c4: {  	[tilespmem:s25+$0xDFE0] =	vst v0  }
0x1c5: {  	[tilespmem:s25+$0xDFF0] =	vst v0  }
0x1c6: {  	[tilespmem:s25+$0xE000] =	vst v0  }
0x1c7: {  	[tilespmem:s25+$0xE010] =	vst v0  }
0x1c8: {  	[tilespmem:s25+$0xE020] =	vst v0;
	s25 =	simm.s32 $0x7  }
.LBB2_11:
0x1c9: {  	s26 =	sadd.s32 $0xFFFFFFF9, s25  }
0x1ca: {  	v12 =	vadd.s32 s26, v1  }
0x1cb: {  	v13 =	vshll.u32 v12, $0x3  }
0x1cc: {  	v12 =	vand.u32 $0x7F, v12;
	v13 =	vand.u32 $0xC00, v13  }
0x1cd: {  	v12 =	vor.u32 v12, v13  }
0x1ce: {  	v13 =	vadd.s32 v2, v12  }
0x1cf: {  	v14 =	vadd.s32 v4, v12  }
0x1d0: {  	v15 =	vadd.s32 v5, v12  }
0x1d1: {  	v12 =	vadd.s32 v6, v12;
	_ =	sdelay $0x1  }
0x1d2: {  	v13 =	vld.idx.msk [tilespmem:v13+s13+$0x0], $0xffff  }
0x1d3: {  	v14 =	vld.idx.msk [tilespmem:v14+s13+$0x0], $0xffff  }
0x1d4: {  	v15 =	vld.idx.msk [tilespmem:v15+s13+$0x0], $0xffff  }
0x1d5: {  	s30 =	sadd.s32 $0xFFFFFFFA, s25;
	v12 =	vld.idx.msk [tilespmem:v12+s13+$0x0], $0xffff  }
0x1d6: {  	v44 =	vadd.s32 s30, v1  }
0x1d7: {  	v45 =	vshll.u32 v44, $0x3  }
0x1d8: {  	v16 =	vshll.u32 v13, $0x6;
	v13 =	vand.u32 $0x7F, v13;
	v42 =	vand.u32 $0x7F, v14  }
0x1d9: {  	v14 =	vshll.u32 v14, $0x6;
	v17 =	vshll.u32 v15, $0x6;
	v15 =	vand.u32 $0x7F, v15  }
0x1da: {  	v43 =	vshll.u32 v12, $0x6;
	v12 =	vand.u32 $0x7F, v12;
	v16 =	vand.u32 $0xFFFFE000, v16  }
0x1db: {  	v14 =	vand.u32 $0xFFFFE000, v14;
	v17 =	vand.u32 $0xFFFFE000, v17;
	v13 =	vor.u32 v16, v13  }
0x1dc: {  	v14 =	vor.u32 v14, v42;
	v15 =	vor.u32 v17, v15;
	v13 =	vor.u32 v3, v13  }
0x1dd: {  	v16 =	vand.u32 $0xFFFFE000, v43;
	v17 =	vand.u32 $0x7F, v44;
	v14 =	vor.u32 v8, v14  }
0x1de: {  	v12 =	vor.u32 v16, v12;
	v15 =	vor.u32 v9, v15;
	v16 =	vand.u32 $0x7FFFFC00, v45  }
0x1df: {  	v12 =	vor.u32 v10, v12;
	v16 =	vor.u32 v17, v16  }
0x1e0: {  	v17 =	vadd.s32 v2, v16  }
0x1e1: {  	v46 =	vadd.s32 v4, v16;
	[tilespmem:v13+s18+$0x0] =	vst.idx.add.f32.msk $0xffff, v7  }
0x1e2: {  	v47 =	vadd.s32 v5, v16;
	[tilespmem:v14+s18+$0x0] =	vst.idx.add.f32.msk $0xffff, v7  }
0x1e3: {  	v48 =	vadd.s32 v6, v16;
	[tilespmem:v15+s18+$0x0] =	vst.idx.add.f32.msk $0xffff, v7  }
0x1e4: {  	[tilespmem:v12+s18+$0x0] =	vst.idx.add.f32.msk $0xffff, v7  }
0x1e5: {  	v14 =	vld.idx.msk [tilespmem:v17+s13+$0x0], $0xffff  }
0x1e6: {  	v13 =	vld.idx.msk [tilespmem:v46+s13+$0x0], $0xffff  }
0x1e7: {  	v12 =	vld.idx.msk [tilespmem:v47+s13+$0x0], $0xffff  }
0x1e8: {  	s31 =	sadd.s32 $0xFFFFFFFB, s25;
	v15 =	vld.idx.msk [tilespmem:v48+s13+$0x0], $0xffff  }
0x1e9: {  	v53 =	vadd.s32 s31, v1  }
0x1ea: {  	v54 =	vshll.u32 v53, $0x3  }
0x1eb: {  	v49 =	vshll.u32 v14, $0x6;
	v14 =	vand.u32 $0x7F, v14;
	v50 =	vand.u32 $0x7F, v13  }
0x1ec: {  	v13 =	vshll.u32 v13, $0x6;
	v51 =	vshll.u32 v12, $0x6;
	v12 =	vand.u32 $0x7F, v12  }
0x1ed: {  	v52 =	vshll.u32 v15, $0x6;
	v15 =	vand.u32 $0x7F, v15;
	v16 =	vand.u32 $0xFFFFE000, v49  }
0x1ee: {  	v13 =	vand.u32 $0xFFFFE000, v13;
	v17 =	vand.u32 $0xFFFFE000, v51;
	v14 =	vor.u32 v16, v14  }
0x1ef: {  	v13 =	vor.u32 v13, v50;
	v12 =	vor.u32 v17, v12;
	v14 =	vor.u32 v3, v14  }
0x1f0: {  	v16 =	vand.u32 $0xFFFFE000, v52;
	v17 =	vand.u32 $0x7F, v53;
	v13 =	vor.u32 v8, v13  }
0x1f1: {  	v15 =	vor.u32 v16, v15;
	v12 =	vor.u32 v9, v12;
	v16 =	vand.u32 $0x7FFFFC00, v54  }
0x1f2: {  	v15 =	vor.u32 v10, v15;
	v16 =	vor.u32 v17, v16  }
0x1f3: {  	v17 =	vadd.s32 v2, v16  }
0x1f4: {  	v55 =	vadd.s32 v4, v16;
	[tilespmem:v14+s18+$0x0] =	vst.idx.add.f32.msk $0xffff, v7  }
0x1f5: {  	v56 =	vadd.s32 v5, v16;
	[tilespmem:v13+s18+$0x0] =	vst.idx.add.f32.msk $0xffff, v7  }
0x1f6: {  	v57 =	vadd.s32 v6, v16;
	[tilespmem:v12+s18+$0x0] =	vst.idx.add.f32.msk $0xffff, v7  }
0x1f7: {  	[tilespmem:v15+s18+$0x0] =	vst.idx.add.f32.msk $0xffff, v7  }
0x1f8: {  	v14 =	vld.idx.msk [tilespmem:v17+s13+$0x0], $0xffff  }
0x1f9: {  	v12 =	vld.idx.msk [tilespmem:v55+s13+$0x0], $0xffff  }
0x1fa: {  	v13 =	vld.idx.msk [tilespmem:v56+s13+$0x0], $0xffff  }
0x1fb: {  	s28 =	sadd.s32 $0xFFFFFFFC, s25;
	v15 =	vld.idx.msk [tilespmem:v57+s13+$0x0], $0xffff  }
0x1fc: {  	v62 =	vadd.s32 s28, v1  }
0x1fd: {  	v63 =	vshll.u32 v62, $0x3  }
0x1fe: {  	v58 =	vshll.u32 v14, $0x6;
	v14 =	vand.u32 $0x7F, v14;
	v59 =	vand.u32 $0x7F, v12  }
0x1ff: {  	v12 =	vshll.u32 v12, $0x6;
	v60 =	vshll.u32 v13, $0x6;
	v13 =	vand.u32 $0x7F, v13  }
0x200: {  	v61 =	vshll.u32 v15, $0x6;
	v15 =	vand.u32 $0x7F, v15;
	v16 =	vand.u32 $0xFFFFE000, v58  }
0x201: {  	v12 =	vand.u32 $0xFFFFE000, v12;
	v17 =	vand.u32 $0xFFFFE000, v60;
	v14 =	vor.u32 v16, v14  }
0x202: {  	v12 =	vor.u32 v12, v59;
	v13 =	vor.u32 v17, v13;
	v14 =	vor.u32 v3, v14  }
0x203: {  	v16 =	vand.u32 $0xFFFFE000, v61;
	v17 =	vand.u32 $0x7F, v62;
	v12 =	vor.u32 v8, v12  }
0x204: {  	v15 =	vor.u32 v16, v15;
	v13 =	vor.u32 v9, v13;
	v16 =	vand.u32 $0x7FFFFC00, v63  }
0x205: {  	v15 =	vor.u32 v10, v15;
	v16 =	vor.u32 v17, v16  }
0x206: {  	v17 =	vadd.s32 v2, v16  }
0x207: {  	v20 =	vadd.s32 v4, v16;
	[tilespmem:v14+s18+$0x0] =	vst.idx.add.f32.msk $0xffff, v7  }
0x208: {  	v21 =	vadd.s32 v5, v16;
	[tilespmem:v12+s18+$0x0] =	vst.idx.add.f32.msk $0xffff, v7  }
0x209: {  	v22 =	vadd.s32 v6, v16;
	[tilespmem:v13+s18+$0x0] =	vst.idx.add.f32.msk $0xffff, v7  }
0x20a: {  	[tilespmem:v15+s18+$0x0] =	vst.idx.add.f32.msk $0xffff, v7  }
0x20b: {  	v14 =	vld.idx.msk [tilespmem:v17+s13+$0x0], $0xffff  }
0x20c: {  	v12 =	vld.idx.msk [tilespmem:v20+s13+$0x0], $0xffff  }
0x20d: {  	v13 =	vld.idx.msk [tilespmem:v21+s13+$0x0], $0xffff  }
0x20e: {  	s29 =	sadd.s32 $0xFFFFFFFD, s25;
	v15 =	vld.idx.msk [tilespmem:v22+s13+$0x0], $0xffff  }
0x20f: {  	v27 =	vadd.s32 s29, v1  }
0x210: {  	v28 =	vshll.u32 v27, $0x3  }
0x211: {  	v23 =	vshll.u32 v14, $0x6;
	v14 =	vand.u32 $0x7F, v14;
	v24 =	vand.u32 $0x7F, v12  }
0x212: {  	v12 =	vshll.u32 v12, $0x6;
	v25 =	vshll.u32 v13, $0x6;
	v13 =	vand.u32 $0x7F, v13  }
0x213: {  	v26 =	vshll.u32 v15, $0x6;
	v15 =	vand.u32 $0x7F, v15;
	v16 =	vand.u32 $0xFFFFE000, v23  }
0x214: {  	v12 =	vand.u32 $0xFFFFE000, v12;
	v17 =	vand.u32 $0xFFFFE000, v25;
	v14 =	vor.u32 v16, v14  }
0x215: {  	v12 =	vor.u32 v12, v24;
	v13 =	vor.u32 v17, v13;
	v14 =	vor.u32 v3, v14  }
0x216: {  	v16 =	vand.u32 $0xFFFFE000, v26;
	v17 =	vand.u32 $0x7F, v27;
	v12 =	vor.u32 v8, v12  }
0x217: {  	v15 =	vor.u32 v16, v15;
	v13 =	vor.u32 v9, v13;
	v16 =	vand.u32 $0x7FFFFC00, v28  }
0x218: {  	v15 =	vor.u32 v10, v15;
	v16 =	vor.u32 v17, v16  }
0x219: {  	v17 =	vadd.s32 v2, v16  }
0x21a: {  	v29 =	vadd.s32 v4, v16;
	[tilespmem:v14+s18+$0x0] =	vst.idx.add.f32.msk $0xffff, v7  }
0x21b: {  	v30 =	vadd.s32 v5, v16;
	[tilespmem:v12+s18+$0x0] =	vst.idx.add.f32.msk $0xffff, v7  }
0x21c: {  	v31 =	vadd.s32 v6, v16;
	[tilespmem:v13+s18+$0x0] =	vst.idx.add.f32.msk $0xffff, v7  }
0x21d: {  	[tilespmem:v15+s18+$0x0] =	vst.idx.add.f32.msk $0xffff, v7  }
0x21e: {  	v14 =	vld.idx.msk [tilespmem:v17+s13+$0x0], $0xffff  }
0x21f: {  	v12 =	vld.idx.msk [tilespmem:v29+s13+$0x0], $0xffff  }
0x220: {  	v13 =	vld.idx.msk [tilespmem:v30+s13+$0x0], $0xffff  }
0x221: {  	s30 =	sadd.s32 $0xFFFFFFFE, s25;
	v15 =	vld.idx.msk [tilespmem:v31+s13+$0x0], $0xffff  }
0x222: {  	v36 =	vadd.s32 s30, v1  }
0x223: {  	v37 =	vshll.u32 v36, $0x3  }
0x224: {  	v32 =	vshll.u32 v14, $0x6;
	v14 =	vand.u32 $0x7F, v14;
	v33 =	vand.u32 $0x7F, v12  }
0x225: {  	v12 =	vshll.u32 v12, $0x6;
	v34 =	vshll.u32 v13, $0x6;
	v13 =	vand.u32 $0x7F, v13  }
0x226: {  	v35 =	vshll.u32 v15, $0x6;
	v15 =	vand.u32 $0x7F, v15;
	v16 =	vand.u32 $0xFFFFE000, v32  }
0x227: {  	v12 =	vand.u32 $0xFFFFE000, v12;
	v17 =	vand.u32 $0xFFFFE000, v34;
	v14 =	vor.u32 v16, v14  }
0x228: {  	v12 =	vor.u32 v12, v33;
	v13 =	vor.u32 v17, v13;
	v14 =	vor.u32 v3, v14  }
0x229: {  	v16 =	vand.u32 $0xFFFFE000, v35;
	v17 =	vand.u32 $0x7F, v36;
	v12 =	vor.u32 v8, v12  }
0x22a: {  	v15 =	vor.u32 v16, v15;
	v13 =	vor.u32 v9, v13;
	v16 =	vand.u32 $0x7FFFFC00, v37  }
0x22b: {  	v15 =	vor.u32 v10, v15;
	v16 =	vor.u32 v17, v16  }
0x22c: {  	v17 =	vadd.s32 v2, v16  }
0x22d: {  	v38 =	vadd.s32 v4, v16;
	[tilespmem:v14+s18+$0x0] =	vst.idx.add.f32.msk $0xffff, v7  }
0x22e: {  	v39 =	vadd.s32 v5, v16;
	[tilespmem:v12+s18+$0x0] =	vst.idx.add.f32.msk $0xffff, v7  }
0x22f: {  	v40 =	vadd.s32 v6, v16;
	[tilespmem:v13+s18+$0x0] =	vst.idx.add.f32.msk $0xffff, v7  }
0x230: {  	[tilespmem:v15+s18+$0x0] =	vst.idx.add.f32.msk $0xffff, v7  }
0x231: {  	v14 =	vld.idx.msk [tilespmem:v17+s13+$0x0], $0xffff  }
0x232: {  	v12 =	vld.idx.msk [tilespmem:v38+s13+$0x0], $0xffff  }
0x233: {  	v13 =	vld.idx.msk [tilespmem:v39+s13+$0x0], $0xffff  }
0x234: {  	s31 =	sadd.s32 $0xFFFFFFFF, s25;
	v15 =	vld.idx.msk [tilespmem:v40+s13+$0x0], $0xffff  }
0x235: {  	v45 =	vadd.s32 s31, v1  }
0x236: {  	v46 =	vshll.u32 v45, $0x3  }
0x237: {  	v41 =	vshll.u32 v14, $0x6;
	v14 =	vand.u32 $0x7F, v14;
	v42 =	vand.u32 $0x7F, v12  }
0x238: {  	v12 =	vshll.u32 v12, $0x6;
	v43 =	vshll.u32 v13, $0x6;
	v13 =	vand.u32 $0x7F, v13  }
0x239: {  	v44 =	vshll.u32 v15, $0x6;
	v15 =	vand.u32 $0x7F, v15;
	v16 =	vand.u32 $0xFFFFE000, v41  }
0x23a: {  	v12 =	vand.u32 $0xFFFFE000, v12;
	v17 =	vand.u32 $0xFFFFE000, v43;
	v14 =	vor.u32 v16, v14  }
0x23b: {  	v12 =	vor.u32 v12, v42;
	v13 =	vor.u32 v17, v13;
	v14 =	vor.u32 v3, v14  }
0x23c: {  	v16 =	vand.u32 $0xFFFFE000, v44;
	v17 =	vand.u32 $0x7F, v45;
	v12 =	vor.u32 v8, v12  }
0x23d: {  	v15 =	vor.u32 v16, v15;
	v13 =	vor.u32 v9, v13;
	v16 =	vand.u32 $0x7FFFFC00, v46  }
0x23e: {  	v15 =	vor.u32 v10, v15;
	v16 =	vor.u32 v17, v16  }
0x23f: {  	v17 =	vadd.s32 v2, v16  }
0x240: {  	v47 =	vadd.s32 v4, v16;
	[tilespmem:v14+s18+$0x0] =	vst.idx.add.f32.msk $0xffff, v7  }
0x241: {  	v48 =	vadd.s32 v5, v16;
	[tilespmem:v12+s18+$0x0] =	vst.idx.add.f32.msk $0xffff, v7  }
0x242: {  	v49 =	vadd.s32 v6, v16;
	[tilespmem:v13+s18+$0x0] =	vst.idx.add.f32.msk $0xffff, v7  }
0x243: {  	[tilespmem:v15+s18+$0x0] =	vst.idx.add.f32.msk $0xffff, v7  }
0x244: {  	v14 =	vld.idx.msk [tilespmem:v17+s13+$0x0], $0xffff  }
0x245: {  	v12 =	vld.idx.msk [tilespmem:v47+s13+$0x0], $0xffff  }
0x246: {  	v13 =	vld.idx.msk [tilespmem:v48+s13+$0x0], $0xffff  }
0x247: {  	v15 =	vld.idx.msk [tilespmem:v49+s13+$0x0], $0xffff  }
0x248: {  	v54 =	vadd.s32 s25, v1  }
0x249: {  	v55 =	vshll.u32 v54, $0x3  }
0x24a: {  	v50 =	vshll.u32 v14, $0x6;
	v14 =	vand.u32 $0x7F, v14;
	v51 =	vand.u32 $0x7F, v12  }
0x24b: {  	v12 =	vshll.u32 v12, $0x6;
	v52 =	vshll.u32 v13, $0x6;
	v13 =	vand.u32 $0x7F, v13  }
0x24c: {  	v53 =	vshll.u32 v15, $0x6;
	v15 =	vand.u32 $0x7F, v15;
	v16 =	vand.u32 $0xFFFFE000, v50  }
0x24d: {  	v12 =	vand.u32 $0xFFFFE000, v12;
	v17 =	vand.u32 $0xFFFFE000, v52;
	v14 =	vor.u32 v16, v14  }
0x24e: {  	v12 =	vor.u32 v12, v51;
	v13 =	vor.u32 v17, v13;
	v14 =	vor.u32 v3, v14  }
0x24f: {  	v16 =	vand.u32 $0xFFFFE000, v53;
	v17 =	vand.u32 $0x7F, v54;
	v12 =	vor.u32 v8, v12  }
0x250: {  	v15 =	vor.u32 v16, v15;
	v13 =	vor.u32 v9, v13;
	v16 =	vand.u32 $0x7FFFFC00, v55  }
0x251: {  	v15 =	vor.u32 v10, v15;
	v16 =	vor.u32 v17, v16  }
0x252: {  	v17 =	vadd.s32 v2, v16  }
0x253: {  	v56 =	vadd.s32 v4, v16;
	[tilespmem:v14+s18+$0x0] =	vst.idx.add.f32.msk $0xffff, v7  }
0x254: {  	v57 =	vadd.s32 v5, v16;
	[tilespmem:v12+s18+$0x0] =	vst.idx.add.f32.msk $0xffff, v7  }
0x255: {  	v58 =	vadd.s32 v6, v16;
	[tilespmem:v13+s18+$0x0] =	vst.idx.add.f32.msk $0xffff, v7  }
0x256: {  	[tilespmem:v15+s18+$0x0] =	vst.idx.add.f32.msk $0xffff, v7  }
0x257: {  	v14 =	vld.idx.msk [tilespmem:v17+s13+$0x0], $0xffff  }
0x258: {  	v12 =	vld.idx.msk [tilespmem:v56+s13+$0x0], $0xffff  }
0x259: {  	v13 =	vld.idx.msk [tilespmem:v57+s13+$0x0], $0xffff  }
0x25a: {  	v15 =	vld.idx.msk [tilespmem:v58+s13+$0x0], $0xffff;
	_ =	sdelay $0x2  }
0x25b: {  	v59 =	vshll.u32 v14, $0x6;
	v14 =	vand.u32 $0x7F, v14  }
0x25c: {  	v60 =	vshll.u32 v12, $0x6;
	v12 =	vand.u32 $0x7F, v12;
	v61 =	vshll.u32 v13, $0x6  }
0x25d: {  	v13 =	vand.u32 $0x7F, v13;
	v63 =	vshll.u32 v15, $0x6;
	v16 =	vand.u32 $0xFFFFE000, v59  }
0x25e: {  	v15 =	vand.u32 $0x7F, v15;
	v14 =	vor.u32 v16, v14;
	v16 =	vand.u32 $0xFFFFE000, v60  }
0x25f: {  	v62 =	vand.u32 $0xFFFFE000, v61;
	v12 =	vor.u32 v16, v12;
	v14 =	vor.u32 v3, v14  }
0x260: {  	v13 =	vor.u32 v62, v13;
	v16 =	vand.u32 $0xFFFFE000, v63;
	v12 =	vor.u32 v8, v12  }
0x261: {  	v13 =	vor.u32 v9, v13;
	v15 =	vor.u32 v16, v15  }
0x262: {  	p0 =	sne.s32 s25, $0xB7;
	v15 =	vor.u32 v10, v15  }
.Ltmp4:
0x263: {  	_ = 	snop;
	(pc) =	sbr.rel @p0 .LBB2_11-.Ltmp4, $4  }
0x264: {  	[tilespmem:v14+s18+$0x0] =	vst.idx.add.f32.msk $0xffff, v7  }
0x265: {  	[tilespmem:v12+s18+$0x0] =	vst.idx.add.f32.msk $0xffff, v7  }
0x266: {  	[tilespmem:v13+s18+$0x0] =	vst.idx.add.f32.msk $0xffff, v7  }
0x267: {  	s25 =	sadd.s32 $0x8, s25;
	[tilespmem:v15+s18+$0x0] =	vst.idx.add.f32.msk $0xffff, v7  }
0x268: {  	s25 =	simm.s32 $0x0;
	p0 =	por $0x1, $0x1  }
.LBB2_13:
0x269: {  	s26 =	sadd.s32 $0xB8, s25  }
0x26a: {  	v12 =	vadd.s32 s26, v1  }
0x26b: {  	v13 =	vadd.s32 s26, v11;
	vm0 =	vgt.u32 v12, $0xC7  }
0x26c: {  	v12 =	vsel vm0, v13, v12  }
0x26d: {  	v13 =	vshll.u32 v12, $0x3  }
0x26e: {  	v12 =	vand.u32 $0x7F, v12;
	v13 =	vand.u32 $0xFFFFFC00, v13  }
0x26f: {  	v12 =	vor.u32 v12, v13  }
0x270: {  	v13 =	vadd.s32 v2, v12  }
0x271: {  	v14 =	vadd.s32 v4, v12  }
0x272: {  	v15 =	vadd.s32 v5, v12  }
0x273: {  	v12 =	vadd.s32 v6, v12;
	_ =	sdelay $0x1  }
0x274: {  	v13 =	vld.idx.msk [tilespmem:v13+s13+$0x0], $0xffff  }
0x275: {  	v14 =	vld.idx.msk [tilespmem:v14+s13+$0x0], $0xffff  }
0x276: {  	v15 =	vld.idx.msk [tilespmem:v15+s13+$0x0], $0xffff  }
0x277: {  	v12 =	vld.idx.msk [tilespmem:v12+s13+$0x0], $0xffff  }
0x278: {  	s29 =	sadd.s32 $0xB9, s25  }
0x279: {  	v24 =	vadd.s32 s29, v1;
	v25 =	vadd.s32 s29, v11  }
0x27a: {  	vm9 =	vgt.u32 v24, $0xC7;
	v16 =	vand.u32 $0x7F, v13;
	v13 =	vshll.u32 v13, $0x6  }
0x27b: {  	v17 =	vshll.u32 v14, $0x6;
	v14 =	vand.u32 $0x7F, v14;
	v23 =	vshll.u32 v15, $0x6  }
0x27c: {  	v15 =	vand.u32 $0x7F, v15;
	v18 =	vshll.u32 v12, $0x6;
	v12 =	vand.u32 $0x7F, v12  }
0x27d: {  	v13 =	vand.u32 $0xFFFFE000, v13;
	v17 =	vand.u32 $0xFFFFE000, v17;
	v26 =	vand.u32 $0xFFFFE000, v18  }
0x27e: {  	v13 =	vor.u32 v13, v16;
	v14 =	vor.u32 v17, v14;
	v16 =	vand.u32 $0xFFFFE000, v23  }
0x27f: {  	v13 =	vor.u32 v3, v13;
	v15 =	vor.u32 v16, v15;
	v16 =	vsel vm9, v25, v24  }
0x280: {  	v12 =	vor.u32 v26, v12;
	v14 =	vor.u32 v8, v14;
	v27 =	vshll.u32 v16, $0x3  }
0x281: {  	v15 =	vor.u32 v9, v15;
	v16 =	vand.u32 $0x7F, v16;
	v28 =	vand.u32 $0xFFFFFC00, v27  }
0x282: {  	v12 =	vor.u32 v10, v12;
	v16 =	vor.u32 v16, v28  }
0x283: {  	v17 =	vadd.s32 v2, v16  }
0x284: {  	v29 =	vadd.s32 v4, v16;
	[tilespmem:v13+s18+$0x0] =	vst.idx.add.f32.msk $0xffff, v7  }
0x285: {  	v30 =	vadd.s32 v5, v16;
	[tilespmem:v14+s18+$0x0] =	vst.idx.add.f32.msk $0xffff, v7  }
0x286: {  	v31 =	vadd.s32 v6, v16;
	[tilespmem:v15+s18+$0x0] =	vst.idx.add.f32.msk $0xffff, v7  }
0x287: {  	[tilespmem:v12+s18+$0x0] =	vst.idx.add.f32.msk $0xffff, v7  }
0x288: {  	v14 =	vld.idx.msk [tilespmem:v17+s13+$0x0], $0xffff  }
0x289: {  	v13 =	vld.idx.msk [tilespmem:v29+s13+$0x0], $0xffff  }
0x28a: {  	v12 =	vld.idx.msk [tilespmem:v30+s13+$0x0], $0xffff  }
0x28b: {  	v15 =	vld.idx.msk [tilespmem:v31+s13+$0x0], $0xffff  }
0x28c: {  	s30 =	sadd.s32 $0xBA, s25  }
0x28d: {  	v35 =	vadd.s32 s30, v1;
	v36 =	vadd.s32 s30, v11  }
0x28e: {  	vm10 =	vgt.u32 v35, $0xC7;
	v32 =	vand.u32 $0x7F, v14;
	v14 =	vshll.u32 v14, $0x6  }
0x28f: {  	v33 =	vshll.u32 v13, $0x6;
	v13 =	vand.u32 $0x7F, v13;
	v34 =	vshll.u32 v12, $0x6  }
0x290: {  	v12 =	vand.u32 $0x7F, v12;
	v37 =	vshll.u32 v15, $0x6;
	v15 =	vand.u32 $0x7F, v15  }
0x291: {  	v14 =	vand.u32 $0xFFFFE000, v14;
	v17 =	vand.u32 $0xFFFFE000, v33;
	v16 =	vand.u32 $0xFFFFE000, v34  }
0x292: {  	v38 =	vand.u32 $0xFFFFE000, v37;
	v14 =	vor.u32 v14, v32;
	v13 =	vor.u32 v17, v13  }
0x293: {  	v12 =	vor.u32 v16, v12;
	v16 =	vsel vm10, v36, v35;
	v14 =	vor.u32 v3, v14  }
0x294: {  	v15 =	vor.u32 v38, v15;
	v13 =	vor.u32 v8, v13;
	v39 =	vshll.u32 v16, $0x3  }
0x295: {  	v12 =	vor.u32 v9, v12;
	v16 =	vand.u32 $0x7F, v16;
	v40 =	vand.u32 $0xFFFFFC00, v39  }
0x296: {  	v15 =	vor.u32 v10, v15;
	v16 =	vor.u32 v16, v40  }
0x297: {  	v17 =	vadd.s32 v2, v16  }
0x298: {  	v41 =	vadd.s32 v4, v16;
	[tilespmem:v14+s18+$0x0] =	vst.idx.add.f32.msk $0xffff, v7  }
0x299: {  	v42 =	vadd.s32 v5, v16;
	[tilespmem:v13+s18+$0x0] =	vst.idx.add.f32.msk $0xffff, v7  }
0x29a: {  	v43 =	vadd.s32 v6, v16;
	[tilespmem:v12+s18+$0x0] =	vst.idx.add.f32.msk $0xffff, v7  }
0x29b: {  	[tilespmem:v15+s18+$0x0] =	vst.idx.add.f32.msk $0xffff, v7  }
0x29c: {  	v13 =	vld.idx.msk [tilespmem:v17+s13+$0x0], $0xffff  }
0x29d: {  	v14 =	vld.idx.msk [tilespmem:v41+s13+$0x0], $0xffff  }
0x29e: {  	v12 =	vld.idx.msk [tilespmem:v42+s13+$0x0], $0xffff  }
0x29f: {  	v15 =	vld.idx.msk [tilespmem:v43+s13+$0x0], $0xffff  }
0x2a0: {  	s31 =	sadd.s32 $0xBB, s25  }
0x2a1: {  	v47 =	vadd.s32 s31, v1;
	v48 =	vadd.s32 s31, v11  }
0x2a2: {  	vm11 =	vgt.u32 v47, $0xC7;
	v44 =	vand.u32 $0x7F, v13;
	v13 =	vshll.u32 v13, $0x6  }
0x2a3: {  	v45 =	vshll.u32 v14, $0x6;
	v14 =	vand.u32 $0x7F, v14;
	v46 =	vshll.u32 v12, $0x6  }
0x2a4: {  	v12 =	vand.u32 $0x7F, v12;
	v49 =	vshll.u32 v15, $0x6;
	v15 =	vand.u32 $0x7F, v15  }
0x2a5: {  	v13 =	vand.u32 $0xFFFFE000, v13;
	v17 =	vand.u32 $0xFFFFE000, v45;
	v16 =	vand.u32 $0xFFFFE000, v46  }
0x2a6: {  	v50 =	vand.u32 $0xFFFFE000, v49;
	v13 =	vor.u32 v13, v44;
	v14 =	vor.u32 v17, v14  }
0x2a7: {  	v12 =	vor.u32 v16, v12;
	v16 =	vsel vm11, v48, v47;
	v13 =	vor.u32 v3, v13  }
0x2a8: {  	v15 =	vor.u32 v50, v15;
	v14 =	vor.u32 v8, v14;
	v51 =	vshll.u32 v16, $0x3  }
0x2a9: {  	v12 =	vor.u32 v9, v12;
	v16 =	vand.u32 $0x7F, v16;
	v52 =	vand.u32 $0xFFFFFC00, v51  }
0x2aa: {  	v15 =	vor.u32 v10, v15;
	v16 =	vor.u32 v16, v52  }
0x2ab: {  	v17 =	vadd.s32 v2, v16  }
0x2ac: {  	v53 =	vadd.s32 v4, v16;
	[tilespmem:v13+s18+$0x0] =	vst.idx.add.f32.msk $0xffff, v7  }
0x2ad: {  	v54 =	vadd.s32 v5, v16;
	[tilespmem:v14+s18+$0x0] =	vst.idx.add.f32.msk $0xffff, v7  }
0x2ae: {  	v55 =	vadd.s32 v6, v16;
	[tilespmem:v12+s18+$0x0] =	vst.idx.add.f32.msk $0xffff, v7  }
0x2af: {  	[tilespmem:v15+s18+$0x0] =	vst.idx.add.f32.msk $0xffff, v7  }
0x2b0: {  	v14 =	vld.idx.msk [tilespmem:v17+s13+$0x0], $0xffff  }
0x2b1: {  	v13 =	vld.idx.msk [tilespmem:v53+s13+$0x0], $0xffff  }
0x2b2: {  	v12 =	vld.idx.msk [tilespmem:v54+s13+$0x0], $0xffff  }
0x2b3: {  	v15 =	vld.idx.msk [tilespmem:v55+s13+$0x0], $0xffff  }
0x2b4: {  	s28 =	sadd.s32 $0xBC, s25  }
0x2b5: {  	v59 =	vadd.s32 s28, v1;
	v60 =	vadd.s32 s28, v11  }
0x2b6: {  	vm12 =	vgt.u32 v59, $0xC7;
	v56 =	vand.u32 $0x7F, v14;
	v14 =	vshll.u32 v14, $0x6  }
0x2b7: {  	v57 =	vshll.u32 v13, $0x6;
	v13 =	vand.u32 $0x7F, v13;
	v58 =	vshll.u32 v12, $0x6  }
0x2b8: {  	v12 =	vand.u32 $0x7F, v12;
	v61 =	vshll.u32 v15, $0x6;
	v15 =	vand.u32 $0x7F, v15  }
0x2b9: {  	v14 =	vand.u32 $0xFFFFE000, v14;
	v17 =	vand.u32 $0xFFFFE000, v57;
	v16 =	vand.u32 $0xFFFFE000, v58  }
0x2ba: {  	v62 =	vand.u32 $0xFFFFE000, v61;
	v14 =	vor.u32 v14, v56;
	v13 =	vor.u32 v17, v13  }
0x2bb: {  	v12 =	vor.u32 v16, v12;
	v16 =	vsel vm12, v60, v59;
	v14 =	vor.u32 v3, v14  }
0x2bc: {  	v15 =	vor.u32 v62, v15;
	v13 =	vor.u32 v8, v13;
	v63 =	vshll.u32 v16, $0x3  }
0x2bd: {  	v12 =	vor.u32 v9, v12;
	v16 =	vand.u32 $0x7F, v16;
	v21 =	vand.u32 $0xFFFFFC00, v63  }
0x2be: {  	v15 =	vor.u32 v10, v15;
	v16 =	vor.u32 v16, v21  }
0x2bf: {  	v17 =	vadd.s32 v2, v16  }
0x2c0: {  	v22 =	vadd.s32 v4, v16;
	[tilespmem:v14+s18+$0x0] =	vst.idx.add.f32.msk $0xffff, v7  }
0x2c1: {  	v23 =	vadd.s32 v5, v16;
	[tilespmem:v13+s18+$0x0] =	vst.idx.add.f32.msk $0xffff, v7  }
0x2c2: {  	v24 =	vadd.s32 v6, v16;
	[tilespmem:v12+s18+$0x0] =	vst.idx.add.f32.msk $0xffff, v7  }
0x2c3: {  	[tilespmem:v15+s18+$0x0] =	vst.idx.add.f32.msk $0xffff, v7  }
0x2c4: {  	v13 =	vld.idx.msk [tilespmem:v17+s13+$0x0], $0xffff  }
0x2c5: {  	v14 =	vld.idx.msk [tilespmem:v22+s13+$0x0], $0xffff  }
0x2c6: {  	v12 =	vld.idx.msk [tilespmem:v23+s13+$0x0], $0xffff  }
0x2c7: {  	s29 =	sadd.s32 $0xBD, s25;
	v15 =	vld.idx.msk [tilespmem:v24+s13+$0x0], $0xffff  }
0x2c8: {  	v28 =	vadd.s32 s29, v1  }
0x2c9: {  	vm13 =	vgt.u32 v28, $0xC7  }
0x2ca: {  	v29 =	vadd.s32 s29, v11;
	v25 =	vand.u32 $0x7F, v13;
	v13 =	vshll.u32 v13, $0x6  }
0x2cb: {  	v26 =	vshll.u32 v14, $0x6;
	v14 =	vand.u32 $0x7F, v14;
	v27 =	vshll.u32 v12, $0x6  }
0x2cc: {  	v12 =	vand.u32 $0x7F, v12;
	v30 =	vshll.u32 v15, $0x6;
	v15 =	vand.u32 $0x7F, v15  }
0x2cd: {  	v13 =	vand.u32 $0xFFFFE000, v13;
	v17 =	vand.u32 $0xFFFFE000, v26;
	v16 =	vand.u32 $0xFFFFE000, v27  }
0x2ce: {  	v31 =	vand.u32 $0xFFFFE000, v30;
	v13 =	vor.u32 v13, v25;
	v14 =	vor.u32 v17, v14  }
0x2cf: {  	v12 =	vor.u32 v16, v12;
	v16 =	vsel vm13, v29, v28;
	v13 =	vor.u32 v3, v13  }
0x2d0: {  	v15 =	vor.u32 v31, v15;
	v14 =	vor.u32 v8, v14;
	v32 =	vshll.u32 v16, $0x3  }
0x2d1: {  	v12 =	vor.u32 v9, v12;
	v16 =	vand.u32 $0x7F, v16;
	v33 =	vand.u32 $0xFFFFFC00, v32  }
0x2d2: {  	v15 =	vor.u32 v10, v15;
	v16 =	vor.u32 v16, v33  }
0x2d3: {  	v17 =	vadd.s32 v2, v16  }
0x2d4: {  	v34 =	vadd.s32 v4, v16;
	[tilespmem:v13+s18+$0x0] =	vst.idx.add.f32.msk $0xffff, v7  }
0x2d5: {  	v35 =	vadd.s32 v5, v16;
	[tilespmem:v14+s18+$0x0] =	vst.idx.add.f32.msk $0xffff, v7  }
0x2d6: {  	v36 =	vadd.s32 v6, v16;
	[tilespmem:v12+s18+$0x0] =	vst.idx.add.f32.msk $0xffff, v7  }
0x2d7: {  	[tilespmem:v15+s18+$0x0] =	vst.idx.add.f32.msk $0xffff, v7  }
0x2d8: {  	v14 =	vld.idx.msk [tilespmem:v17+s13+$0x0], $0xffff  }
0x2d9: {  	v13 =	vld.idx.msk [tilespmem:v34+s13+$0x0], $0xffff  }
0x2da: {  	v12 =	vld.idx.msk [tilespmem:v35+s13+$0x0], $0xffff  }
0x2db: {  	s30 =	sadd.s32 $0xBE, s25;
	v15 =	vld.idx.msk [tilespmem:v36+s13+$0x0], $0xffff  }
0x2dc: {  	v40 =	vadd.s32 s30, v1  }
0x2dd: {  	vm14 =	vgt.u32 v40, $0xC7  }
0x2de: {  	v41 =	vadd.s32 s30, v11;
	v37 =	vand.u32 $0x7F, v14;
	v14 =	vshll.u32 v14, $0x6  }
0x2df: {  	v38 =	vshll.u32 v13, $0x6;
	v13 =	vand.u32 $0x7F, v13;
	v39 =	vshll.u32 v12, $0x6  }
0x2e0: {  	v12 =	vand.u32 $0x7F, v12;
	v42 =	vshll.u32 v15, $0x6;
	v15 =	vand.u32 $0x7F, v15  }
0x2e1: {  	v14 =	vand.u32 $0xFFFFE000, v14;
	v17 =	vand.u32 $0xFFFFE000, v38;
	v16 =	vand.u32 $0xFFFFE000, v39  }
0x2e2: {  	v43 =	vand.u32 $0xFFFFE000, v42;
	v14 =	vor.u32 v14, v37;
	v13 =	vor.u32 v17, v13  }
0x2e3: {  	v12 =	vor.u32 v16, v12;
	v16 =	vsel vm14, v41, v40;
	v14 =	vor.u32 v3, v14  }
0x2e4: {  	v15 =	vor.u32 v43, v15;
	v13 =	vor.u32 v8, v13;
	v44 =	vshll.u32 v16, $0x3  }
0x2e5: {  	v12 =	vor.u32 v9, v12;
	v16 =	vand.u32 $0x7F, v16;
	v45 =	vand.u32 $0xFFFFFC00, v44  }
0x2e6: {  	v15 =	vor.u32 v10, v15;
	v16 =	vor.u32 v16, v45  }
0x2e7: {  	v17 =	vadd.s32 v2, v16  }
0x2e8: {  	v46 =	vadd.s32 v4, v16;
	[tilespmem:v14+s18+$0x0] =	vst.idx.add.f32.msk $0xffff, v7  }
0x2e9: {  	v47 =	vadd.s32 v5, v16;
	[tilespmem:v13+s18+$0x0] =	vst.idx.add.f32.msk $0xffff, v7  }
0x2ea: {  	v48 =	vadd.s32 v6, v16;
	[tilespmem:v12+s18+$0x0] =	vst.idx.add.f32.msk $0xffff, v7  }
0x2eb: {  	[tilespmem:v15+s18+$0x0] =	vst.idx.add.f32.msk $0xffff, v7  }
0x2ec: {  	v13 =	vld.idx.msk [tilespmem:v17+s13+$0x0], $0xffff  }
0x2ed: {  	v14 =	vld.idx.msk [tilespmem:v46+s13+$0x0], $0xffff  }
0x2ee: {  	v12 =	vld.idx.msk [tilespmem:v47+s13+$0x0], $0xffff  }
0x2ef: {  	s31 =	sadd.s32 $0xBF, s25;
	v15 =	vld.idx.msk [tilespmem:v48+s13+$0x0], $0xffff  }
0x2f0: {  	v52 =	vadd.s32 s31, v1  }
0x2f1: {  	vm15 =	vgt.u32 v52, $0xC7  }
0x2f2: {  	v53 =	vadd.s32 s31, v11;
	v49 =	vand.u32 $0x7F, v13;
	v13 =	vshll.u32 v13, $0x6  }
0x2f3: {  	v50 =	vshll.u32 v14, $0x6;
	v14 =	vand.u32 $0x7F, v14;
	v51 =	vand.u32 $0x7F, v12  }
0x2f4: {  	v12 =	vshll.u32 v12, $0x6;
	v54 =	vshll.u32 v15, $0x6;
	v15 =	vand.u32 $0x7F, v15  }
0x2f5: {  	v13 =	vand.u32 $0xFFFFE000, v13;
	v17 =	vand.u32 $0xFFFFE000, v50;
	v12 =	vand.u32 $0xFFFFE000, v12  }
0x2f6: {  	v16 =	vand.u32 $0xFFFFE000, v54;
	v13 =	vor.u32 v13, v49;
	v14 =	vor.u32 v17, v14  }
0x2f7: {  	v17 =	vsel vm15, v53, v52;
	v12 =	vor.u32 v12, v51;
	v13 =	vor.u32 v3, v13  }
0x2f8: {  	v15 =	vor.u32 v16, v15;
	v14 =	vor.u32 v8, v14;
	v55 =	vshll.u32 v17, $0x3  }
0x2f9: {  	v12 =	vor.u32 v9, v12;
	v17 =	vand.u32 $0x7F, v17;
	v16 =	vand.u32 $0xFFFFFC00, v55  }
0x2fa: {  	v15 =	vor.u32 v10, v15;
	v16 =	vor.u32 v17, v16  }
0x2fb: {  	v17 =	vadd.s32 v2, v16  }
0x2fc: {  	v56 =	vadd.s32 v4, v16;
	[tilespmem:v13+s18+$0x0] =	vst.idx.add.f32.msk $0xffff, v7  }
0x2fd: {  	v57 =	vadd.s32 v5, v16;
	[tilespmem:v14+s18+$0x0] =	vst.idx.add.f32.msk $0xffff, v7  }
0x2fe: {  	v58 =	vadd.s32 v6, v16;
	[tilespmem:v12+s18+$0x0] =	vst.idx.add.f32.msk $0xffff, v7  }
0x2ff: {  	[tilespmem:v15+s18+$0x0] =	vst.idx.add.f32.msk $0xffff, v7  }
0x300: {  	v14 =	vld.idx.msk [tilespmem:v17+s13+$0x0], $0xffff  }
0x301: {  	v13 =	vld.idx.msk [tilespmem:v56+s13+$0x0], $0xffff  }
0x302: {  	v12 =	vld.idx.msk [tilespmem:v57+s13+$0x0], $0xffff  }
0x303: {  	v15 =	vld.idx.msk [tilespmem:v58+s13+$0x0], $0xffff;
	_ =	sdelay $0x2  }
0x304: {  	v59 =	vshll.u32 v14, $0x6;
	v14 =	vand.u32 $0x7F, v14  }
0x305: {  	v60 =	vshll.u32 v13, $0x6;
	v13 =	vand.u32 $0x7F, v13;
	v61 =	vshll.u32 v12, $0x6  }
0x306: {  	v12 =	vand.u32 $0x7F, v12;
	v63 =	vshll.u32 v15, $0x6;
	v16 =	vand.u32 $0xFFFFE000, v59  }
0x307: {  	v15 =	vand.u32 $0x7F, v15;
	v14 =	vor.u32 v16, v14;
	v16 =	vand.u32 $0xFFFFE000, v60  }
0x308: {  	v62 =	vand.u32 $0xFFFFE000, v61;
	v13 =	vor.u32 v16, v13;
	v14 =	vor.u32 v3, v14  }
0x309: {  	v12 =	vor.u32 v62, v12;
	v16 =	vand.u32 $0xFFFFE000, v63;
	v13 =	vor.u32 v8, v13  }
0x30a: {  	v12 =	vor.u32 v9, v12;
	v15 =	vor.u32 v16, v15  }
0x30b: {  	p2 =	por p0, p0;
	v15 =	vor.u32 v10, v15  }
.Ltmp5:
0x30c: {  	_ = 	snop;
	(pc) =	sbr.rel @p2 .LBB2_13-.Ltmp5, $4  }
0x30d: {  	[tilespmem:v14+s18+$0x0] =	vst.idx.add.f32.msk $0xffff, v7  }
0x30e: {  	[tilespmem:v13+s18+$0x0] =	vst.idx.add.f32.msk $0xffff, v7  }
0x30f: {  	[tilespmem:v12+s18+$0x0] =	vst.idx.add.f32.msk $0xffff, v7  }
0x310: {  	p0 =	por $0x0, $0x0;
	s25 =	simm.s32 $0x8;
	[tilespmem:v15+s18+$0x0] =	vst.idx.add.f32.msk $0xffff, v7  }
0x311: {  	s25 =	sadd.s32 @!p1 s24, s11;
	s30 =	sor.u32 s24, s4;
	s26 =	simm.s32 @!p1 $0x0  }
0x312: {  	s28 =	simm.s32 @!p1 $0x4000;
	s23 =	sadd.s32 $0x1, s23;
	s25 =	sshll.u32 @!p1 s25, $0x5  }
0x313: {  	s24 =	sshll.u32 s30, $0x4;
	p0 =	sne.s32 s23, $0x4;
	s25 =	sadd.s32 @!p1 s5, s25  }
0x314: {  	[tilespmem:s28], [sflag:$0x2] =	stream.linear.gather @!p1 [hbm4b:s25+s26], $0x4000, $0x38;
	[tilespmem:$0x10000] =	vst v63  }
.Ltmp6:
0x315: {  	s24 =	sor.u32 $0x400, s24;
	(pc) =	sbr.rel @p0 .LBB2_2-.Ltmp6, $4  }
0x316: {  	s31 =	sadd.s32 s1, s24  }
0x317: {  	[hbm4b:s31+s3] =	stream.linear.scatter [tilespmem:s18], [sflag:$0x4], $0x2000, $0x38;
	[tilespmem:$0x10000] =	vst v63  }
0x318: {  	s24 =	sadd.s32 s6, s24  }
0x319: {  	[hbm4b:s24+s3] =	stream.linear.scatter [tilespmem:s19], [sflag:$0x4], $0x2000, $0x38;
	[tilespmem:$0x10000] =	vst v63  }
0x31a: {  	_ =	swait.ge [sflag:s20], $0x2000  }
0x31b: {  	[sflag:s20] =	ssyncset.done $0x0  }
0x31c: {  	[sflag:s20] =	ssyncadd.s32 $0xFFFFE000  }
0x31d: {  	_ =	swait.ge [sflag:s20], $0x2000  }
0x31e: {  	[sflag:s20] =	ssyncset.done $0x0  }
0x31f: {  	s22 =	sadd.s32 $0x1, s22;
	[sflag:s20] =	ssyncadd.s32 $0xFFFFE000  }
0x320: {  	p0 =	sne.s32 s22, s12;
	_ =	swait.ge [sflag:s21], $0x2000  }
.Ltmp7:
0x321: {  	[sflag:s21] =	ssyncset.done $0x0;
	(pc) =	sbr.rel @p0 .LBB2_1-.Ltmp7, $4  }
0x322: {  	[sflag:s21] =	ssyncadd.s32 $0xFFFFE000  }
0x323: {  	_ =	swait.ge [sflag:s21], $0x2000  }
0x324: {  	[sflag:s21] =	ssyncset.done $0x0  }
0x325: {  	[sflag:s21] =	ssyncadd.s32 $0xFFFFE000  }
0x326: {  	_ =	sfence.sel $0x180000  }
0x327: {  	[bflag:$0x0] =	sbarrier.arrive $0xFFFF  }
0x328: {  	p0 =	sne.s32 s2, $0x0;
	_ =	strace $0x90000047  }
0x329: {  	s0 =	sadd.s32 @!p0 $0x100000, s0;
	[bflag:$0x2] =	sbarrier.arrive $0xFFFF  }
0x32a: {  	[sflag:s0] =	ssyncadd.tile.s32 @!p0 $0x1;
	_ =	shalt  }
.Lfunc_end2:
_tile_overlayer_lowered:
.L_overlay_start_2:
0x32b: {  	(tag) =	ssettag $0x2  }
0x32c: {  	s0 =	rddreg [dreg:$0x0];
	s2 =	stileid.u32  }
0x32d: {  	s1 =	rddreg [dreg:$0x1];
	p0 =	sne.s32 s2, $0x0  }
0x32e: {  	s3 =	rddreg [dreg:$0x2];
	[bflag:$0x3] =	sbarrier.arrive $0xFFFF;
	s2 =	simm.s32 @!p0 $0x1C05  }
0x32f: {  	[timem:s3], [sflag:s2] =	dma.local @!p0 [hbm:s0], s1  }
0x330: {  	s0 =	simm.s32 @!p0 $0x5  }
0x331: {  	_ =	swait.ge @!p0 [sflag:s0], s1  }
0x332: {  	s1 =	ssub.s32 @!p0 $0x0, s1;
	[sflag:s0] =	ssyncset.done @!p0 $0x0  }
0x333: {  	[sflag:s0] =	ssyncadd.s32 @!p0 s1  }
0x334: {  	[bflag:$0x3] =	sbarrier.arrive $0xFFFF  }
0x335: {  	_ =	shalt  }

</sc_bundles>
